<compile_context>
chip_gen: v7x
topology: tpu7x:2x2x1
jax: 0.10.2.dev20260603
libtpu: 0.0.44.dev20260713+nightly
codegen_flags: <defaults>
</compile_context>

<pallas_src>
import jax
import jax.numpy as jnp
from jax import lax
from jax.experimental import pallas as pl
from jax.experimental.pallas import tpu as pltpu
from jax.experimental.pallas import tpu_sc as plsc

VOCAB = 100000
EMBED_DIM = 300
BATCH = 16384

_NUM_CORES = 2
_NUM_SUBCORES = 16
_NUM_WORKERS = _NUM_CORES * _NUM_SUBCORES
_B_PER_W = BATCH // _NUM_WORKERS
_CHUNK = 128
_NCHUNK = _B_PER_W // _CHUNK
_NBUF = 2
_BODY = 256
_TAIL = EMBED_DIM - _BODY

_mesh = plsc.VectorSubcoreMesh(
    core_axis_name="c", subcore_axis_name="s", num_cores=_NUM_CORES
)


def _sc_gather_body(
    idx_hbm, table_hbm, out_hbm, idx_v, bufs, tbufs, gsems, wsems, tsems, twsems
):
    wid = lax.axis_index("s") * _NUM_CORES + lax.axis_index("c")
    base = wid * _B_PER_W
    pltpu.sync_copy(idx_hbm.at[wid], idx_v)

    def gather(c):
        b = c % _NBUF
        pltpu.async_copy(
            table_hbm.at[idx_v.at[c], pl.ds(0, _BODY)], bufs[b], gsems[b]
        )

    def gather_wait(c):
        b = c % _NBUF
        pltpu.make_async_copy(
            table_hbm.at[idx_v.at[c], pl.ds(0, _BODY)], bufs[b], gsems[b]
        ).wait()

    def write(c):
        b = c % _NBUF
        pltpu.async_copy(
            bufs[b],
            out_hbm.at[pl.ds(base + c * _CHUNK, _CHUNK), pl.ds(0, _BODY)],
            wsems[b],
        )

    def write_wait(c):
        b = c % _NBUF
        pltpu.make_async_copy(
            bufs[b],
            out_hbm.at[pl.ds(base + c * _CHUNK, _CHUNK), pl.ds(0, _BODY)],
            wsems[b],
        ).wait()

    def tail_chunk(c):
        b = c % _NBUF

        def group(g, _):
            vec = idx_v[c, pl.ds(g * 16, 16)]
            for j in range(16):
                k = g * 16 + j
                pltpu.async_copy(
                    table_hbm.at[pl.ds(vec[j], 1), pl.ds(_BODY, _TAIL)],
                    tbufs[b].at[pl.ds(k, 1)],
                    tsems[b],
                )
            return _

        lax.fori_loop(0, _CHUNK // 16, group, 0)

    def tail_wait(c):
        b = c % _NBUF
        pltpu.make_async_copy(
            table_hbm.at[pl.ds(0, _CHUNK), pl.ds(_BODY, _TAIL)],
            tbufs[b],
            tsems[b],
        ).wait()

    def tail_write(c):
        b = c % _NBUF
        pltpu.async_copy(
            tbufs[b],
            out_hbm.at[pl.ds(base + c * _CHUNK, _CHUNK), pl.ds(_BODY, _TAIL)],
            twsems[b],
        )

    def tail_write_wait(c):
        b = c % _NBUF
        pltpu.make_async_copy(
            tbufs[b],
            out_hbm.at[pl.ds(base + c * _CHUNK, _CHUNK), pl.ds(_BODY, _TAIL)],
            twsems[b],
        ).wait()

    for c in range(min(_NBUF, _NCHUNK)):
        gather(c)
        tail_chunk(c)
    for c in range(_NCHUNK):
        gather_wait(c)
        write(c)
        tail_wait(c)
        tail_write(c)
        nxt = c + _NBUF
        if nxt < _NCHUNK:
            write_wait(c)
            gather(nxt)
            tail_write_wait(c)
            tail_chunk(nxt)
    for c in range(max(0, _NCHUNK - _NBUF), _NCHUNK):
        write_wait(c)
        tail_write_wait(c)


def _make_sc_gather(interpret=False):
    return pl.kernel(
        _sc_gather_body,
        mesh=_mesh,
        out_type=jax.ShapeDtypeStruct((BATCH, EMBED_DIM), jnp.float32),
        scratch_types=[
            pltpu.VMEM((_NCHUNK, _CHUNK), jnp.int32),
            tuple(
                pltpu.VMEM((_CHUNK, _BODY), jnp.float32) for _ in range(_NBUF)
            ),
            tuple(
                pltpu.VMEM((_CHUNK, _TAIL), jnp.float32) for _ in range(_NBUF)
            ),
            tuple(pltpu.SemaphoreType.DMA for _ in range(_NBUF)),
            tuple(pltpu.SemaphoreType.DMA for _ in range(_NBUF)),
            tuple(pltpu.SemaphoreType.DMA for _ in range(_NBUF)),
            tuple(pltpu.SemaphoreType.DMA for _ in range(_NBUF)),
        ],
        interpret=interpret,
    )


_sc_gather = _make_sc_gather()


def kernel(news_ids, table):
    idx = news_ids.astype(jnp.int32).reshape(_NUM_WORKERS, _NCHUNK, _CHUNK)
    return _sc_gather(idx, table)

# --- scband reference (transcript-rebuilt; emitter-appended) ---
"""Pipeline reference for scband-custom-news-encoder-49838800503591 (READ-ONLY COPY).

The authoritative reference and input builder live on the scoring server;
editing this copy changes nothing except your own understanding.
"""

import jax, jax.numpy as jnp
import numpy as np

VOCAB = 100000
EMBED_DIM = 300
BATCH = 16384


def setup_inputs(seed: int = 0) -> dict:
    key = jax.random.key(seed)
    k1, k2 = jax.random.split(key)
    # The original module loads a dict of pretrained news embeddings and stacks
    # them into a frozen nn.Embedding table. We materialize that table directly.
    table = jax.random.normal(k1, (VOCAB, EMBED_DIM), dtype=jnp.float32)
    # String news_ids are mapped to integer indices via news_id_to_index; we
    # model the post-mapping integer indices directly.
    news_ids = jax.random.randint(k2, (BATCH,), 0, VOCAB, dtype=jnp.int64)
    return {"news_ids": news_ids, "table": table}


def reference(news_ids, table):
    # indices = torch.tensor([...]); embeddings = self.embedding(indices)
    embeddings = jnp.take(table, news_ids, axis=0)
    assert embeddings.shape[-1] == EMBED_DIM
    return embeddings

if __name__ == "__main__":
    import jax
    _d = setup_inputs()
    print(jax.jit(kernel)(*tuple(_d.values())))

</pallas_src>

<mosaic_0001>
#map = affine_map<(d0, d1) -> (0, 0, 0)>
#map1 = affine_map<(d0, d1) -> (0, 0)>
module attributes {stable_mosaic.version = 14 : i64} {
  func.func @_sc_gather_body(%arg0: i32, %arg1: i32, %arg2: memref<32x4x128xi32, #tpu.memory_space<hbm>>, %arg3: memref<100000x300xf32, #tpu.memory_space<hbm>>, %arg4: memref<16384x300xf32, #tpu.memory_space<hbm>>, %arg5: memref<4x128xi32, #tpu.memory_space<vmem>>, %arg6: memref<128x256xf32, #tpu.memory_space<vmem>>, %arg7: memref<128x256xf32, #tpu.memory_space<vmem>>, %arg8: memref<128x44xf32, #tpu.memory_space<vmem>>, %arg9: memref<128x44xf32, #tpu.memory_space<vmem>>, %arg10: memref<!tpu.dma_semaphore, #tpu.memory_space<semaphore_mem>>, %arg11: memref<!tpu.dma_semaphore, #tpu.memory_space<semaphore_mem>>, %arg12: memref<!tpu.dma_semaphore, #tpu.memory_space<semaphore_mem>>, %arg13: memref<!tpu.dma_semaphore, #tpu.memory_space<semaphore_mem>>, %arg14: memref<!tpu.dma_semaphore, #tpu.memory_space<semaphore_mem>>, %arg15: memref<!tpu.dma_semaphore, #tpu.memory_space<semaphore_mem>>, %arg16: memref<!tpu.dma_semaphore, #tpu.memory_space<semaphore_mem>>, %arg17: memref<!tpu.dma_semaphore, #tpu.memory_space<semaphore_mem>>) attributes {dimension_semantics = [#tpu.dimension_semantics<core_parallel>, #tpu.dimension_semantics<subcore_parallel>], iteration_bounds = array<i64: 2, 16>, scalar_prefetch = 0 : i64, scratch_operands = 13 : i64, tpu.core_type = #tpu.core_type<sc_vector_subcore>, window_params = [{transform_indices = #map}, {transform_indices = #map1}, {transform_indices = #map1}]} {
    %mul3A = arith.constant 2 : i32
    %mul3A_0 = arith.muli %arg1, %mul3A : i32
    %add3A = arith.addi %mul3A_0, %arg0 : i32
    %mul3A_1 = arith.constant 512 : i32
    %mul3A_2 = arith.muli %add3A, %mul3A_1 : i32
    "tpu.region"() ({
      %run_scoped3A = tpu.sem_alloc : memref<!tpu.dma_semaphore, #tpu.memory_space<semaphore_mem>>
      %dma_start3A_200 = arith.constant 0 : i32
      %dma_start3A_201 = arith.constant 0 : i32
      %dma_start3A_202 = tpu.memref_slice %arg2[%add3A, %dma_start3A_200, %dma_start3A_201] : memref<32x4x128xi32, #tpu.memory_space<hbm>> -> memref<1x4x128xi32, #tpu.memory_space<hbm>>
      %dma_start3A_203 = tpu.memref_squeeze %dma_start3A_202 : memref<1x4x128xi32, #tpu.memory_space<hbm>> -> memref<4x128xi32, #tpu.memory_space<hbm>>
      %dma_start3A_204 = arith.constant 0 : i32
      %dma_start3A_205 = arith.constant 0 : i32
      %dma_start3A_206 = tpu.memref_slice %arg2[%add3A, %dma_start3A_204, %dma_start3A_205] : memref<32x4x128xi32, #tpu.memory_space<hbm>> -> memref<1x4x128xi32, #tpu.memory_space<hbm>>
      %dma_start3A_207 = tpu.memref_squeeze %dma_start3A_206 : memref<1x4x128xi32, #tpu.memory_space<hbm>> -> memref<4x128xi32, #tpu.memory_space<hbm>>
      tpu.enqueue_dma source(%dma_start3A_207 : memref<4x128xi32, #tpu.memory_space<hbm>>) target(%arg5 : memref<4x128xi32, #tpu.memory_space<vmem>>) target_semaphore(%run_scoped3A : memref<!tpu.dma_semaphore, #tpu.memory_space<semaphore_mem>>)
      %dma_wait3A_208 = arith.constant 0 : i32
      %dma_wait3A_209 = arith.constant 0 : i32
      %dma_wait3A_210 = tpu.memref_slice %arg2[%add3A, %dma_wait3A_208, %dma_wait3A_209] : memref<32x4x128xi32, #tpu.memory_space<hbm>> -> memref<1x4x128xi32, #tpu.memory_space<hbm>>
      %dma_wait3A_211 = tpu.memref_squeeze %dma_wait3A_210 : memref<1x4x128xi32, #tpu.memory_space<hbm>> -> memref<4x128xi32, #tpu.memory_space<hbm>>
      %dma_wait3A_212 = arith.constant 0 : i32
      %dma_wait3A_213 = arith.constant 0 : i32
      %dma_wait3A_214 = tpu.memref_slice %arg2[%add3A, %dma_wait3A_212, %dma_wait3A_213] : memref<32x4x128xi32, #tpu.memory_space<hbm>> -> memref<1x4x128xi32, #tpu.memory_space<hbm>>
      %dma_wait3A_215 = tpu.memref_squeeze %dma_wait3A_214 : memref<1x4x128xi32, #tpu.memory_space<hbm>> -> memref<4x128xi32, #tpu.memory_space<hbm>>
      tpu.wait_dma2 semaphore(%run_scoped3A : memref<!tpu.dma_semaphore, #tpu.memory_space<semaphore_mem>>) src(%dma_wait3A_215 : memref<4x128xi32, #tpu.memory_space<hbm>>) dst(%arg5 : memref<4x128xi32, #tpu.memory_space<vmem>>)
      tpu.yield
    }) : () -> ()
    %dma_start3A = arith.constant 0 : i32
    %dma_start3A_3 = arith.constant 0 : i32
    %dma_start3A_4 = tpu.memref_slice %arg5[%dma_start3A, %dma_start3A_3] : memref<4x128xi32, #tpu.memory_space<vmem>> -> memref<1x128xi32, #tpu.memory_space<vmem>>
    %dma_start3A_5 = tpu.memref_squeeze %dma_start3A_4 : memref<1x128xi32, #tpu.memory_space<vmem>> -> memref<128xi32, #tpu.memory_space<vmem>>
    %dma_start3A_6 = arith.constant 0 : i32
    %dma_start3A_7 = arith.constant 0 : i32
    %dma_start3A_8 = tpu.memref_slice %arg3[%dma_start3A_6, %dma_start3A_7] : memref<100000x300xf32, #tpu.memory_space<hbm>> -> memref<100000x256xf32, #tpu.memory_space<hbm>>
    tpu.enqueue_indirect_dma source(%dma_start3A_8 : memref<100000x256xf32, #tpu.memory_space<hbm>>) target(%arg6 : memref<128x256xf32, #tpu.memory_space<vmem>>) offsets(%dma_start3A_5 : memref<128xi32, #tpu.memory_space<vmem>>) semaphore(%arg10 : memref<!tpu.dma_semaphore, #tpu.memory_space<semaphore_mem>>)
    %scan3A = arith.constant 0 : i32
    %scan3A_9 = arith.constant 0 : i32
    %scan3A_10 = arith.constant 8 : i32
    %scan3A_11 = arith.addi %scan3A_9, %scan3A_10 : i32
    %scan3A_12 = arith.constant 1 : i32
    scf.for %scan3A_200 = %scan3A_9 to %scan3A_11 step %scan3A_12  : i32 {
      %mul3A_201 = arith.constant 16 : i32
      %mul3A_202 = arith.muli %scan3A_200, %mul3A_201 : i32
      %get3A = arith.constant 0 : i32
      %get3A_203 = arith.index_cast %get3A : i32 to index
      %get3A_204 = arith.index_cast %mul3A_202 : i32 to index
      %get3A_205 = tpu.vector_load %arg5[%get3A_203, %get3A_204] {strides = array<i32>} : memref<4x128xi32, #tpu.memory_space<vmem>>, vector<1x16xi32>,
      %get3A_206 = vector.shape_cast %get3A_205 : vector<1x16xi32> to vector<16xi32>
      %mul3A_207 = arith.constant 16 : i32
      %mul3A_208 = arith.muli %scan3A_200, %mul3A_207 : i32
      %add3A_209 = arith.constant 0 : i32
      %add3A_210 = arith.addi %mul3A_208, %add3A_209 : i32
      %slice3A = vector.extract_strided_slice %get3A_206 {offsets = [0], sizes = [1], strides = [1]} : vector<16xi32> to vector<1xi32>
      %squeeze3A = vector.extract %slice3A[0] : i32 from vector<1xi32>
      %dma_start3A_211 = arith.constant 0 : i32
      %dma_start3A_212 = tpu.memref_slice %arg8[%add3A_210, %dma_start3A_211] : memref<128x44xf32, #tpu.memory_space<vmem>> -> memref<1x44xf32, #tpu.memory_space<vmem>>
      %dma_start3A_213 = arith.constant 256 : i32
      %dma_start3A_214 = tpu.memref_slice %arg3[%squeeze3A, %dma_start3A_213] : memref<100000x300xf32, #tpu.memory_space<hbm>> -> memref<1x44xf32, #tpu.memory_space<hbm>>
      %dma_start3A_215 = arith.constant 0 : i32
      %dma_start3A_216 = tpu.memref_slice %arg8[%add3A_210, %dma_start3A_215] : memref<128x44xf32, #tpu.memory_space<vmem>> -> memref<1x44xf32, #tpu.memory_space<vmem>>
      %dma_start3A_217 = arith.constant 256 : i32
      %dma_start3A_218 = tpu.memref_slice %arg3[%squeeze3A, %dma_start3A_217] : memref<100000x300xf32, #tpu.memory_space<hbm>> -> memref<1x44xf32, #tpu.memory_space<hbm>>
      tpu.enqueue_dma source(%dma_start3A_218 : memref<1x44xf32, #tpu.memory_space<hbm>>) target(%dma_start3A_216 : memref<1x44xf32, #tpu.memory_space<vmem>>) target_semaphore(%arg14 : memref<!tpu.dma_semaphore, #tpu.memory_space<semaphore_mem>>)
      %mul3A_219 = arith.constant 16 : i32
      %mul3A_220 = arith.muli %scan3A_200, %mul3A_219 : i32
      %add3A_221 = arith.constant 1 : i32
      %add3A_222 = arith.addi %mul3A_220, %add3A_221 : i32
      %slice3A_223 = vector.extract_strided_slice %get3A_206 {offsets = [1], sizes = [1], strides = [1]} : vector<16xi32> to vector<1xi32>
      %squeeze3A_224 = vector.extract %slice3A_223[0] : i32 from vector<1xi32>
      %dma_start3A_225 = arith.constant 0 : i32
      %dma_start3A_226 = tpu.memref_slice %arg8[%add3A_222, %dma_start3A_225] : memref<128x44xf32, #tpu.memory_space<vmem>> -> memref<1x44xf32, #tpu.memory_space<vmem>>
      %dma_start3A_227 = arith.constant 256 : i32
      %dma_start3A_228 = tpu.memref_slice %arg3[%squeeze3A_224, %dma_start3A_227] : memref<100000x300xf32, #tpu.memory_space<hbm>> -> memref<1x44xf32, #tpu.memory_space<hbm>>
      %dma_start3A_229 = arith.constant 0 : i32
      %dma_start3A_230 = tpu.memref_slice %arg8[%add3A_222, %dma_start3A_229] : memref<128x44xf32, #tpu.memory_space<vmem>> -> memref<1x44xf32, #tpu.memory_space<vmem>>
      %dma_start3A_231 = arith.constant 256 : i32
      %dma_start3A_232 = tpu.memref_slice %arg3[%squeeze3A_224, %dma_start3A_231] : memref<100000x300xf32, #tpu.memory_space<hbm>> -> memref<1x44xf32, #tpu.memory_space<hbm>>
      tpu.enqueue_dma source(%dma_start3A_232 : memref<1x44xf32, #tpu.memory_space<hbm>>) target(%dma_start3A_230 : memref<1x44xf32, #tpu.memory_space<vmem>>) target_semaphore(%arg14 : memref<!tpu.dma_semaphore, #tpu.memory_space<semaphore_mem>>)
      %mul3A_233 = arith.constant 16 : i32
      %mul3A_234 = arith.muli %scan3A_200, %mul3A_233 : i32
      %add3A_235 = arith.constant 2 : i32
      %add3A_236 = arith.addi %mul3A_234, %add3A_235 : i32
      %slice3A_237 = vector.extract_strided_slice %get3A_206 {offsets = [2], sizes = [1], strides = [1]} : vector<16xi32> to vector<1xi32>
      %squeeze3A_238 = vector.extract %slice3A_237[0] : i32 from vector<1xi32>
      %dma_start3A_239 = arith.constant 0 : i32
      %dma_start3A_240 = tpu.memref_slice %arg8[%add3A_236, %dma_start3A_239] : memref<128x44xf32, #tpu.memory_space<vmem>> -> memref<1x44xf32, #tpu.memory_space<vmem>>
      %dma_start3A_241 = arith.constant 256 : i32
      %dma_start3A_242 = tpu.memref_slice %arg3[%squeeze3A_238, %dma_start3A_241] : memref<100000x300xf32, #tpu.memory_space<hbm>> -> memref<1x44xf32, #tpu.memory_space<hbm>>
      %dma_start3A_243 = arith.constant 0 : i32
      %dma_start3A_244 = tpu.memref_slice %arg8[%add3A_236, %dma_start3A_243] : memref<128x44xf32, #tpu.memory_space<vmem>> -> memref<1x44xf32, #tpu.memory_space<vmem>>
      %dma_start3A_245 = arith.constant 256 : i32
      %dma_start3A_246 = tpu.memref_slice %arg3[%squeeze3A_238, %dma_start3A_245] : memref<100000x300xf32, #tpu.memory_space<hbm>> -> memref<1x44xf32, #tpu.memory_space<hbm>>
      tpu.enqueue_dma source(%dma_start3A_246 : memref<1x44xf32, #tpu.memory_space<hbm>>) target(%dma_start3A_244 : memref<1x44xf32, #tpu.memory_space<vmem>>) target_semaphore(%arg14 : memref<!tpu.dma_semaphore, #tpu.memory_space<semaphore_mem>>)
      %mul3A_247 = arith.constant 16 : i32
      %mul3A_248 = arith.muli %scan3A_200, %mul3A_247 : i32
      %add3A_249 = arith.constant 3 : i32
      %add3A_250 = arith.addi %mul3A_248, %add3A_249 : i32
      %slice3A_251 = vector.extract_strided_slice %get3A_206 {offsets = [3], sizes = [1], strides = [1]} : vector<16xi32> to vector<1xi32>
      %squeeze3A_252 = vector.extract %slice3A_251[0] : i32 from vector<1xi32>
      %dma_start3A_253 = arith.constant 0 : i32
      %dma_start3A_254 = tpu.memref_slice %arg8[%add3A_250, %dma_start3A_253] : memref<128x44xf32, #tpu.memory_space<vmem>> -> memref<1x44xf32, #tpu.memory_space<vmem>>
      %dma_start3A_255 = arith.constant 256 : i32
      %dma_start3A_256 = tpu.memref_slice %arg3[%squeeze3A_252, %dma_start3A_255] : memref<100000x300xf32, #tpu.memory_space<hbm>> -> memref<1x44xf32, #tpu.memory_space<hbm>>
      %dma_start3A_257 = arith.constant 0 : i32
      %dma_start3A_258 = tpu.memref_slice %arg8[%add3A_250, %dma_start3A_257] : memref<128x44xf32, #tpu.memory_space<vmem>> -> memref<1x44xf32, #tpu.memory_space<vmem>>
      %dma_start3A_259 = arith.constant 256 : i32
      %dma_start3A_260 = tpu.memref_slice %arg3[%squeeze3A_252, %dma_start3A_259] : memref<100000x300xf32, #tpu.memory_space<hbm>> -> memref<1x44xf32, #tpu.memory_space<hbm>>
      tpu.enqueue_dma source(%dma_start3A_260 : memref<1x44xf32, #tpu.memory_space<hbm>>) target(%dma_start3A_258 : memref<1x44xf32, #tpu.memory_space<vmem>>) target_semaphore(%arg14 : memref<!tpu.dma_semaphore, #tpu.memory_space<semaphore_mem>>)
      %mul3A_261 = arith.constant 16 : i32
      %mul3A_262 = arith.muli %scan3A_200, %mul3A_261 : i32
      %add3A_263 = arith.constant 4 : i32
      %add3A_264 = arith.addi %mul3A_262, %add3A_263 : i32
      %slice3A_265 = vector.extract_strided_slice %get3A_206 {offsets = [4], sizes = [1], strides = [1]} : vector<16xi32> to vector<1xi32>
      %squeeze3A_266 = vector.extract %slice3A_265[0] : i32 from vector<1xi32>
      %dma_start3A_267 = arith.constant 0 : i32
      %dma_start3A_268 = tpu.memref_slice %arg8[%add3A_264, %dma_start3A_267] : memref<128x44xf32, #tpu.memory_space<vmem>> -> memref<1x44xf32, #tpu.memory_space<vmem>>
      %dma_start3A_269 = arith.constant 256 : i32
      %dma_start3A_270 = tpu.memref_slice %arg3[%squeeze3A_266, %dma_start3A_269] : memref<100000x300xf32, #tpu.memory_space<hbm>> -> memref<1x44xf32, #tpu.memory_space<hbm>>
      %dma_start3A_271 = arith.constant 0 : i32
      %dma_start3A_272 = tpu.memref_slice %arg8[%add3A_264, %dma_start3A_271] : memref<128x44xf32, #tpu.memory_space<vmem>> -> memref<1x44xf32, #tpu.memory_space<vmem>>
      %dma_start3A_273 = arith.constant 256 : i32
      %dma_start3A_274 = tpu.memref_slice %arg3[%squeeze3A_266, %dma_start3A_273] : memref<100000x300xf32, #tpu.memory_space<hbm>> -> memref<1x44xf32, #tpu.memory_space<hbm>>
      tpu.enqueue_dma source(%dma_start3A_274 : memref<1x44xf32, #tpu.memory_space<hbm>>) target(%dma_start3A_272 : memref<1x44xf32, #tpu.memory_space<vmem>>) target_semaphore(%arg14 : memref<!tpu.dma_semaphore, #tpu.memory_space<semaphore_mem>>)
      %mul3A_275 = arith.constant 16 : i32
      %mul3A_276 = arith.muli %scan3A_200, %mul3A_275 : i32
      %add3A_277 = arith.constant 5 : i32
      %add3A_278 = arith.addi %mul3A_276, %add3A_277 : i32
      %slice3A_279 = vector.extract_strided_slice %get3A_206 {offsets = [5], sizes = [1], strides = [1]} : vector<16xi32> to vector<1xi32>
      %squeeze3A_280 = vector.extract %slice3A_279[0] : i32 from vector<1xi32>
      %dma_start3A_281 = arith.constant 0 : i32
      %dma_start3A_282 = tpu.memref_slice %arg8[%add3A_278, %dma_start3A_281] : memref<128x44xf32, #tpu.memory_space<vmem>> -> memref<1x44xf32, #tpu.memory_space<vmem>>
      %dma_start3A_283 = arith.constant 256 : i32
      %dma_start3A_284 = tpu.memref_slice %arg3[%squeeze3A_280, %dma_start3A_283] : memref<100000x300xf32, #tpu.memory_space<hbm>> -> memref<1x44xf32, #tpu.memory_space<hbm>>
      %dma_start3A_285 = arith.constant 0 : i32
      %dma_start3A_286 = tpu.memref_slice %arg8[%add3A_278, %dma_start3A_285] : memref<128x44xf32, #tpu.memory_space<vmem>> -> memref<1x44xf32, #tpu.memory_space<vmem>>
      %dma_start3A_287 = arith.constant 256 : i32
      %dma_start3A_288 = tpu.memref_slice %arg3[%squeeze3A_280, %dma_start3A_287] : memref<100000x300xf32, #tpu.memory_space<hbm>> -> memref<1x44xf32, #tpu.memory_space<hbm>>
      tpu.enqueue_dma source(%dma_start3A_288 : memref<1x44xf32, #tpu.memory_space<hbm>>) target(%dma_start3A_286 : memref<1x44xf32, #tpu.memory_space<vmem>>) target_semaphore(%arg14 : memref<!tpu.dma_semaphore, #tpu.memory_space<semaphore_mem>>)
      %mul3A_289 = arith.constant 16 : i32
      %mul3A_290 = arith.muli %scan3A_200, %mul3A_289 : i32
      %add3A_291 = arith.constant 6 : i32
      %add3A_292 = arith.addi %mul3A_290, %add3A_291 : i32
      %slice3A_293 = vector.extract_strided_slice %get3A_206 {offsets = [6], sizes = [1], strides = [1]} : vector<16xi32> to vector<1xi32>
      %squeeze3A_294 = vector.extract %slice3A_293[0] : i32 from vector<1xi32>
      %dma_start3A_295 = arith.constant 0 : i32
      %dma_start3A_296 = tpu.memref_slice %arg8[%add3A_292, %dma_start3A_295] : memref<128x44xf32, #tpu.memory_space<vmem>> -> memref<1x44xf32, #tpu.memory_space<vmem>>
      %dma_start3A_297 = arith.constant 256 : i32
      %dma_start3A_298 = tpu.memref_slice %arg3[%squeeze3A_294, %dma_start3A_297] : memref<100000x300xf32, #tpu.memory_space<hbm>> -> memref<1x44xf32, #tpu.memory_space<hbm>>
      %dma_start3A_299 = arith.constant 0 : i32
      %dma_start3A_300 = tpu.memref_slice %arg8[%add3A_292, %dma_start3A_299] : memref<128x44xf32, #tpu.memory_space<vmem>> -> memref<1x44xf32, #tpu.memory_space<vmem>>
      %dma_start3A_301 = arith.constant 256 : i32
      %dma_start3A_302 = tpu.memref_slice %arg3[%squeeze3A_294, %dma_start3A_301] : memref<100000x300xf32, #tpu.memory_space<hbm>> -> memref<1x44xf32, #tpu.memory_space<hbm>>
      tpu.enqueue_dma source(%dma_start3A_302 : memref<1x44xf32, #tpu.memory_space<hbm>>) target(%dma_start3A_300 : memref<1x44xf32, #tpu.memory_space<vmem>>) target_semaphore(%arg14 : memref<!tpu.dma_semaphore, #tpu.memory_space<semaphore_mem>>)
      %mul3A_303 = arith.constant 16 : i32
      %mul3A_304 = arith.muli %scan3A_200, %mul3A_303 : i32
      %add3A_305 = arith.constant 7 : i32
      %add3A_306 = arith.addi %mul3A_304, %add3A_305 : i32
      %slice3A_307 = vector.extract_strided_slice %get3A_206 {offsets = [7], sizes = [1], strides = [1]} : vector<16xi32> to vector<1xi32>
      %squeeze3A_308 = vector.extract %slice3A_307[0] : i32 from vector<1xi32>
      %dma_start3A_309 = arith.constant 0 : i32
      %dma_start3A_310 = tpu.memref_slice %arg8[%add3A_306, %dma_start3A_309] : memref<128x44xf32, #tpu.memory_space<vmem>> -> memref<1x44xf32, #tpu.memory_space<vmem>>
      %dma_start3A_311 = arith.constant 256 : i32
      %dma_start3A_312 = tpu.memref_slice %arg3[%squeeze3A_308, %dma_start3A_311] : memref<100000x300xf32, #tpu.memory_space<hbm>> -> memref<1x44xf32, #tpu.memory_space<hbm>>
      %dma_start3A_313 = arith.constant 0 : i32
      %dma_start3A_314 = tpu.memref_slice %arg8[%add3A_306, %dma_start3A_313] : memref<128x44xf32, #tpu.memory_space<vmem>> -> memref<1x44xf32, #tpu.memory_space<vmem>>
      %dma_start3A_315 = arith.constant 256 : i32
      %dma_start3A_316 = tpu.memref_slice %arg3[%squeeze3A_308, %dma_start3A_315] : memref<100000x300xf32, #tpu.memory_space<hbm>> -> memref<1x44xf32, #tpu.memory_space<hbm>>
      tpu.enqueue_dma source(%dma_start3A_316 : memref<1x44xf32, #tpu.memory_space<hbm>>) target(%dma_start3A_314 : memref<1x44xf32, #tpu.memory_space<vmem>>) target_semaphore(%arg14 : memref<!tpu.dma_semaphore, #tpu.memory_space<semaphore_mem>>)
      %mul3A_317 = arith.constant 16 : i32
      %mul3A_318 = arith.muli %scan3A_200, %mul3A_317 : i32
      %add3A_319 = arith.constant 8 : i32
      %add3A_320 = arith.addi %mul3A_318, %add3A_319 : i32
      %slice3A_321 = vector.extract_strided_slice %get3A_206 {offsets = [8], sizes = [1], strides = [1]} : vector<16xi32> to vector<1xi32>
      %squeeze3A_322 = vector.extract %slice3A_321[0] : i32 from vector<1xi32>
      %dma_start3A_323 = arith.constant 0 : i32
      %dma_start3A_324 = tpu.memref_slice %arg8[%add3A_320, %dma_start3A_323] : memref<128x44xf32, #tpu.memory_space<vmem>> -> memref<1x44xf32, #tpu.memory_space<vmem>>
      %dma_start3A_325 = arith.constant 256 : i32
      %dma_start3A_326 = tpu.memref_slice %arg3[%squeeze3A_322, %dma_start3A_325] : memref<100000x300xf32, #tpu.memory_space<hbm>> -> memref<1x44xf32, #tpu.memory_space<hbm>>
      %dma_start3A_327 = arith.constant 0 : i32
      %dma_start3A_328 = tpu.memref_slice %arg8[%add3A_320, %dma_start3A_327] : memref<128x44xf32, #tpu.memory_space<vmem>> -> memref<1x44xf32, #tpu.memory_space<vmem>>
      %dma_start3A_329 = arith.constant 256 : i32
      %dma_start3A_330 = tpu.memref_slice %arg3[%squeeze3A_322, %dma_start3A_329] : memref<100000x300xf32, #tpu.memory_space<hbm>> -> memref<1x44xf32, #tpu.memory_space<hbm>>
      tpu.enqueue_dma source(%dma_start3A_330 : memref<1x44xf32, #tpu.memory_space<hbm>>) target(%dma_start3A_328 : memref<1x44xf32, #tpu.memory_space<vmem>>) target_semaphore(%arg14 : memref<!tpu.dma_semaphore, #tpu.memory_space<semaphore_mem>>)
      %mul3A_331 = arith.constant 16 : i32
      %mul3A_332 = arith.muli %scan3A_200, %mul3A_331 : i32
      %add3A_333 = arith.constant 9 : i32
      %add3A_334 = arith.addi %mul3A_332, %add3A_333 : i32
      %slice3A_335 = vector.extract_strided_slice %get3A_206 {offsets = [9], sizes = [1], strides = [1]} : vector<16xi32> to vector<1xi32>
      %squeeze3A_336 = vector.extract %slice3A_335[0] : i32 from vector<1xi32>
      %dma_start3A_337 = arith.constant 0 : i32
      %dma_start3A_338 = tpu.memref_slice %arg8[%add3A_334, %dma_start3A_337] : memref<128x44xf32, #tpu.memory_space<vmem>> -> memref<1x44xf32, #tpu.memory_space<vmem>>
      %dma_start3A_339 = arith.constant 256 : i32
      %dma_start3A_340 = tpu.memref_slice %arg3[%squeeze3A_336, %dma_start3A_339] : memref<100000x300xf32, #tpu.memory_space<hbm>> -> memref<1x44xf32, #tpu.memory_space<hbm>>
      %dma_start3A_341 = arith.constant 0 : i32
      %dma_start3A_342 = tpu.memref_slice %arg8[%add3A_334, %dma_start3A_341] : memref<128x44xf32, #tpu.memory_space<vmem>> -> memref<1x44xf32, #tpu.memory_space<vmem>>
      %dma_start3A_343 = arith.constant 256 : i32
      %dma_start3A_344 = tpu.memref_slice %arg3[%squeeze3A_336, %dma_start3A_343] : memref<100000x300xf32, #tpu.memory_space<hbm>> -> memref<1x44xf32, #tpu.memory_space<hbm>>
      tpu.enqueue_dma source(%dma_start3A_344 : memref<1x44xf32, #tpu.memory_space<hbm>>) target(%dma_start3A_342 : memref<1x44xf32, #tpu.memory_space<vmem>>) target_semaphore(%arg14 : memref<!tpu.dma_semaphore, #tpu.memory_space<semaphore_mem>>)
      %mul3A_345 = arith.constant 16 : i32
      %mul3A_346 = arith.muli %scan3A_200, %mul3A_345 : i32
      %add3A_347 = arith.constant 10 : i32
      %add3A_348 = arith.addi %mul3A_346, %add3A_347 : i32
      %slice3A_349 = vector.extract_strided_slice %get3A_206 {offsets = [10], sizes = [1], strides = [1]} : vector<16xi32> to vector<1xi32>
      %squeeze3A_350 = vector.extract %slice3A_349[0] : i32 from vector<1xi32>
      %dma_start3A_351 = arith.constant 0 : i32
      %dma_start3A_352 = tpu.memref_slice %arg8[%add3A_348, %dma_start3A_351] : memref<128x44xf32, #tpu.memory_space<vmem>> -> memref<1x44xf32, #tpu.memory_space<vmem>>
      %dma_start3A_353 = arith.constant 256 : i32
      %dma_start3A_354 = tpu.memref_slice %arg3[%squeeze3A_350, %dma_start3A_353] : memref<100000x300xf32, #tpu.memory_space<hbm>> -> memref<1x44xf32, #tpu.memory_space<hbm>>
      %dma_start3A_355 = arith.constant 0 : i32
      %dma_start3A_356 = tpu.memref_slice %arg8[%add3A_348, %dma_start3A_355] : memref<128x44xf32, #tpu.memory_space<vmem>> -> memref<1x44xf32, #tpu.memory_space<vmem>>
      %dma_start3A_357 = arith.constant 256 : i32
      %dma_start3A_358 = tpu.memref_slice %arg3[%squeeze3A_350, %dma_start3A_357] : memref<100000x300xf32, #tpu.memory_space<hbm>> -> memref<1x44xf32, #tpu.memory_space<hbm>>
      tpu.enqueue_dma source(%dma_start3A_358 : memref<1x44xf32, #tpu.memory_space<hbm>>) target(%dma_start3A_356 : memref<1x44xf32, #tpu.memory_space<vmem>>) target_semaphore(%arg14 : memref<!tpu.dma_semaphore, #tpu.memory_space<semaphore_mem>>)
      %mul3A_359 = arith.constant 16 : i32
      %mul3A_360 = arith.muli %scan3A_200, %mul3A_359 : i32
      %add3A_361 = arith.constant 11 : i32
      %add3A_362 = arith.addi %mul3A_360, %add3A_361 : i32
      %slice3A_363 = vector.extract_strided_slice %get3A_206 {offsets = [11], sizes = [1], strides = [1]} : vector<16xi32> to vector<1xi32>
      %squeeze3A_364 = vector.extract %slice3A_363[0] : i32 from vector<1xi32>
      %dma_start3A_365 = arith.constant 0 : i32
      %dma_start3A_366 = tpu.memref_slice %arg8[%add3A_362, %dma_start3A_365] : memref<128x44xf32, #tpu.memory_space<vmem>> -> memref<1x44xf32, #tpu.memory_space<vmem>>
      %dma_start3A_367 = arith.constant 256 : i32
      %dma_start3A_368 = tpu.memref_slice %arg3[%squeeze3A_364, %dma_start3A_367] : memref<100000x300xf32, #tpu.memory_space<hbm>> -> memref<1x44xf32, #tpu.memory_space<hbm>>
      %dma_start3A_369 = arith.constant 0 : i32
      %dma_start3A_370 = tpu.memref_slice %arg8[%add3A_362, %dma_start3A_369] : memref<128x44xf32, #tpu.memory_space<vmem>> -> memref<1x44xf32, #tpu.memory_space<vmem>>
      %dma_start3A_371 = arith.constant 256 : i32
      %dma_start3A_372 = tpu.memref_slice %arg3[%squeeze3A_364, %dma_start3A_371] : memref<100000x300xf32, #tpu.memory_space<hbm>> -> memref<1x44xf32, #tpu.memory_space<hbm>>
      tpu.enqueue_dma source(%dma_start3A_372 : memref<1x44xf32, #tpu.memory_space<hbm>>) target(%dma_start3A_370 : memref<1x44xf32, #tpu.memory_space<vmem>>) target_semaphore(%arg14 : memref<!tpu.dma_semaphore, #tpu.memory_space<semaphore_mem>>)
      %mul3A_373 = arith.constant 16 : i32
      %mul3A_374 = arith.muli %scan3A_200, %mul3A_373 : i32
      %add3A_375 = arith.constant 12 : i32
      %add3A_376 = arith.addi %mul3A_374, %add3A_375 : i32
      %slice3A_377 = vector.extract_strided_slice %get3A_206 {offsets = [12], sizes = [1], strides = [1]} : vector<16xi32> to vector<1xi32>
      %squeeze3A_378 = vector.extract %slice3A_377[0] : i32 from vector<1xi32>
      %dma_start3A_379 = arith.constant 0 : i32
      %dma_start3A_380 = tpu.memref_slice %arg8[%add3A_376, %dma_start3A_379] : memref<128x44xf32, #tpu.memory_space<vmem>> -> memref<1x44xf32, #tpu.memory_space<vmem>>
      %dma_start3A_381 = arith.constant 256 : i32
      %dma_start3A_382 = tpu.memref_slice %arg3[%squeeze3A_378, %dma_start3A_381] : memref<100000x300xf32, #tpu.memory_space<hbm>> -> memref<1x44xf32, #tpu.memory_space<hbm>>
      %dma_start3A_383 = arith.constant 0 : i32
      %dma_start3A_384 = tpu.memref_slice %arg8[%add3A_376, %dma_start3A_383] : memref<128x44xf32, #tpu.memory_space<vmem>> -> memref<1x44xf32, #tpu.memory_space<vmem>>
      %dma_start3A_385 = arith.constant 256 : i32
      %dma_start3A_386 = tpu.memref_slice %arg3[%squeeze3A_378, %dma_start3A_385] : memref<100000x300xf32, #tpu.memory_space<hbm>> -> memref<1x44xf32, #tpu.memory_space<hbm>>
      tpu.enqueue_dma source(%dma_start3A_386 : memref<1x44xf32, #tpu.memory_space<hbm>>) target(%dma_start3A_384 : memref<1x44xf32, #tpu.memory_space<vmem>>) target_semaphore(%arg14 : memref<!tpu.dma_semaphore, #tpu.memory_space<semaphore_mem>>)
      %mul3A_387 = arith.constant 16 : i32
      %mul3A_388 = arith.muli %scan3A_200, %mul3A_387 : i32
      %add3A_389 = arith.constant 13 : i32
      %add3A_390 = arith.addi %mul3A_388, %add3A_389 : i32
      %slice3A_391 = vector.extract_strided_slice %get3A_206 {offsets = [13], sizes = [1], strides = [1]} : vector<16xi32> to vector<1xi32>
      %squeeze3A_392 = vector.extract %slice3A_391[0] : i32 from vector<1xi32>
      %dma_start3A_393 = arith.constant 0 : i32
      %dma_start3A_394 = tpu.memref_slice %arg8[%add3A_390, %dma_start3A_393] : memref<128x44xf32, #tpu.memory_space<vmem>> -> memref<1x44xf32, #tpu.memory_space<vmem>>
      %dma_start3A_395 = arith.constant 256 : i32
      %dma_start3A_396 = tpu.memref_slice %arg3[%squeeze3A_392, %dma_start3A_395] : memref<100000x300xf32, #tpu.memory_space<hbm>> -> memref<1x44xf32, #tpu.memory_space<hbm>>
      %dma_start3A_397 = arith.constant 0 : i32
      %dma_start3A_398 = tpu.memref_slice %arg8[%add3A_390, %dma_start3A_397] : memref<128x44xf32, #tpu.memory_space<vmem>> -> memref<1x44xf32, #tpu.memory_space<vmem>>
      %dma_start3A_399 = arith.constant 256 : i32
      %dma_start3A_400 = tpu.memref_slice %arg3[%squeeze3A_392, %dma_start3A_399] : memref<100000x300xf32, #tpu.memory_space<hbm>> -> memref<1x44xf32, #tpu.memory_space<hbm>>
      tpu.enqueue_dma source(%dma_start3A_400 : memref<1x44xf32, #tpu.memory_space<hbm>>) target(%dma_start3A_398 : memref<1x44xf32, #tpu.memory_space<vmem>>) target_semaphore(%arg14 : memref<!tpu.dma_semaphore, #tpu.memory_space<semaphore_mem>>)
      %mul3A_401 = arith.constant 16 : i32
      %mul3A_402 = arith.muli %scan3A_200, %mul3A_401 : i32
      %add3A_403 = arith.constant 14 : i32
      %add3A_404 = arith.addi %mul3A_402, %add3A_403 : i32
      %slice3A_405 = vector.extract_strided_slice %get3A_206 {offsets = [14], sizes = [1], strides = [1]} : vector<16xi32> to vector<1xi32>
      %squeeze3A_406 = vector.extract %slice3A_405[0] : i32 from vector<1xi32>
      %dma_start3A_407 = arith.constant 0 : i32
      %dma_start3A_408 = tpu.memref_slice %arg8[%add3A_404, %dma_start3A_407] : memref<128x44xf32, #tpu.memory_space<vmem>> -> memref<1x44xf32, #tpu.memory_space<vmem>>
      %dma_start3A_409 = arith.constant 256 : i32
      %dma_start3A_410 = tpu.memref_slice %arg3[%squeeze3A_406, %dma_start3A_409] : memref<100000x300xf32, #tpu.memory_space<hbm>> -> memref<1x44xf32, #tpu.memory_space<hbm>>
      %dma_start3A_411 = arith.constant 0 : i32
      %dma_start3A_412 = tpu.memref_slice %arg8[%add3A_404, %dma_start3A_411] : memref<128x44xf32, #tpu.memory_space<vmem>> -> memref<1x44xf32, #tpu.memory_space<vmem>>
      %dma_start3A_413 = arith.constant 256 : i32
      %dma_start3A_414 = tpu.memref_slice %arg3[%squeeze3A_406, %dma_start3A_413] : memref<100000x300xf32, #tpu.memory_space<hbm>> -> memref<1x44xf32, #tpu.memory_space<hbm>>
      tpu.enqueue_dma source(%dma_start3A_414 : memref<1x44xf32, #tpu.memory_space<hbm>>) target(%dma_start3A_412 : memref<1x44xf32, #tpu.memory_space<vmem>>) target_semaphore(%arg14 : memref<!tpu.dma_semaphore, #tpu.memory_space<semaphore_mem>>)
      %mul3A_415 = arith.constant 16 : i32
      %mul3A_416 = arith.muli %scan3A_200, %mul3A_415 : i32
      %add3A_417 = arith.constant 15 : i32
      %add3A_418 = arith.addi %mul3A_416, %add3A_417 : i32
      %slice3A_419 = vector.extract_strided_slice %get3A_206 {offsets = [15], sizes = [1], strides = [1]} : vector<16xi32> to vector<1xi32>
      %squeeze3A_420 = vector.extract %slice3A_419[0] : i32 from vector<1xi32>
      %dma_start3A_421 = arith.constant 0 : i32
      %dma_start3A_422 = tpu.memref_slice %arg8[%add3A_418, %dma_start3A_421] : memref<128x44xf32, #tpu.memory_space<vmem>> -> memref<1x44xf32, #tpu.memory_space<vmem>>
      %dma_start3A_423 = arith.constant 256 : i32
      %dma_start3A_424 = tpu.memref_slice %arg3[%squeeze3A_420, %dma_start3A_423] : memref<100000x300xf32, #tpu.memory_space<hbm>> -> memref<1x44xf32, #tpu.memory_space<hbm>>
      %dma_start3A_425 = arith.constant 0 : i32
      %dma_start3A_426 = tpu.memref_slice %arg8[%add3A_418, %dma_start3A_425] : memref<128x44xf32, #tpu.memory_space<vmem>> -> memref<1x44xf32, #tpu.memory_space<vmem>>
      %dma_start3A_427 = arith.constant 256 : i32
      %dma_start3A_428 = tpu.memref_slice %arg3[%squeeze3A_420, %dma_start3A_427] : memref<100000x300xf32, #tpu.memory_space<hbm>> -> memref<1x44xf32, #tpu.memory_space<hbm>>
      tpu.enqueue_dma source(%dma_start3A_428 : memref<1x44xf32, #tpu.memory_space<hbm>>) target(%dma_start3A_426 : memref<1x44xf32, #tpu.memory_space<vmem>>) target_semaphore(%arg14 : memref<!tpu.dma_semaphore, #tpu.memory_space<semaphore_mem>>)
    }
    %scan3A_13 = arith.constant 8 : i32
    %dma_start3A_14 = arith.constant 1 : i32
    %dma_start3A_15 = arith.constant 0 : i32
    %dma_start3A_16 = tpu.memref_slice %arg5[%dma_start3A_14, %dma_start3A_15] : memref<4x128xi32, #tpu.memory_space<vmem>> -> memref<1x128xi32, #tpu.memory_space<vmem>>
    %dma_start3A_17 = tpu.memref_squeeze %dma_start3A_16 : memref<1x128xi32, #tpu.memory_space<vmem>> -> memref<128xi32, #tpu.memory_space<vmem>>
    %dma_start3A_18 = arith.constant 0 : i32
    %dma_start3A_19 = arith.constant 0 : i32
    %dma_start3A_20 = tpu.memref_slice %arg3[%dma_start3A_18, %dma_start3A_19] : memref<100000x300xf32, #tpu.memory_space<hbm>> -> memref<100000x256xf32, #tpu.memory_space<hbm>>
    tpu.enqueue_indirect_dma source(%dma_start3A_20 : memref<100000x256xf32, #tpu.memory_space<hbm>>) target(%arg7 : memref<128x256xf32, #tpu.memory_space<vmem>>) offsets(%dma_start3A_17 : memref<128xi32, #tpu.memory_space<vmem>>) semaphore(%arg11 : memref<!tpu.dma_semaphore, #tpu.memory_space<semaphore_mem>>)
    %scan3A_21 = arith.constant 0 : i32
    %scan3A_22 = arith.constant 0 : i32
    %scan3A_23 = arith.constant 8 : i32
    %scan3A_24 = arith.addi %scan3A_22, %scan3A_23 : i32
    %scan3A_25 = arith.constant 1 : i32
    scf.for %scan3A_200 = %scan3A_22 to %scan3A_24 step %scan3A_25  : i32 {
      %mul3A_201 = arith.constant 16 : i32
      %mul3A_202 = arith.muli %scan3A_200, %mul3A_201 : i32
      %get3A = arith.constant 1 : i32
      %get3A_203 = arith.index_cast %get3A : i32 to index
      %get3A_204 = arith.index_cast %mul3A_202 : i32 to index
      %get3A_205 = tpu.vector_load %arg5[%get3A_203, %get3A_204] {strides = array<i32>} : memref<4x128xi32, #tpu.memory_space<vmem>>, vector<1x16xi32>,
      %get3A_206 = vector.shape_cast %get3A_205 : vector<1x16xi32> to vector<16xi32>
      %mul3A_207 = arith.constant 16 : i32
      %mul3A_208 = arith.muli %scan3A_200, %mul3A_207 : i32
      %add3A_209 = arith.constant 0 : i32
      %add3A_210 = arith.addi %mul3A_208, %add3A_209 : i32
      %slice3A = vector.extract_strided_slice %get3A_206 {offsets = [0], sizes = [1], strides = [1]} : vector<16xi32> to vector<1xi32>
      %squeeze3A = vector.extract %slice3A[0] : i32 from vector<1xi32>
      %dma_start3A_211 = arith.constant 0 : i32
      %dma_start3A_212 = tpu.memref_slice %arg9[%add3A_210, %dma_start3A_211] : memref<128x44xf32, #tpu.memory_space<vmem>> -> memref<1x44xf32, #tpu.memory_space<vmem>>
      %dma_start3A_213 = arith.constant 256 : i32
      %dma_start3A_214 = tpu.memref_slice %arg3[%squeeze3A, %dma_start3A_213] : memref<100000x300xf32, #tpu.memory_space<hbm>> -> memref<1x44xf32, #tpu.memory_space<hbm>>
      %dma_start3A_215 = arith.constant 0 : i32
      %dma_start3A_216 = tpu.memref_slice %arg9[%add3A_210, %dma_start3A_215] : memref<128x44xf32, #tpu.memory_space<vmem>> -> memref<1x44xf32, #tpu.memory_space<vmem>>
      %dma_start3A_217 = arith.constant 256 : i32
      %dma_start3A_218 = tpu.memref_slice %arg3[%squeeze3A, %dma_start3A_217] : memref<100000x300xf32, #tpu.memory_space<hbm>> -> memref<1x44xf32, #tpu.memory_space<hbm>>
      tpu.enqueue_dma source(%dma_start3A_218 : memref<1x44xf32, #tpu.memory_space<hbm>>) target(%dma_start3A_216 : memref<1x44xf32, #tpu.memory_space<vmem>>) target_semaphore(%arg15 : memref<!tpu.dma_semaphore, #tpu.memory_space<semaphore_mem>>)
      %mul3A_219 = arith.constant 16 : i32
      %mul3A_220 = arith.muli %scan3A_200, %mul3A_219 : i32
      %add3A_221 = arith.constant 1 : i32
      %add3A_222 = arith.addi %mul3A_220, %add3A_221 : i32
      %slice3A_223 = vector.extract_strided_slice %get3A_206 {offsets = [1], sizes = [1], strides = [1]} : vector<16xi32> to vector<1xi32>
      %squeeze3A_224 = vector.extract %slice3A_223[0] : i32 from vector<1xi32>
      %dma_start3A_225 = arith.constant 0 : i32
      %dma_start3A_226 = tpu.memref_slice %arg9[%add3A_222, %dma_start3A_225] : memref<128x44xf32, #tpu.memory_space<vmem>> -> memref<1x44xf32, #tpu.memory_space<vmem>>
      %dma_start3A_227 = arith.constant 256 : i32
      %dma_start3A_228 = tpu.memref_slice %arg3[%squeeze3A_224, %dma_start3A_227] : memref<100000x300xf32, #tpu.memory_space<hbm>> -> memref<1x44xf32, #tpu.memory_space<hbm>>
      %dma_start3A_229 = arith.constant 0 : i32
      %dma_start3A_230 = tpu.memref_slice %arg9[%add3A_222, %dma_start3A_229] : memref<128x44xf32, #tpu.memory_space<vmem>> -> memref<1x44xf32, #tpu.memory_space<vmem>>
      %dma_start3A_231 = arith.constant 256 : i32
      %dma_start3A_232 = tpu.memref_slice %arg3[%squeeze3A_224, %dma_start3A_231] : memref<100000x300xf32, #tpu.memory_space<hbm>> -> memref<1x44xf32, #tpu.memory_space<hbm>>
      tpu.enqueue_dma source(%dma_start3A_232 : memref<1x44xf32, #tpu.memory_space<hbm>>) target(%dma_start3A_230 : memref<1x44xf32, #tpu.memory_space<vmem>>) target_semaphore(%arg15 : memref<!tpu.dma_semaphore, #tpu.memory_space<semaphore_mem>>)
      %mul3A_233 = arith.constant 16 : i32
      %mul3A_234 = arith.muli %scan3A_200, %mul3A_233 : i32
      %add3A_235 = arith.constant 2 : i32
      %add3A_236 = arith.addi %mul3A_234, %add3A_235 : i32
      %slice3A_237 = vector.extract_strided_slice %get3A_206 {offsets = [2], sizes = [1], strides = [1]} : vector<16xi32> to vector<1xi32>
      %squeeze3A_238 = vector.extract %slice3A_237[0] : i32 from vector<1xi32>
      %dma_start3A_239 = arith.constant 0 : i32
      %dma_start3A_240 = tpu.memref_slice %arg9[%add3A_236, %dma_start3A_239] : memref<128x44xf32, #tpu.memory_space<vmem>> -> memref<1x44xf32, #tpu.memory_space<vmem>>
      %dma_start3A_241 = arith.constant 256 : i32
      %dma_start3A_242 = tpu.memref_slice %arg3[%squeeze3A_238, %dma_start3A_241] : memref<100000x300xf32, #tpu.memory_space<hbm>> -> memref<1x44xf32, #tpu.memory_space<hbm>>
      %dma_start3A_243 = arith.constant 0 : i32
      %dma_start3A_244 = tpu.memref_slice %arg9[%add3A_236, %dma_start3A_243] : memref<128x44xf32, #tpu.memory_space<vmem>> -> memref<1x44xf32, #tpu.memory_space<vmem>>
      %dma_start3A_245 = arith.constant 256 : i32
      %dma_start3A_246 = tpu.memref_slice %arg3[%squeeze3A_238, %dma_start3A_245] : memref<100000x300xf32, #tpu.memory_space<hbm>> -> memref<1x44xf32, #tpu.memory_space<hbm>>
      tpu.enqueue_dma source(%dma_start3A_246 : memref<1x44xf32, #tpu.memory_space<hbm>>) target(%dma_start3A_244 : memref<1x44xf32, #tpu.memory_space<vmem>>) target_semaphore(%arg15 : memref<!tpu.dma_semaphore, #tpu.memory_space<semaphore_mem>>)
      %mul3A_247 = arith.constant 16 : i32
      %mul3A_248 = arith.muli %scan3A_200, %mul3A_247 : i32
      %add3A_249 = arith.constant 3 : i32
      %add3A_250 = arith.addi %mul3A_248, %add3A_249 : i32
      %slice3A_251 = vector.extract_strided_slice %get3A_206 {offsets = [3], sizes = [1], strides = [1]} : vector<16xi32> to vector<1xi32>
      %squeeze3A_252 = vector.extract %slice3A_251[0] : i32 from vector<1xi32>
      %dma_start3A_253 = arith.constant 0 : i32
      %dma_start3A_254 = tpu.memref_slice %arg9[%add3A_250, %dma_start3A_253] : memref<128x44xf32, #tpu.memory_space<vmem>> -> memref<1x44xf32, #tpu.memory_space<vmem>>
      %dma_start3A_255 = arith.constant 256 : i32
      %dma_start3A_256 = tpu.memref_slice %arg3[%squeeze3A_252, %dma_start3A_255] : memref<100000x300xf32, #tpu.memory_space<hbm>> -> memref<1x44xf32, #tpu.memory_space<hbm>>
      %dma_start3A_257 = arith.constant 0 : i32
      %dma_start3A_258 = tpu.memref_slice %arg9[%add3A_250, %dma_start3A_257] : memref<128x44xf32, #tpu.memory_space<vmem>> -> memref<1x44xf32, #tpu.memory_space<vmem>>
      %dma_start3A_259 = arith.constant 256 : i32
      %dma_start3A_260 = tpu.memref_slice %arg3[%squeeze3A_252, %dma_start3A_259] : memref<100000x300xf32, #tpu.memory_space<hbm>> -> memref<1x44xf32, #tpu.memory_space<hbm>>
      tpu.enqueue_dma source(%dma_start3A_260 : memref<1x44xf32, #tpu.memory_space<hbm>>) target(%dma_start3A_258 : memref<1x44xf32, #tpu.memory_space<vmem>>) target_semaphore(%arg15 : memref<!tpu.dma_semaphore, #tpu.memory_space<semaphore_mem>>)
      %mul3A_261 = arith.constant 16 : i32
      %mul3A_262 = arith.muli %scan3A_200, %mul3A_261 : i32
      %add3A_263 = arith.constant 4 : i32
      %add3A_264 = arith.addi %mul3A_262, %add3A_263 : i32
      %slice3A_265 = vector.extract_strided_slice %get3A_206 {offsets = [4], sizes = [1], strides = [1]} : vector<16xi32> to vector<1xi32>
      %squeeze3A_266 = vector.extract %slice3A_265[0] : i32 from vector<1xi32>
      %dma_start3A_267 = arith.constant 0 : i32
      %dma_start3A_268 = tpu.memref_slice %arg9[%add3A_264, %dma_start3A_267] : memref<128x44xf32, #tpu.memory_space<vmem>> -> memref<1x44xf32, #tpu.memory_space<vmem>>
      %dma_start3A_269 = arith.constant 256 : i32
      %dma_start3A_270 = tpu.memref_slice %arg3[%squeeze3A_266, %dma_start3A_269] : memref<100000x300xf32, #tpu.memory_space<hbm>> -> memref<1x44xf32, #tpu.memory_space<hbm>>
      %dma_start3A_271 = arith.constant 0 : i32
      %dma_start3A_272 = tpu.memref_slice %arg9[%add3A_264, %dma_start3A_271] : memref<128x44xf32, #tpu.memory_space<vmem>> -> memref<1x44xf32, #tpu.memory_space<vmem>>
      %dma_start3A_273 = arith.constant 256 : i32
      %dma_start3A_274 = tpu.memref_slice %arg3[%squeeze3A_266, %dma_start3A_273] : memref<100000x300xf32, #tpu.memory_space<hbm>> -> memref<1x44xf32, #tpu.memory_space<hbm>>
      tpu.enqueue_dma source(%dma_start3A_274 : memref<1x44xf32, #tpu.memory_space<hbm>>) target(%dma_start3A_272 : memref<1x44xf32, #tpu.memory_space<vmem>>) target_semaphore(%arg15 : memref<!tpu.dma_semaphore, #tpu.memory_space<semaphore_mem>>)
      %mul3A_275 = arith.constant 16 : i32
      %mul3A_276 = arith.muli %scan3A_200, %mul3A_275 : i32
      %add3A_277 = arith.constant 5 : i32
      %add3A_278 = arith.addi %mul3A_276, %add3A_277 : i32
      %slice3A_279 = vector.extract_strided_slice %get3A_206 {offsets = [5], sizes = [1], strides = [1]} : vector<16xi32> to vector<1xi32>
      %squeeze3A_280 = vector.extract %slice3A_279[0] : i32 from vector<1xi32>
      %dma_start3A_281 = arith.constant 0 : i32
      %dma_start3A_282 = tpu.memref_slice %arg9[%add3A_278, %dma_start3A_281] : memref<128x44xf32, #tpu.memory_space<vmem>> -> memref<1x44xf32, #tpu.memory_space<vmem>>
      %dma_start3A_283 = arith.constant 256 : i32
      %dma_start3A_284 = tpu.memref_slice %arg3[%squeeze3A_280, %dma_start3A_283] : memref<100000x300xf32, #tpu.memory_space<hbm>> -> memref<1x44xf32, #tpu.memory_space<hbm>>
      %dma_start3A_285 = arith.constant 0 : i32
      %dma_start3A_286 = tpu.memref_slice %arg9[%add3A_278, %dma_start3A_285] : memref<128x44xf32, #tpu.memory_space<vmem>> -> memref<1x44xf32, #tpu.memory_space<vmem>>
      %dma_start3A_287 = arith.constant 256 : i32
      %dma_start3A_288 = tpu.memref_slice %arg3[%squeeze3A_280, %dma_start3A_287] : memref<100000x300xf32, #tpu.memory_space<hbm>> -> memref<1x44xf32, #tpu.memory_space<hbm>>
      tpu.enqueue_dma source(%dma_start3A_288 : memref<1x44xf32, #tpu.memory_space<hbm>>) target(%dma_start3A_286 : memref<1x44xf32, #tpu.memory_space<vmem>>) target_semaphore(%arg15 : memref<!tpu.dma_semaphore, #tpu.memory_space<semaphore_mem>>)
      %mul3A_289 = arith.constant 16 : i32
      %mul3A_290 = arith.muli %scan3A_200, %mul3A_289 : i32
      %add3A_291 = arith.constant 6 : i32
      %add3A_292 = arith.addi %mul3A_290, %add3A_291 : i32
      %slice3A_293 = vector.extract_strided_slice %get3A_206 {offsets = [6], sizes = [1], strides = [1]} : vector<16xi32> to vector<1xi32>
      %squeeze3A_294 = vector.extract %slice3A_293[0] : i32 from vector<1xi32>
      %dma_start3A_295 = arith.constant 0 : i32
      %dma_start3A_296 = tpu.memref_slice %arg9[%add3A_292, %dma_start3A_295] : memref<128x44xf32, #tpu.memory_space<vmem>> -> memref<1x44xf32, #tpu.memory_space<vmem>>
      %dma_start3A_297 = arith.constant 256 : i32
      %dma_start3A_298 = tpu.memref_slice %arg3[%squeeze3A_294, %dma_start3A_297] : memref<100000x300xf32, #tpu.memory_space<hbm>> -> memref<1x44xf32, #tpu.memory_space<hbm>>
      %dma_start3A_299 = arith.constant 0 : i32
      %dma_start3A_300 = tpu.memref_slice %arg9[%add3A_292, %dma_start3A_299] : memref<128x44xf32, #tpu.memory_space<vmem>> -> memref<1x44xf32, #tpu.memory_space<vmem>>
      %dma_start3A_301 = arith.constant 256 : i32
      %dma_start3A_302 = tpu.memref_slice %arg3[%squeeze3A_294, %dma_start3A_301] : memref<100000x300xf32, #tpu.memory_space<hbm>> -> memref<1x44xf32, #tpu.memory_space<hbm>>
      tpu.enqueue_dma source(%dma_start3A_302 : memref<1x44xf32, #tpu.memory_space<hbm>>) target(%dma_start3A_300 : memref<1x44xf32, #tpu.memory_space<vmem>>) target_semaphore(%arg15 : memref<!tpu.dma_semaphore, #tpu.memory_space<semaphore_mem>>)
      %mul3A_303 = arith.constant 16 : i32
      %mul3A_304 = arith.muli %scan3A_200, %mul3A_303 : i32
      %add3A_305 = arith.constant 7 : i32
      %add3A_306 = arith.addi %mul3A_304, %add3A_305 : i32
      %slice3A_307 = vector.extract_strided_slice %get3A_206 {offsets = [7], sizes = [1], strides = [1]} : vector<16xi32> to vector<1xi32>
      %squeeze3A_308 = vector.extract %slice3A_307[0] : i32 from vector<1xi32>
      %dma_start3A_309 = arith.constant 0 : i32
      %dma_start3A_310 = tpu.memref_slice %arg9[%add3A_306, %dma_start3A_309] : memref<128x44xf32, #tpu.memory_space<vmem>> -> memref<1x44xf32, #tpu.memory_space<vmem>>
      %dma_start3A_311 = arith.constant 256 : i32
      %dma_start3A_312 = tpu.memref_slice %arg3[%squeeze3A_308, %dma_start3A_311] : memref<100000x300xf32, #tpu.memory_space<hbm>> -> memref<1x44xf32, #tpu.memory_space<hbm>>
      %dma_start3A_313 = arith.constant 0 : i32
      %dma_start3A_314 = tpu.memref_slice %arg9[%add3A_306, %dma_start3A_313] : memref<128x44xf32, #tpu.memory_space<vmem>> -> memref<1x44xf32, #tpu.memory_space<vmem>>
      %dma_start3A_315 = arith.constant 256 : i32
      %dma_start3A_316 = tpu.memref_slice %arg3[%squeeze3A_308, %dma_start3A_315] : memref<100000x300xf32, #tpu.memory_space<hbm>> -> memref<1x44xf32, #tpu.memory_space<hbm>>
      tpu.enqueue_dma source(%dma_start3A_316 : memref<1x44xf32, #tpu.memory_space<hbm>>) target(%dma_start3A_314 : memref<1x44xf32, #tpu.memory_space<vmem>>) target_semaphore(%arg15 : memref<!tpu.dma_semaphore, #tpu.memory_space<semaphore_mem>>)
      %mul3A_317 = arith.constant 16 : i32
      %mul3A_318 = arith.muli %scan3A_200, %mul3A_317 : i32
      %add3A_319 = arith.constant 8 : i32
      %add3A_320 = arith.addi %mul3A_318, %add3A_319 : i32
      %slice3A_321 = vector.extract_strided_slice %get3A_206 {offsets = [8], sizes = [1], strides = [1]} : vector<16xi32> to vector<1xi32>
      %squeeze3A_322 = vector.extract %slice3A_321[0] : i32 from vector<1xi32>
      %dma_start3A_323 = arith.constant 0 : i32
      %dma_start3A_324 = tpu.memref_slice %arg9[%add3A_320, %dma_start3A_323] : memref<128x44xf32, #tpu.memory_space<vmem>> -> memref<1x44xf32, #tpu.memory_space<vmem>>
      %dma_start3A_325 = arith.constant 256 : i32
      %dma_start3A_326 = tpu.memref_slice %arg3[%squeeze3A_322, %dma_start3A_325] : memref<100000x300xf32, #tpu.memory_space<hbm>> -> memref<1x44xf32, #tpu.memory_space<hbm>>
      %dma_start3A_327 = arith.constant 0 : i32
      %dma_start3A_328 = tpu.memref_slice %arg9[%add3A_320, %dma_start3A_327] : memref<128x44xf32, #tpu.memory_space<vmem>> -> memref<1x44xf32, #tpu.memory_space<vmem>>
      %dma_start3A_329 = arith.constant 256 : i32
      %dma_start3A_330 = tpu.memref_slice %arg3[%squeeze3A_322, %dma_start3A_329] : memref<100000x300xf32, #tpu.memory_space<hbm>> -> memref<1x44xf32, #tpu.memory_space<hbm>>
      tpu.enqueue_dma source(%dma_start3A_330 : memref<1x44xf32, #tpu.memory_space<hbm>>) target(%dma_start3A_328 : memref<1x44xf32, #tpu.memory_space<vmem>>) target_semaphore(%arg15 : memref<!tpu.dma_semaphore, #tpu.memory_space<semaphore_mem>>)
      %mul3A_331 = arith.constant 16 : i32
      %mul3A_332 = arith.muli %scan3A_200, %mul3A_331 : i32
      %add3A_333 = arith.constant 9 : i32
      %add3A_334 = arith.addi %mul3A_332, %add3A_333 : i32
      %slice3A_335 = vector.extract_strided_slice %get3A_206 {offsets = [9], sizes = [1], strides = [1]} : vector<16xi32> to vector<1xi32>
      %squeeze3A_336 = vector.extract %slice3A_335[0] : i32 from vector<1xi32>
      %dma_start3A_337 = arith.constant 0 : i32
      %dma_start3A_338 = tpu.memref_slice %arg9[%add3A_334, %dma_start3A_337] : memref<128x44xf32, #tpu.memory_space<vmem>> -> memref<1x44xf32, #tpu.memory_space<vmem>>
      %dma_start3A_339 = arith.constant 256 : i32
      %dma_start3A_340 = tpu.memref_slice %arg3[%squeeze3A_336, %dma_start3A_339] : memref<100000x300xf32, #tpu.memory_space<hbm>> -> memref<1x44xf32, #tpu.memory_space<hbm>>
      %dma_start3A_341 = arith.constant 0 : i32
      %dma_start3A_342 = tpu.memref_slice %arg9[%add3A_334, %dma_start3A_341] : memref<128x44xf32, #tpu.memory_space<vmem>> -> memref<1x44xf32, #tpu.memory_space<vmem>>
      %dma_start3A_343 = arith.constant 256 : i32
      %dma_start3A_344 = tpu.memref_slice %arg3[%squeeze3A_336, %dma_start3A_343] : memref<100000x300xf32, #tpu.memory_space<hbm>> -> memref<1x44xf32, #tpu.memory_space<hbm>>
      tpu.enqueue_dma source(%dma_start3A_344 : memref<1x44xf32, #tpu.memory_space<hbm>>) target(%dma_start3A_342 : memref<1x44xf32, #tpu.memory_space<vmem>>) target_semaphore(%arg15 : memref<!tpu.dma_semaphore, #tpu.memory_space<semaphore_mem>>)
      %mul3A_345 = arith.constant 16 : i32
      %mul3A_346 = arith.muli %scan3A_200, %mul3A_345 : i32
      %add3A_347 = arith.constant 10 : i32
      %add3A_348 = arith.addi %mul3A_346, %add3A_347 : i32
      %slice3A_349 = vector.extract_strided_slice %get3A_206 {offsets = [10], sizes = [1], strides = [1]} : vector<16xi32> to vector<1xi32>
      %squeeze3A_350 = vector.extract %slice3A_349[0] : i32 from vector<1xi32>
      %dma_start3A_351 = arith.constant 0 : i32
      %dma_start3A_352 = tpu.memref_slice %arg9[%add3A_348, %dma_start3A_351] : memref<128x44xf32, #tpu.memory_space<vmem>> -> memref<1x44xf32, #tpu.memory_space<vmem>>
      %dma_start3A_353 = arith.constant 256 : i32
      %dma_start3A_354 = tpu.memref_slice %arg3[%squeeze3A_350, %dma_start3A_353] : memref<100000x300xf32, #tpu.memory_space<hbm>> -> memref<1x44xf32, #tpu.memory_space<hbm>>
      %dma_start3A_355 = arith.constant 0 : i32
      %dma_start3A_356 = tpu.memref_slice %arg9[%add3A_348, %dma_start3A_355] : memref<128x44xf32, #tpu.memory_space<vmem>> -> memref<1x44xf32, #tpu.memory_space<vmem>>
      %dma_start3A_357 = arith.constant 256 : i32
      %dma_start3A_358 = tpu.memref_slice %arg3[%squeeze3A_350, %dma_start3A_357] : memref<100000x300xf32, #tpu.memory_space<hbm>> -> memref<1x44xf32, #tpu.memory_space<hbm>>
      tpu.enqueue_dma source(%dma_start3A_358 : memref<1x44xf32, #tpu.memory_space<hbm>>) target(%dma_start3A_356 : memref<1x44xf32, #tpu.memory_space<vmem>>) target_semaphore(%arg15 : memref<!tpu.dma_semaphore, #tpu.memory_space<semaphore_mem>>)
      %mul3A_359 = arith.constant 16 : i32
      %mul3A_360 = arith.muli %scan3A_200, %mul3A_359 : i32
      %add3A_361 = arith.constant 11 : i32
      %add3A_362 = arith.addi %mul3A_360, %add3A_361 : i32
      %slice3A_363 = vector.extract_strided_slice %get3A_206 {offsets = [11], sizes = [1], strides = [1]} : vector<16xi32> to vector<1xi32>
      %squeeze3A_364 = vector.extract %slice3A_363[0] : i32 from vector<1xi32>
      %dma_start3A_365 = arith.constant 0 : i32
      %dma_start3A_366 = tpu.memref_slice %arg9[%add3A_362, %dma_start3A_365] : memref<128x44xf32, #tpu.memory_space<vmem>> -> memref<1x44xf32, #tpu.memory_space<vmem>>
      %dma_start3A_367 = arith.constant 256 : i32
      %dma_start3A_368 = tpu.memref_slice %arg3[%squeeze3A_364, %dma_start3A_367] : memref<100000x300xf32, #tpu.memory_space<hbm>> -> memref<1x44xf32, #tpu.memory_space<hbm>>
      %dma_start3A_369 = arith.constant 0 : i32
      %dma_start3A_370 = tpu.memref_slice %arg9[%add3A_362, %dma_start3A_369] : memref<128x44xf32, #tpu.memory_space<vmem>> -> memref<1x44xf32, #tpu.memory_space<vmem>>
      %dma_start3A_371 = arith.constant 256 : i32
      %dma_start3A_372 = tpu.memref_slice %arg3[%squeeze3A_364, %dma_start3A_371] : memref<100000x300xf32, #tpu.memory_space<hbm>> -> memref<1x44xf32, #tpu.memory_space<hbm>>
      tpu.enqueue_dma source(%dma_start3A_372 : memref<1x44xf32, #tpu.memory_space<hbm>>) target(%dma_start3A_370 : memref<1x44xf32, #tpu.memory_space<vmem>>) target_semaphore(%arg15 : memref<!tpu.dma_semaphore, #tpu.memory_space<semaphore_mem>>)
      %mul3A_373 = arith.constant 16 : i32
      %mul3A_374 = arith.muli %scan3A_200, %mul3A_373 : i32
      %add3A_375 = arith.constant 12 : i32
      %add3A_376 = arith.addi %mul3A_374, %add3A_375 : i32
      %slice3A_377 = vector.extract_strided_slice %get3A_206 {offsets = [12], sizes = [1], strides = [1]} : vector<16xi32> to vector<1xi32>
      %squeeze3A_378 = vector.extract %slice3A_377[0] : i32 from vector<1xi32>
      %dma_start3A_379 = arith.constant 0 : i32
      %dma_start3A_380 = tpu.memref_slice %arg9[%add3A_376, %dma_start3A_379] : memref<128x44xf32, #tpu.memory_space<vmem>> -> memref<1x44xf32, #tpu.memory_space<vmem>>
      %dma_start3A_381 = arith.constant 256 : i32
      %dma_start3A_382 = tpu.memref_slice %arg3[%squeeze3A_378, %dma_start3A_381] : memref<100000x300xf32, #tpu.memory_space<hbm>> -> memref<1x44xf32, #tpu.memory_space<hbm>>
      %dma_start3A_383 = arith.constant 0 : i32
      %dma_start3A_384 = tpu.memref_slice %arg9[%add3A_376, %dma_start3A_383] : memref<128x44xf32, #tpu.memory_space<vmem>> -> memref<1x44xf32, #tpu.memory_space<vmem>>
      %dma_start3A_385 = arith.constant 256 : i32
      %dma_start3A_386 = tpu.memref_slice %arg3[%squeeze3A_378, %dma_start3A_385] : memref<100000x300xf32, #tpu.memory_space<hbm>> -> memref<1x44xf32, #tpu.memory_space<hbm>>
      tpu.enqueue_dma source(%dma_start3A_386 : memref<1x44xf32, #tpu.memory_space<hbm>>) target(%dma_start3A_384 : memref<1x44xf32, #tpu.memory_space<vmem>>) target_semaphore(%arg15 : memref<!tpu.dma_semaphore, #tpu.memory_space<semaphore_mem>>)
      %mul3A_387 = arith.constant 16 : i32
      %mul3A_388 = arith.muli %scan3A_200, %mul3A_387 : i32
      %add3A_389 = arith.constant 13 : i32
      %add3A_390 = arith.addi %mul3A_388, %add3A_389 : i32
      %slice3A_391 = vector.extract_strided_slice %get3A_206 {offsets = [13], sizes = [1], strides = [1]} : vector<16xi32> to vector<1xi32>
      %squeeze3A_392 = vector.extract %slice3A_391[0] : i32 from vector<1xi32>
      %dma_start3A_393 = arith.constant 0 : i32
      %dma_start3A_394 = tpu.memref_slice %arg9[%add3A_390, %dma_start3A_393] : memref<128x44xf32, #tpu.memory_space<vmem>> -> memref<1x44xf32, #tpu.memory_space<vmem>>
      %dma_start3A_395 = arith.constant 256 : i32
      %dma_start3A_396 = tpu.memref_slice %arg3[%squeeze3A_392, %dma_start3A_395] : memref<100000x300xf32, #tpu.memory_space<hbm>> -> memref<1x44xf32, #tpu.memory_space<hbm>>
      %dma_start3A_397 = arith.constant 0 : i32
      %dma_start3A_398 = tpu.memref_slice %arg9[%add3A_390, %dma_start3A_397] : memref<128x44xf32, #tpu.memory_space<vmem>> -> memref<1x44xf32, #tpu.memory_space<vmem>>
      %dma_start3A_399 = arith.constant 256 : i32
      %dma_start3A_400 = tpu.memref_slice %arg3[%squeeze3A_392, %dma_start3A_399] : memref<100000x300xf32, #tpu.memory_space<hbm>> -> memref<1x44xf32, #tpu.memory_space<hbm>>
      tpu.enqueue_dma source(%dma_start3A_400 : memref<1x44xf32, #tpu.memory_space<hbm>>) target(%dma_start3A_398 : memref<1x44xf32, #tpu.memory_space<vmem>>) target_semaphore(%arg15 : memref<!tpu.dma_semaphore, #tpu.memory_space<semaphore_mem>>)
      %mul3A_401 = arith.constant 16 : i32
      %mul3A_402 = arith.muli %scan3A_200, %mul3A_401 : i32
      %add3A_403 = arith.constant 14 : i32
      %add3A_404 = arith.addi %mul3A_402, %add3A_403 : i32
      %slice3A_405 = vector.extract_strided_slice %get3A_206 {offsets = [14], sizes = [1], strides = [1]} : vector<16xi32> to vector<1xi32>
      %squeeze3A_406 = vector.extract %slice3A_405[0] : i32 from vector<1xi32>
      %dma_start3A_407 = arith.constant 0 : i32
      %dma_start3A_408 = tpu.memref_slice %arg9[%add3A_404, %dma_start3A_407] : memref<128x44xf32, #tpu.memory_space<vmem>> -> memref<1x44xf32, #tpu.memory_space<vmem>>
      %dma_start3A_409 = arith.constant 256 : i32
      %dma_start3A_410 = tpu.memref_slice %arg3[%squeeze3A_406, %dma_start3A_409] : memref<100000x300xf32, #tpu.memory_space<hbm>> -> memref<1x44xf32, #tpu.memory_space<hbm>>
      %dma_start3A_411 = arith.constant 0 : i32
      %dma_start3A_412 = tpu.memref_slice %arg9[%add3A_404, %dma_start3A_411] : memref<128x44xf32, #tpu.memory_space<vmem>> -> memref<1x44xf32, #tpu.memory_space<vmem>>
      %dma_start3A_413 = arith.constant 256 : i32
      %dma_start3A_414 = tpu.memref_slice %arg3[%squeeze3A_406, %dma_start3A_413] : memref<100000x300xf32, #tpu.memory_space<hbm>> -> memref<1x44xf32, #tpu.memory_space<hbm>>
      tpu.enqueue_dma source(%dma_start3A_414 : memref<1x44xf32, #tpu.memory_space<hbm>>) target(%dma_start3A_412 : memref<1x44xf32, #tpu.memory_space<vmem>>) target_semaphore(%arg15 : memref<!tpu.dma_semaphore, #tpu.memory_space<semaphore_mem>>)
      %mul3A_415 = arith.constant 16 : i32
      %mul3A_416 = arith.muli %scan3A_200, %mul3A_415 : i32
      %add3A_417 = arith.constant 15 : i32
      %add3A_418 = arith.addi %mul3A_416, %add3A_417 : i32
      %slice3A_419 = vector.extract_strided_slice %get3A_206 {offsets = [15], sizes = [1], strides = [1]} : vector<16xi32> to vector<1xi32>
      %squeeze3A_420 = vector.extract %slice3A_419[0] : i32 from vector<1xi32>
      %dma_start3A_421 = arith.constant 0 : i32
      %dma_start3A_422 = tpu.memref_slice %arg9[%add3A_418, %dma_start3A_421] : memref<128x44xf32, #tpu.memory_space<vmem>> -> memref<1x44xf32, #tpu.memory_space<vmem>>
      %dma_start3A_423 = arith.constant 256 : i32
      %dma_start3A_424 = tpu.memref_slice %arg3[%squeeze3A_420, %dma_start3A_423] : memref<100000x300xf32, #tpu.memory_space<hbm>> -> memref<1x44xf32, #tpu.memory_space<hbm>>
      %dma_start3A_425 = arith.constant 0 : i32
      %dma_start3A_426 = tpu.memref_slice %arg9[%add3A_418, %dma_start3A_425] : memref<128x44xf32, #tpu.memory_space<vmem>> -> memref<1x44xf32, #tpu.memory_space<vmem>>
      %dma_start3A_427 = arith.constant 256 : i32
      %dma_start3A_428 = tpu.memref_slice %arg3[%squeeze3A_420, %dma_start3A_427] : memref<100000x300xf32, #tpu.memory_space<hbm>> -> memref<1x44xf32, #tpu.memory_space<hbm>>
      tpu.enqueue_dma source(%dma_start3A_428 : memref<1x44xf32, #tpu.memory_space<hbm>>) target(%dma_start3A_426 : memref<1x44xf32, #tpu.memory_space<vmem>>) target_semaphore(%arg15 : memref<!tpu.dma_semaphore, #tpu.memory_space<semaphore_mem>>)
    }
    %scan3A_26 = arith.constant 8 : i32
    %dma_wait3A = arith.constant 0 : i32
    %dma_wait3A_27 = arith.constant 0 : i32
    %dma_wait3A_28 = tpu.memref_slice %arg5[%dma_wait3A, %dma_wait3A_27] : memref<4x128xi32, #tpu.memory_space<vmem>> -> memref<1x128xi32, #tpu.memory_space<vmem>>
    %dma_wait3A_29 = tpu.memref_squeeze %dma_wait3A_28 : memref<1x128xi32, #tpu.memory_space<vmem>> -> memref<128xi32, #tpu.memory_space<vmem>>
    %dma_wait3A_30 = arith.constant 0 : i32
    %dma_wait3A_31 = arith.constant 0 : i32
    %dma_wait3A_32 = tpu.memref_slice %arg3[%dma_wait3A_30, %dma_wait3A_31] : memref<100000x300xf32, #tpu.memory_space<hbm>> -> memref<100000x256xf32, #tpu.memory_space<hbm>>
    tpu.wait_indirect_dma semaphore(%arg10 : memref<!tpu.dma_semaphore, #tpu.memory_space<semaphore_mem>>) src(%dma_wait3A_32 : memref<100000x256xf32, #tpu.memory_space<hbm>>) dst(%arg6 : memref<128x256xf32, #tpu.memory_space<vmem>>)
    %add3A_33 = arith.constant 0 : i32
    %add3A_34 = arith.addi %mul3A_2, %add3A_33 : i32
    %dma_start3A_35 = arith.constant 0 : i32
    %dma_start3A_36 = tpu.memref_slice %arg4[%add3A_34, %dma_start3A_35] : memref<16384x300xf32, #tpu.memory_space<hbm>> -> memref<128x256xf32, #tpu.memory_space<hbm>>
    %dma_start3A_37 = arith.constant 0 : i32
    %dma_start3A_38 = tpu.memref_slice %arg4[%add3A_34, %dma_start3A_37] : memref<16384x300xf32, #tpu.memory_space<hbm>> -> memref<128x256xf32, #tpu.memory_space<hbm>>
    tpu.enqueue_dma source(%arg6 : memref<128x256xf32, #tpu.memory_space<vmem>>) target(%dma_start3A_38 : memref<128x256xf32, #tpu.memory_space<hbm>>) target_semaphore(%arg12 : memref<!tpu.dma_semaphore, #tpu.memory_space<semaphore_mem>>)
    %dma_wait3A_39 = arith.constant 0 : i32
    %dma_wait3A_40 = arith.constant 256 : i32
    %dma_wait3A_41 = tpu.memref_slice %arg3[%dma_wait3A_39, %dma_wait3A_40] : memref<100000x300xf32, #tpu.memory_space<hbm>> -> memref<128x44xf32, #tpu.memory_space<hbm>>
    %dma_wait3A_42 = arith.constant 0 : i32
    %dma_wait3A_43 = arith.constant 256 : i32
    %dma_wait3A_44 = tpu.memref_slice %arg3[%dma_wait3A_42, %dma_wait3A_43] : memref<100000x300xf32, #tpu.memory_space<hbm>> -> memref<128x44xf32, #tpu.memory_space<hbm>>
    tpu.wait_dma2 semaphore(%arg14 : memref<!tpu.dma_semaphore, #tpu.memory_space<semaphore_mem>>) src(%dma_wait3A_44 : memref<128x44xf32, #tpu.memory_space<hbm>>) dst(%arg8 : memref<128x44xf32, #tpu.memory_space<vmem>>)
    %add3A_45 = arith.constant 0 : i32
    %add3A_46 = arith.addi %mul3A_2, %add3A_45 : i32
    %dma_start3A_47 = arith.constant 256 : i32
    %dma_start3A_48 = tpu.memref_slice %arg4[%add3A_46, %dma_start3A_47] : memref<16384x300xf32, #tpu.memory_space<hbm>> -> memref<128x44xf32, #tpu.memory_space<hbm>>
    %dma_start3A_49 = arith.constant 256 : i32
    %dma_start3A_50 = tpu.memref_slice %arg4[%add3A_46, %dma_start3A_49] : memref<16384x300xf32, #tpu.memory_space<hbm>> -> memref<128x44xf32, #tpu.memory_space<hbm>>
    tpu.enqueue_dma source(%arg8 : memref<128x44xf32, #tpu.memory_space<vmem>>) target(%dma_start3A_50 : memref<128x44xf32, #tpu.memory_space<hbm>>) target_semaphore(%arg16 : memref<!tpu.dma_semaphore, #tpu.memory_space<semaphore_mem>>)
    %add3A_51 = arith.constant 0 : i32
    %add3A_52 = arith.addi %mul3A_2, %add3A_51 : i32
    %dma_wait3A_53 = arith.constant 0 : i32
    %dma_wait3A_54 = tpu.memref_slice %arg4[%add3A_52, %dma_wait3A_53] : memref<16384x300xf32, #tpu.memory_space<hbm>> -> memref<128x256xf32, #tpu.memory_space<hbm>>
    %dma_wait3A_55 = arith.constant 0 : i32
    %dma_wait3A_56 = tpu.memref_slice %arg4[%add3A_52, %dma_wait3A_55] : memref<16384x300xf32, #tpu.memory_space<hbm>> -> memref<128x256xf32, #tpu.memory_space<hbm>>
    tpu.wait_dma2 semaphore(%arg12 : memref<!tpu.dma_semaphore, #tpu.memory_space<semaphore_mem>>) src(%arg6 : memref<128x256xf32, #tpu.memory_space<vmem>>) dst(%dma_wait3A_56 : memref<128x256xf32, #tpu.memory_space<hbm>>)
    %dma_start3A_57 = arith.constant 2 : i32
    %dma_start3A_58 = arith.constant 0 : i32
    %dma_start3A_59 = tpu.memref_slice %arg5[%dma_start3A_57, %dma_start3A_58] : memref<4x128xi32, #tpu.memory_space<vmem>> -> memref<1x128xi32, #tpu.memory_space<vmem>>
    %dma_start3A_60 = tpu.memref_squeeze %dma_start3A_59 : memref<1x128xi32, #tpu.memory_space<vmem>> -> memref<128xi32, #tpu.memory_space<vmem>>
    %dma_start3A_61 = arith.constant 0 : i32
    %dma_start3A_62 = arith.constant 0 : i32
    %dma_start3A_63 = tpu.memref_slice %arg3[%dma_start3A_61, %dma_start3A_62] : memref<100000x300xf32, #tpu.memory_space<hbm>> -> memref<100000x256xf32, #tpu.memory_space<hbm>>
    tpu.enqueue_indirect_dma source(%dma_start3A_63 : memref<100000x256xf32, #tpu.memory_space<hbm>>) target(%arg6 : memref<128x256xf32, #tpu.memory_space<vmem>>) offsets(%dma_start3A_60 : memref<128xi32, #tpu.memory_space<vmem>>) semaphore(%arg10 : memref<!tpu.dma_semaphore, #tpu.memory_space<semaphore_mem>>)
    %add3A_64 = arith.constant 0 : i32
    %add3A_65 = arith.addi %mul3A_2, %add3A_64 : i32
    %dma_wait3A_66 = arith.constant 256 : i32
    %dma_wait3A_67 = tpu.memref_slice %arg4[%add3A_65, %dma_wait3A_66] : memref<16384x300xf32, #tpu.memory_space<hbm>> -> memref<128x44xf32, #tpu.memory_space<hbm>>
    %dma_wait3A_68 = arith.constant 256 : i32
    %dma_wait3A_69 = tpu.memref_slice %arg4[%add3A_65, %dma_wait3A_68] : memref<16384x300xf32, #tpu.memory_space<hbm>> -> memref<128x44xf32, #tpu.memory_space<hbm>>
    tpu.wait_dma2 semaphore(%arg16 : memref<!tpu.dma_semaphore, #tpu.memory_space<semaphore_mem>>) src(%arg8 : memref<128x44xf32, #tpu.memory_space<vmem>>) dst(%dma_wait3A_69 : memref<128x44xf32, #tpu.memory_space<hbm>>)
    %scan3A_70 = arith.constant 0 : i32
    %scan3A_71 = arith.constant 0 : i32
    %scan3A_72 = arith.constant 8 : i32
    %scan3A_73 = arith.addi %scan3A_71, %scan3A_72 : i32
    %scan3A_74 = arith.constant 1 : i32
    scf.for %scan3A_200 = %scan3A_71 to %scan3A_73 step %scan3A_74  : i32 {
      %mul3A_201 = arith.constant 16 : i32
      %mul3A_202 = arith.muli %scan3A_200, %mul3A_201 : i32
      %get3A = arith.constant 2 : i32
      %get3A_203 = arith.index_cast %get3A : i32 to index
      %get3A_204 = arith.index_cast %mul3A_202 : i32 to index
      %get3A_205 = tpu.vector_load %arg5[%get3A_203, %get3A_204] {strides = array<i32>} : memref<4x128xi32, #tpu.memory_space<vmem>>, vector<1x16xi32>,
      %get3A_206 = vector.shape_cast %get3A_205 : vector<1x16xi32> to vector<16xi32>
      %mul3A_207 = arith.constant 16 : i32
      %mul3A_208 = arith.muli %scan3A_200, %mul3A_207 : i32
      %add3A_209 = arith.constant 0 : i32
      %add3A_210 = arith.addi %mul3A_208, %add3A_209 : i32
      %slice3A = vector.extract_strided_slice %get3A_206 {offsets = [0], sizes = [1], strides = [1]} : vector<16xi32> to vector<1xi32>
      %squeeze3A = vector.extract %slice3A[0] : i32 from vector<1xi32>
      %dma_start3A_211 = arith.constant 0 : i32
      %dma_start3A_212 = tpu.memref_slice %arg8[%add3A_210, %dma_start3A_211] : memref<128x44xf32, #tpu.memory_space<vmem>> -> memref<1x44xf32, #tpu.memory_space<vmem>>
      %dma_start3A_213 = arith.constant 256 : i32
      %dma_start3A_214 = tpu.memref_slice %arg3[%squeeze3A, %dma_start3A_213] : memref<100000x300xf32, #tpu.memory_space<hbm>> -> memref<1x44xf32, #tpu.memory_space<hbm>>
      %dma_start3A_215 = arith.constant 0 : i32
      %dma_start3A_216 = tpu.memref_slice %arg8[%add3A_210, %dma_start3A_215] : memref<128x44xf32, #tpu.memory_space<vmem>> -> memref<1x44xf32, #tpu.memory_space<vmem>>
      %dma_start3A_217 = arith.constant 256 : i32
      %dma_start3A_218 = tpu.memref_slice %arg3[%squeeze3A, %dma_start3A_217] : memref<100000x300xf32, #tpu.memory_space<hbm>> -> memref<1x44xf32, #tpu.memory_space<hbm>>
      tpu.enqueue_dma source(%dma_start3A_218 : memref<1x44xf32, #tpu.memory_space<hbm>>) target(%dma_start3A_216 : memref<1x44xf32, #tpu.memory_space<vmem>>) target_semaphore(%arg14 : memref<!tpu.dma_semaphore, #tpu.memory_space<semaphore_mem>>)
      %mul3A_219 = arith.constant 16 : i32
      %mul3A_220 = arith.muli %scan3A_200, %mul3A_219 : i32
      %add3A_221 = arith.constant 1 : i32
      %add3A_222 = arith.addi %mul3A_220, %add3A_221 : i32
      %slice3A_223 = vector.extract_strided_slice %get3A_206 {offsets = [1], sizes = [1], strides = [1]} : vector<16xi32> to vector<1xi32>
      %squeeze3A_224 = vector.extract %slice3A_223[0] : i32 from vector<1xi32>
      %dma_start3A_225 = arith.constant 0 : i32
      %dma_start3A_226 = tpu.memref_slice %arg8[%add3A_222, %dma_start3A_225] : memref<128x44xf32, #tpu.memory_space<vmem>> -> memref<1x44xf32, #tpu.memory_space<vmem>>
      %dma_start3A_227 = arith.constant 256 : i32
      %dma_start3A_228 = tpu.memref_slice %arg3[%squeeze3A_224, %dma_start3A_227] : memref<100000x300xf32, #tpu.memory_space<hbm>> -> memref<1x44xf32, #tpu.memory_space<hbm>>
      %dma_start3A_229 = arith.constant 0 : i32
      %dma_start3A_230 = tpu.memref_slice %arg8[%add3A_222, %dma_start3A_229] : memref<128x44xf32, #tpu.memory_space<vmem>> -> memref<1x44xf32, #tpu.memory_space<vmem>>
      %dma_start3A_231 = arith.constant 256 : i32
      %dma_start3A_232 = tpu.memref_slice %arg3[%squeeze3A_224, %dma_start3A_231] : memref<100000x300xf32, #tpu.memory_space<hbm>> -> memref<1x44xf32, #tpu.memory_space<hbm>>
      tpu.enqueue_dma source(%dma_start3A_232 : memref<1x44xf32, #tpu.memory_space<hbm>>) target(%dma_start3A_230 : memref<1x44xf32, #tpu.memory_space<vmem>>) target_semaphore(%arg14 : memref<!tpu.dma_semaphore, #tpu.memory_space<semaphore_mem>>)
      %mul3A_233 = arith.constant 16 : i32
      %mul3A_234 = arith.muli %scan3A_200, %mul3A_233 : i32
      %add3A_235 = arith.constant 2 : i32
      %add3A_236 = arith.addi %mul3A_234, %add3A_235 : i32
      %slice3A_237 = vector.extract_strided_slice %get3A_206 {offsets = [2], sizes = [1], strides = [1]} : vector<16xi32> to vector<1xi32>
      %squeeze3A_238 = vector.extract %slice3A_237[0] : i32 from vector<1xi32>
      %dma_start3A_239 = arith.constant 0 : i32
      %dma_start3A_240 = tpu.memref_slice %arg8[%add3A_236, %dma_start3A_239] : memref<128x44xf32, #tpu.memory_space<vmem>> -> memref<1x44xf32, #tpu.memory_space<vmem>>
      %dma_start3A_241 = arith.constant 256 : i32
      %dma_start3A_242 = tpu.memref_slice %arg3[%squeeze3A_238, %dma_start3A_241] : memref<100000x300xf32, #tpu.memory_space<hbm>> -> memref<1x44xf32, #tpu.memory_space<hbm>>
      %dma_start3A_243 = arith.constant 0 : i32
      %dma_start3A_244 = tpu.memref_slice %arg8[%add3A_236, %dma_start3A_243] : memref<128x44xf32, #tpu.memory_space<vmem>> -> memref<1x44xf32, #tpu.memory_space<vmem>>
      %dma_start3A_245 = arith.constant 256 : i32
      %dma_start3A_246 = tpu.memref_slice %arg3[%squeeze3A_238, %dma_start3A_245] : memref<100000x300xf32, #tpu.memory_space<hbm>> -> memref<1x44xf32, #tpu.memory_space<hbm>>
      tpu.enqueue_dma source(%dma_start3A_246 : memref<1x44xf32, #tpu.memory_space<hbm>>) target(%dma_start3A_244 : memref<1x44xf32, #tpu.memory_space<vmem>>) target_semaphore(%arg14 : memref<!tpu.dma_semaphore, #tpu.memory_space<semaphore_mem>>)
      %mul3A_247 = arith.constant 16 : i32
      %mul3A_248 = arith.muli %scan3A_200, %mul3A_247 : i32
      %add3A_249 = arith.constant 3 : i32
      %add3A_250 = arith.addi %mul3A_248, %add3A_249 : i32
      %slice3A_251 = vector.extract_strided_slice %get3A_206 {offsets = [3], sizes = [1], strides = [1]} : vector<16xi32> to vector<1xi32>
      %squeeze3A_252 = vector.extract %slice3A_251[0] : i32 from vector<1xi32>
      %dma_start3A_253 = arith.constant 0 : i32
      %dma_start3A_254 = tpu.memref_slice %arg8[%add3A_250, %dma_start3A_253] : memref<128x44xf32, #tpu.memory_space<vmem>> -> memref<1x44xf32, #tpu.memory_space<vmem>>
      %dma_start3A_255 = arith.constant 256 : i32
      %dma_start3A_256 = tpu.memref_slice %arg3[%squeeze3A_252, %dma_start3A_255] : memref<100000x300xf32, #tpu.memory_space<hbm>> -> memref<1x44xf32, #tpu.memory_space<hbm>>
      %dma_start3A_257 = arith.constant 0 : i32
      %dma_start3A_258 = tpu.memref_slice %arg8[%add3A_250, %dma_start3A_257] : memref<128x44xf32, #tpu.memory_space<vmem>> -> memref<1x44xf32, #tpu.memory_space<vmem>>
      %dma_start3A_259 = arith.constant 256 : i32
      %dma_start3A_260 = tpu.memref_slice %arg3[%squeeze3A_252, %dma_start3A_259] : memref<100000x300xf32, #tpu.memory_space<hbm>> -> memref<1x44xf32, #tpu.memory_space<hbm>>
      tpu.enqueue_dma source(%dma_start3A_260 : memref<1x44xf32, #tpu.memory_space<hbm>>) target(%dma_start3A_258 : memref<1x44xf32, #tpu.memory_space<vmem>>) target_semaphore(%arg14 : memref<!tpu.dma_semaphore, #tpu.memory_space<semaphore_mem>>)
      %mul3A_261 = arith.constant 16 : i32
      %mul3A_262 = arith.muli %scan3A_200, %mul3A_261 : i32
      %add3A_263 = arith.constant 4 : i32
      %add3A_264 = arith.addi %mul3A_262, %add3A_263 : i32
      %slice3A_265 = vector.extract_strided_slice %get3A_206 {offsets = [4], sizes = [1], strides = [1]} : vector<16xi32> to vector<1xi32>
      %squeeze3A_266 = vector.extract %slice3A_265[0] : i32 from vector<1xi32>
      %dma_start3A_267 = arith.constant 0 : i32
      %dma_start3A_268 = tpu.memref_slice %arg8[%add3A_264, %dma_start3A_267] : memref<128x44xf32, #tpu.memory_space<vmem>> -> memref<1x44xf32, #tpu.memory_space<vmem>>
      %dma_start3A_269 = arith.constant 256 : i32
      %dma_start3A_270 = tpu.memref_slice %arg3[%squeeze3A_266, %dma_start3A_269] : memref<100000x300xf32, #tpu.memory_space<hbm>> -> memref<1x44xf32, #tpu.memory_space<hbm>>
      %dma_start3A_271 = arith.constant 0 : i32
      %dma_start3A_272 = tpu.memref_slice %arg8[%add3A_264, %dma_start3A_271] : memref<128x44xf32, #tpu.memory_space<vmem>> -> memref<1x44xf32, #tpu.memory_space<vmem>>
      %dma_start3A_273 = arith.constant 256 : i32
      %dma_start3A_274 = tpu.memref_slice %arg3[%squeeze3A_266, %dma_start3A_273] : memref<100000x300xf32, #tpu.memory_space<hbm>> -> memref<1x44xf32, #tpu.memory_space<hbm>>
      tpu.enqueue_dma source(%dma_start3A_274 : memref<1x44xf32, #tpu.memory_space<hbm>>) target(%dma_start3A_272 : memref<1x44xf32, #tpu.memory_space<vmem>>) target_semaphore(%arg14 : memref<!tpu.dma_semaphore, #tpu.memory_space<semaphore_mem>>)
      %mul3A_275 = arith.constant 16 : i32
      %mul3A_276 = arith.muli %scan3A_200, %mul3A_275 : i32
      %add3A_277 = arith.constant 5 : i32
      %add3A_278 = arith.addi %mul3A_276, %add3A_277 : i32
      %slice3A_279 = vector.extract_strided_slice %get3A_206 {offsets = [5], sizes = [1], strides = [1]} : vector<16xi32> to vector<1xi32>
      %squeeze3A_280 = vector.extract %slice3A_279[0] : i32 from vector<1xi32>
      %dma_start3A_281 = arith.constant 0 : i32
      %dma_start3A_282 = tpu.memref_slice %arg8[%add3A_278, %dma_start3A_281] : memref<128x44xf32, #tpu.memory_space<vmem>> -> memref<1x44xf32, #tpu.memory_space<vmem>>
      %dma_start3A_283 = arith.constant 256 : i32
      %dma_start3A_284 = tpu.memref_slice %arg3[%squeeze3A_280, %dma_start3A_283] : memref<100000x300xf32, #tpu.memory_space<hbm>> -> memref<1x44xf32, #tpu.memory_space<hbm>>
      %dma_start3A_285 = arith.constant 0 : i32
      %dma_start3A_286 = tpu.memref_slice %arg8[%add3A_278, %dma_start3A_285] : memref<128x44xf32, #tpu.memory_space<vmem>> -> memref<1x44xf32, #tpu.memory_space<vmem>>
      %dma_start3A_287 = arith.constant 256 : i32
      %dma_start3A_288 = tpu.memref_slice %arg3[%squeeze3A_280, %dma_start3A_287] : memref<100000x300xf32, #tpu.memory_space<hbm>> -> memref<1x44xf32, #tpu.memory_space<hbm>>
      tpu.enqueue_dma source(%dma_start3A_288 : memref<1x44xf32, #tpu.memory_space<hbm>>) target(%dma_start3A_286 : memref<1x44xf32, #tpu.memory_space<vmem>>) target_semaphore(%arg14 : memref<!tpu.dma_semaphore, #tpu.memory_space<semaphore_mem>>)
      %mul3A_289 = arith.constant 16 : i32
      %mul3A_290 = arith.muli %scan3A_200, %mul3A_289 : i32
      %add3A_291 = arith.constant 6 : i32
      %add3A_292 = arith.addi %mul3A_290, %add3A_291 : i32
      %slice3A_293 = vector.extract_strided_slice %get3A_206 {offsets = [6], sizes = [1], strides = [1]} : vector<16xi32> to vector<1xi32>
      %squeeze3A_294 = vector.extract %slice3A_293[0] : i32 from vector<1xi32>
      %dma_start3A_295 = arith.constant 0 : i32
      %dma_start3A_296 = tpu.memref_slice %arg8[%add3A_292, %dma_start3A_295] : memref<128x44xf32, #tpu.memory_space<vmem>> -> memref<1x44xf32, #tpu.memory_space<vmem>>
      %dma_start3A_297 = arith.constant 256 : i32
      %dma_start3A_298 = tpu.memref_slice %arg3[%squeeze3A_294, %dma_start3A_297] : memref<100000x300xf32, #tpu.memory_space<hbm>> -> memref<1x44xf32, #tpu.memory_space<hbm>>
      %dma_start3A_299 = arith.constant 0 : i32
      %dma_start3A_300 = tpu.memref_slice %arg8[%add3A_292, %dma_start3A_299] : memref<128x44xf32, #tpu.memory_space<vmem>> -> memref<1x44xf32, #tpu.memory_space<vmem>>
      %dma_start3A_301 = arith.constant 256 : i32
      %dma_start3A_302 = tpu.memref_slice %arg3[%squeeze3A_294, %dma_start3A_301] : memref<100000x300xf32, #tpu.memory_space<hbm>> -> memref<1x44xf32, #tpu.memory_space<hbm>>
      tpu.enqueue_dma source(%dma_start3A_302 : memref<1x44xf32, #tpu.memory_space<hbm>>) target(%dma_start3A_300 : memref<1x44xf32, #tpu.memory_space<vmem>>) target_semaphore(%arg14 : memref<!tpu.dma_semaphore, #tpu.memory_space<semaphore_mem>>)
      %mul3A_303 = arith.constant 16 : i32
      %mul3A_304 = arith.muli %scan3A_200, %mul3A_303 : i32
      %add3A_305 = arith.constant 7 : i32
      %add3A_306 = arith.addi %mul3A_304, %add3A_305 : i32
      %slice3A_307 = vector.extract_strided_slice %get3A_206 {offsets = [7], sizes = [1], strides = [1]} : vector<16xi32> to vector<1xi32>
      %squeeze3A_308 = vector.extract %slice3A_307[0] : i32 from vector<1xi32>
      %dma_start3A_309 = arith.constant 0 : i32
      %dma_start3A_310 = tpu.memref_slice %arg8[%add3A_306, %dma_start3A_309] : memref<128x44xf32, #tpu.memory_space<vmem>> -> memref<1x44xf32, #tpu.memory_space<vmem>>
      %dma_start3A_311 = arith.constant 256 : i32
      %dma_start3A_312 = tpu.memref_slice %arg3[%squeeze3A_308, %dma_start3A_311] : memref<100000x300xf32, #tpu.memory_space<hbm>> -> memref<1x44xf32, #tpu.memory_space<hbm>>
      %dma_start3A_313 = arith.constant 0 : i32
      %dma_start3A_314 = tpu.memref_slice %arg8[%add3A_306, %dma_start3A_313] : memref<128x44xf32, #tpu.memory_space<vmem>> -> memref<1x44xf32, #tpu.memory_space<vmem>>
      %dma_start3A_315 = arith.constant 256 : i32
      %dma_start3A_316 = tpu.memref_slice %arg3[%squeeze3A_308, %dma_start3A_315] : memref<100000x300xf32, #tpu.memory_space<hbm>> -> memref<1x44xf32, #tpu.memory_space<hbm>>
      tpu.enqueue_dma source(%dma_start3A_316 : memref<1x44xf32, #tpu.memory_space<hbm>>) target(%dma_start3A_314 : memref<1x44xf32, #tpu.memory_space<vmem>>) target_semaphore(%arg14 : memref<!tpu.dma_semaphore, #tpu.memory_space<semaphore_mem>>)
      %mul3A_317 = arith.constant 16 : i32
      %mul3A_318 = arith.muli %scan3A_200, %mul3A_317 : i32
      %add3A_319 = arith.constant 8 : i32
      %add3A_320 = arith.addi %mul3A_318, %add3A_319 : i32
      %slice3A_321 = vector.extract_strided_slice %get3A_206 {offsets = [8], sizes = [1], strides = [1]} : vector<16xi32> to vector<1xi32>
      %squeeze3A_322 = vector.extract %slice3A_321[0] : i32 from vector<1xi32>
      %dma_start3A_323 = arith.constant 0 : i32
      %dma_start3A_324 = tpu.memref_slice %arg8[%add3A_320, %dma_start3A_323] : memref<128x44xf32, #tpu.memory_space<vmem>> -> memref<1x44xf32, #tpu.memory_space<vmem>>
      %dma_start3A_325 = arith.constant 256 : i32
      %dma_start3A_326 = tpu.memref_slice %arg3[%squeeze3A_322, %dma_start3A_325] : memref<100000x300xf32, #tpu.memory_space<hbm>> -> memref<1x44xf32, #tpu.memory_space<hbm>>
      %dma_start3A_327 = arith.constant 0 : i32
      %dma_start3A_328 = tpu.memref_slice %arg8[%add3A_320, %dma_start3A_327] : memref<128x44xf32, #tpu.memory_space<vmem>> -> memref<1x44xf32, #tpu.memory_space<vmem>>
      %dma_start3A_329 = arith.constant 256 : i32
      %dma_start3A_330 = tpu.memref_slice %arg3[%squeeze3A_322, %dma_start3A_329] : memref<100000x300xf32, #tpu.memory_space<hbm>> -> memref<1x44xf32, #tpu.memory_space<hbm>>
      tpu.enqueue_dma source(%dma_start3A_330 : memref<1x44xf32, #tpu.memory_space<hbm>>) target(%dma_start3A_328 : memref<1x44xf32, #tpu.memory_space<vmem>>) target_semaphore(%arg14 : memref<!tpu.dma_semaphore, #tpu.memory_space<semaphore_mem>>)
      %mul3A_331 = arith.constant 16 : i32
      %mul3A_332 = arith.muli %scan3A_200, %mul3A_331 : i32
      %add3A_333 = arith.constant 9 : i32
      %add3A_334 = arith.addi %mul3A_332, %add3A_333 : i32
      %slice3A_335 = vector.extract_strided_slice %get3A_206 {offsets = [9], sizes = [1], strides = [1]} : vector<16xi32> to vector<1xi32>
      %squeeze3A_336 = vector.extract %slice3A_335[0] : i32 from vector<1xi32>
      %dma_start3A_337 = arith.constant 0 : i32
      %dma_start3A_338 = tpu.memref_slice %arg8[%add3A_334, %dma_start3A_337] : memref<128x44xf32, #tpu.memory_space<vmem>> -> memref<1x44xf32, #tpu.memory_space<vmem>>
      %dma_start3A_339 = arith.constant 256 : i32
      %dma_start3A_340 = tpu.memref_slice %arg3[%squeeze3A_336, %dma_start3A_339] : memref<100000x300xf32, #tpu.memory_space<hbm>> -> memref<1x44xf32, #tpu.memory_space<hbm>>
      %dma_start3A_341 = arith.constant 0 : i32
      %dma_start3A_342 = tpu.memref_slice %arg8[%add3A_334, %dma_start3A_341] : memref<128x44xf32, #tpu.memory_space<vmem>> -> memref<1x44xf32, #tpu.memory_space<vmem>>
      %dma_start3A_343 = arith.constant 256 : i32
      %dma_start3A_344 = tpu.memref_slice %arg3[%squeeze3A_336, %dma_start3A_343] : memref<100000x300xf32, #tpu.memory_space<hbm>> -> memref<1x44xf32, #tpu.memory_space<hbm>>
      tpu.enqueue_dma source(%dma_start3A_344 : memref<1x44xf32, #tpu.memory_space<hbm>>) target(%dma_start3A_342 : memref<1x44xf32, #tpu.memory_space<vmem>>) target_semaphore(%arg14 : memref<!tpu.dma_semaphore, #tpu.memory_space<semaphore_mem>>)
      %mul3A_345 = arith.constant 16 : i32
      %mul3A_346 = arith.muli %scan3A_200, %mul3A_345 : i32
      %add3A_347 = arith.constant 10 : i32
      %add3A_348 = arith.addi %mul3A_346, %add3A_347 : i32
      %slice3A_349 = vector.extract_strided_slice %get3A_206 {offsets = [10], sizes = [1], strides = [1]} : vector<16xi32> to vector<1xi32>
      %squeeze3A_350 = vector.extract %slice3A_349[0] : i32 from vector<1xi32>
      %dma_start3A_351 = arith.constant 0 : i32
      %dma_start3A_352 = tpu.memref_slice %arg8[%add3A_348, %dma_start3A_351] : memref<128x44xf32, #tpu.memory_space<vmem>> -> memref<1x44xf32, #tpu.memory_space<vmem>>
      %dma_start3A_353 = arith.constant 256 : i32
      %dma_start3A_354 = tpu.memref_slice %arg3[%squeeze3A_350, %dma_start3A_353] : memref<100000x300xf32, #tpu.memory_space<hbm>> -> memref<1x44xf32, #tpu.memory_space<hbm>>
      %dma_start3A_355 = arith.constant 0 : i32
      %dma_start3A_356 = tpu.memref_slice %arg8[%add3A_348, %dma_start3A_355] : memref<128x44xf32, #tpu.memory_space<vmem>> -> memref<1x44xf32, #tpu.memory_space<vmem>>
      %dma_start3A_357 = arith.constant 256 : i32
      %dma_start3A_358 = tpu.memref_slice %arg3[%squeeze3A_350, %dma_start3A_357] : memref<100000x300xf32, #tpu.memory_space<hbm>> -> memref<1x44xf32, #tpu.memory_space<hbm>>
      tpu.enqueue_dma source(%dma_start3A_358 : memref<1x44xf32, #tpu.memory_space<hbm>>) target(%dma_start3A_356 : memref<1x44xf32, #tpu.memory_space<vmem>>) target_semaphore(%arg14 : memref<!tpu.dma_semaphore, #tpu.memory_space<semaphore_mem>>)
      %mul3A_359 = arith.constant 16 : i32
      %mul3A_360 = arith.muli %scan3A_200, %mul3A_359 : i32
      %add3A_361 = arith.constant 11 : i32
      %add3A_362 = arith.addi %mul3A_360, %add3A_361 : i32
      %slice3A_363 = vector.extract_strided_slice %get3A_206 {offsets = [11], sizes = [1], strides = [1]} : vector<16xi32> to vector<1xi32>
      %squeeze3A_364 = vector.extract %slice3A_363[0] : i32 from vector<1xi32>
      %dma_start3A_365 = arith.constant 0 : i32
      %dma_start3A_366 = tpu.memref_slice %arg8[%add3A_362, %dma_start3A_365] : memref<128x44xf32, #tpu.memory_space<vmem>> -> memref<1x44xf32, #tpu.memory_space<vmem>>
      %dma_start3A_367 = arith.constant 256 : i32
      %dma_start3A_368 = tpu.memref_slice %arg3[%squeeze3A_364, %dma_start3A_367] : memref<100000x300xf32, #tpu.memory_space<hbm>> -> memref<1x44xf32, #tpu.memory_space<hbm>>
      %dma_start3A_369 = arith.constant 0 : i32
      %dma_start3A_370 = tpu.memref_slice %arg8[%add3A_362, %dma_start3A_369] : memref<128x44xf32, #tpu.memory_space<vmem>> -> memref<1x44xf32, #tpu.memory_space<vmem>>
      %dma_start3A_371 = arith.constant 256 : i32
      %dma_start3A_372 = tpu.memref_slice %arg3[%squeeze3A_364, %dma_start3A_371] : memref<100000x300xf32, #tpu.memory_space<hbm>> -> memref<1x44xf32, #tpu.memory_space<hbm>>
      tpu.enqueue_dma source(%dma_start3A_372 : memref<1x44xf32, #tpu.memory_space<hbm>>) target(%dma_start3A_370 : memref<1x44xf32, #tpu.memory_space<vmem>>) target_semaphore(%arg14 : memref<!tpu.dma_semaphore, #tpu.memory_space<semaphore_mem>>)
      %mul3A_373 = arith.constant 16 : i32
      %mul3A_374 = arith.muli %scan3A_200, %mul3A_373 : i32
      %add3A_375 = arith.constant 12 : i32
      %add3A_376 = arith.addi %mul3A_374, %add3A_375 : i32
      %slice3A_377 = vector.extract_strided_slice %get3A_206 {offsets = [12], sizes = [1], strides = [1]} : vector<16xi32> to vector<1xi32>
      %squeeze3A_378 = vector.extract %slice3A_377[0] : i32 from vector<1xi32>
      %dma_start3A_379 = arith.constant 0 : i32
      %dma_start3A_380 = tpu.memref_slice %arg8[%add3A_376, %dma_start3A_379] : memref<128x44xf32, #tpu.memory_space<vmem>> -> memref<1x44xf32, #tpu.memory_space<vmem>>
      %dma_start3A_381 = arith.constant 256 : i32
      %dma_start3A_382 = tpu.memref_slice %arg3[%squeeze3A_378, %dma_start3A_381] : memref<100000x300xf32, #tpu.memory_space<hbm>> -> memref<1x44xf32, #tpu.memory_space<hbm>>
      %dma_start3A_383 = arith.constant 0 : i32
      %dma_start3A_384 = tpu.memref_slice %arg8[%add3A_376, %dma_start3A_383] : memref<128x44xf32, #tpu.memory_space<vmem>> -> memref<1x44xf32, #tpu.memory_space<vmem>>
      %dma_start3A_385 = arith.constant 256 : i32
      %dma_start3A_386 = tpu.memref_slice %arg3[%squeeze3A_378, %dma_start3A_385] : memref<100000x300xf32, #tpu.memory_space<hbm>> -> memref<1x44xf32, #tpu.memory_space<hbm>>
      tpu.enqueue_dma source(%dma_start3A_386 : memref<1x44xf32, #tpu.memory_space<hbm>>) target(%dma_start3A_384 : memref<1x44xf32, #tpu.memory_space<vmem>>) target_semaphore(%arg14 : memref<!tpu.dma_semaphore, #tpu.memory_space<semaphore_mem>>)
      %mul3A_387 = arith.constant 16 : i32
      %mul3A_388 = arith.muli %scan3A_200, %mul3A_387 : i32
      %add3A_389 = arith.constant 13 : i32
      %add3A_390 = arith.addi %mul3A_388, %add3A_389 : i32
      %slice3A_391 = vector.extract_strided_slice %get3A_206 {offsets = [13], sizes = [1], strides = [1]} : vector<16xi32> to vector<1xi32>
      %squeeze3A_392 = vector.extract %slice3A_391[0] : i32 from vector<1xi32>
      %dma_start3A_393 = arith.constant 0 : i32
      %dma_start3A_394 = tpu.memref_slice %arg8[%add3A_390, %dma_start3A_393] : memref<128x44xf32, #tpu.memory_space<vmem>> -> memref<1x44xf32, #tpu.memory_space<vmem>>
      %dma_start3A_395 = arith.constant 256 : i32
      %dma_start3A_396 = tpu.memref_slice %arg3[%squeeze3A_392, %dma_start3A_395] : memref<100000x300xf32, #tpu.memory_space<hbm>> -> memref<1x44xf32, #tpu.memory_space<hbm>>
      %dma_start3A_397 = arith.constant 0 : i32
      %dma_start3A_398 = tpu.memref_slice %arg8[%add3A_390, %dma_start3A_397] : memref<128x44xf32, #tpu.memory_space<vmem>> -> memref<1x44xf32, #tpu.memory_space<vmem>>
      %dma_start3A_399 = arith.constant 256 : i32
      %dma_start3A_400 = tpu.memref_slice %arg3[%squeeze3A_392, %dma_start3A_399] : memref<100000x300xf32, #tpu.memory_space<hbm>> -> memref<1x44xf32, #tpu.memory_space<hbm>>
      tpu.enqueue_dma source(%dma_start3A_400 : memref<1x44xf32, #tpu.memory_space<hbm>>) target(%dma_start3A_398 : memref<1x44xf32, #tpu.memory_space<vmem>>) target_semaphore(%arg14 : memref<!tpu.dma_semaphore, #tpu.memory_space<semaphore_mem>>)
      %mul3A_401 = arith.constant 16 : i32
      %mul3A_402 = arith.muli %scan3A_200, %mul3A_401 : i32
      %add3A_403 = arith.constant 14 : i32
      %add3A_404 = arith.addi %mul3A_402, %add3A_403 : i32
      %slice3A_405 = vector.extract_strided_slice %get3A_206 {offsets = [14], sizes = [1], strides = [1]} : vector<16xi32> to vector<1xi32>
      %squeeze3A_406 = vector.extract %slice3A_405[0] : i32 from vector<1xi32>
      %dma_start3A_407 = arith.constant 0 : i32
      %dma_start3A_408 = tpu.memref_slice %arg8[%add3A_404, %dma_start3A_407] : memref<128x44xf32, #tpu.memory_space<vmem>> -> memref<1x44xf32, #tpu.memory_space<vmem>>
      %dma_start3A_409 = arith.constant 256 : i32
      %dma_start3A_410 = tpu.memref_slice %arg3[%squeeze3A_406, %dma_start3A_409] : memref<100000x300xf32, #tpu.memory_space<hbm>> -> memref<1x44xf32, #tpu.memory_space<hbm>>
      %dma_start3A_411 = arith.constant 0 : i32
      %dma_start3A_412 = tpu.memref_slice %arg8[%add3A_404, %dma_start3A_411] : memref<128x44xf32, #tpu.memory_space<vmem>> -> memref<1x44xf32, #tpu.memory_space<vmem>>
      %dma_start3A_413 = arith.constant 256 : i32
      %dma_start3A_414 = tpu.memref_slice %arg3[%squeeze3A_406, %dma_start3A_413] : memref<100000x300xf32, #tpu.memory_space<hbm>> -> memref<1x44xf32, #tpu.memory_space<hbm>>
      tpu.enqueue_dma source(%dma_start3A_414 : memref<1x44xf32, #tpu.memory_space<hbm>>) target(%dma_start3A_412 : memref<1x44xf32, #tpu.memory_space<vmem>>) target_semaphore(%arg14 : memref<!tpu.dma_semaphore, #tpu.memory_space<semaphore_mem>>)
      %mul3A_415 = arith.constant 16 : i32
      %mul3A_416 = arith.muli %scan3A_200, %mul3A_415 : i32
      %add3A_417 = arith.constant 15 : i32
      %add3A_418 = arith.addi %mul3A_416, %add3A_417 : i32
      %slice3A_419 = vector.extract_strided_slice %get3A_206 {offsets = [15], sizes = [1], strides = [1]} : vector<16xi32> to vector<1xi32>
      %squeeze3A_420 = vector.extract %slice3A_419[0] : i32 from vector<1xi32>
      %dma_start3A_421 = arith.constant 0 : i32
      %dma_start3A_422 = tpu.memref_slice %arg8[%add3A_418, %dma_start3A_421] : memref<128x44xf32, #tpu.memory_space<vmem>> -> memref<1x44xf32, #tpu.memory_space<vmem>>
      %dma_start3A_423 = arith.constant 256 : i32
      %dma_start3A_424 = tpu.memref_slice %arg3[%squeeze3A_420, %dma_start3A_423] : memref<100000x300xf32, #tpu.memory_space<hbm>> -> memref<1x44xf32, #tpu.memory_space<hbm>>
      %dma_start3A_425 = arith.constant 0 : i32
      %dma_start3A_426 = tpu.memref_slice %arg8[%add3A_418, %dma_start3A_425] : memref<128x44xf32, #tpu.memory_space<vmem>> -> memref<1x44xf32, #tpu.memory_space<vmem>>
      %dma_start3A_427 = arith.constant 256 : i32
      %dma_start3A_428 = tpu.memref_slice %arg3[%squeeze3A_420, %dma_start3A_427] : memref<100000x300xf32, #tpu.memory_space<hbm>> -> memref<1x44xf32, #tpu.memory_space<hbm>>
      tpu.enqueue_dma source(%dma_start3A_428 : memref<1x44xf32, #tpu.memory_space<hbm>>) target(%dma_start3A_426 : memref<1x44xf32, #tpu.memory_space<vmem>>) target_semaphore(%arg14 : memref<!tpu.dma_semaphore, #tpu.memory_space<semaphore_mem>>)
    }
    %scan3A_75 = arith.constant 8 : i32
    %dma_wait3A_76 = arith.constant 1 : i32
    %dma_wait3A_77 = arith.constant 0 : i32
    %dma_wait3A_78 = tpu.memref_slice %arg5[%dma_wait3A_76, %dma_wait3A_77] : memref<4x128xi32, #tpu.memory_space<vmem>> -> memref<1x128xi32, #tpu.memory_space<vmem>>
    %dma_wait3A_79 = tpu.memref_squeeze %dma_wait3A_78 : memref<1x128xi32, #tpu.memory_space<vmem>> -> memref<128xi32, #tpu.memory_space<vmem>>
    %dma_wait3A_80 = arith.constant 0 : i32
    %dma_wait3A_81 = arith.constant 0 : i32
    %dma_wait3A_82 = tpu.memref_slice %arg3[%dma_wait3A_80, %dma_wait3A_81] : memref<100000x300xf32, #tpu.memory_space<hbm>> -> memref<100000x256xf32, #tpu.memory_space<hbm>>
    tpu.wait_indirect_dma semaphore(%arg11 : memref<!tpu.dma_semaphore, #tpu.memory_space<semaphore_mem>>) src(%dma_wait3A_82 : memref<100000x256xf32, #tpu.memory_space<hbm>>) dst(%arg7 : memref<128x256xf32, #tpu.memory_space<vmem>>)
    %add3A_83 = arith.constant 128 : i32
    %add3A_84 = arith.addi %mul3A_2, %add3A_83 : i32
    %dma_start3A_85 = arith.constant 0 : i32
    %dma_start3A_86 = tpu.memref_slice %arg4[%add3A_84, %dma_start3A_85] : memref<16384x300xf32, #tpu.memory_space<hbm>> -> memref<128x256xf32, #tpu.memory_space<hbm>>
    %dma_start3A_87 = arith.constant 0 : i32
    %dma_start3A_88 = tpu.memref_slice %arg4[%add3A_84, %dma_start3A_87] : memref<16384x300xf32, #tpu.memory_space<hbm>> -> memref<128x256xf32, #tpu.memory_space<hbm>>
    tpu.enqueue_dma source(%arg7 : memref<128x256xf32, #tpu.memory_space<vmem>>) target(%dma_start3A_88 : memref<128x256xf32, #tpu.memory_space<hbm>>) target_semaphore(%arg13 : memref<!tpu.dma_semaphore, #tpu.memory_space<semaphore_mem>>)
    %dma_wait3A_89 = arith.constant 0 : i32
    %dma_wait3A_90 = arith.constant 256 : i32
    %dma_wait3A_91 = tpu.memref_slice %arg3[%dma_wait3A_89, %dma_wait3A_90] : memref<100000x300xf32, #tpu.memory_space<hbm>> -> memref<128x44xf32, #tpu.memory_space<hbm>>
    %dma_wait3A_92 = arith.constant 0 : i32
    %dma_wait3A_93 = arith.constant 256 : i32
    %dma_wait3A_94 = tpu.memref_slice %arg3[%dma_wait3A_92, %dma_wait3A_93] : memref<100000x300xf32, #tpu.memory_space<hbm>> -> memref<128x44xf32, #tpu.memory_space<hbm>>
    tpu.wait_dma2 semaphore(%arg15 : memref<!tpu.dma_semaphore, #tpu.memory_space<semaphore_mem>>) src(%dma_wait3A_94 : memref<128x44xf32, #tpu.memory_space<hbm>>) dst(%arg9 : memref<128x44xf32, #tpu.memory_space<vmem>>)
    %add3A_95 = arith.constant 128 : i32
    %add3A_96 = arith.addi %mul3A_2, %add3A_95 : i32
    %dma_start3A_97 = arith.constant 256 : i32
    %dma_start3A_98 = tpu.memref_slice %arg4[%add3A_96, %dma_start3A_97] : memref<16384x300xf32, #tpu.memory_space<hbm>> -> memref<128x44xf32, #tpu.memory_space<hbm>>
    %dma_start3A_99 = arith.constant 256 : i32
    %dma_start3A_100 = tpu.memref_slice %arg4[%add3A_96, %dma_start3A_99] : memref<16384x300xf32, #tpu.memory_space<hbm>> -> memref<128x44xf32, #tpu.memory_space<hbm>>
    tpu.enqueue_dma source(%arg9 : memref<128x44xf32, #tpu.memory_space<vmem>>) target(%dma_start3A_100 : memref<128x44xf32, #tpu.memory_space<hbm>>) target_semaphore(%arg17 : memref<!tpu.dma_semaphore, #tpu.memory_space<semaphore_mem>>)
    %add3A_101 = arith.constant 128 : i32
    %add3A_102 = arith.addi %mul3A_2, %add3A_101 : i32
    %dma_wait3A_103 = arith.constant 0 : i32
    %dma_wait3A_104 = tpu.memref_slice %arg4[%add3A_102, %dma_wait3A_103] : memref<16384x300xf32, #tpu.memory_space<hbm>> -> memref<128x256xf32, #tpu.memory_space<hbm>>
    %dma_wait3A_105 = arith.constant 0 : i32
    %dma_wait3A_106 = tpu.memref_slice %arg4[%add3A_102, %dma_wait3A_105] : memref<16384x300xf32, #tpu.memory_space<hbm>> -> memref<128x256xf32, #tpu.memory_space<hbm>>
    tpu.wait_dma2 semaphore(%arg13 : memref<!tpu.dma_semaphore, #tpu.memory_space<semaphore_mem>>) src(%arg7 : memref<128x256xf32, #tpu.memory_space<vmem>>) dst(%dma_wait3A_106 : memref<128x256xf32, #tpu.memory_space<hbm>>)
    %dma_start3A_107 = arith.constant 3 : i32
    %dma_start3A_108 = arith.constant 0 : i32
    %dma_start3A_109 = tpu.memref_slice %arg5[%dma_start3A_107, %dma_start3A_108] : memref<4x128xi32, #tpu.memory_space<vmem>> -> memref<1x128xi32, #tpu.memory_space<vmem>>
    %dma_start3A_110 = tpu.memref_squeeze %dma_start3A_109 : memref<1x128xi32, #tpu.memory_space<vmem>> -> memref<128xi32, #tpu.memory_space<vmem>>
    %dma_start3A_111 = arith.constant 0 : i32
    %dma_start3A_112 = arith.constant 0 : i32
    %dma_start3A_113 = tpu.memref_slice %arg3[%dma_start3A_111, %dma_start3A_112] : memref<100000x300xf32, #tpu.memory_space<hbm>> -> memref<100000x256xf32, #tpu.memory_space<hbm>>
    tpu.enqueue_indirect_dma source(%dma_start3A_113 : memref<100000x256xf32, #tpu.memory_space<hbm>>) target(%arg7 : memref<128x256xf32, #tpu.memory_space<vmem>>) offsets(%dma_start3A_110 : memref<128xi32, #tpu.memory_space<vmem>>) semaphore(%arg11 : memref<!tpu.dma_semaphore, #tpu.memory_space<semaphore_mem>>)
    %add3A_114 = arith.constant 128 : i32
    %add3A_115 = arith.addi %mul3A_2, %add3A_114 : i32
    %dma_wait3A_116 = arith.constant 256 : i32
    %dma_wait3A_117 = tpu.memref_slice %arg4[%add3A_115, %dma_wait3A_116] : memref<16384x300xf32, #tpu.memory_space<hbm>> -> memref<128x44xf32, #tpu.memory_space<hbm>>
    %dma_wait3A_118 = arith.constant 256 : i32
    %dma_wait3A_119 = tpu.memref_slice %arg4[%add3A_115, %dma_wait3A_118] : memref<16384x300xf32, #tpu.memory_space<hbm>> -> memref<128x44xf32, #tpu.memory_space<hbm>>
    tpu.wait_dma2 semaphore(%arg17 : memref<!tpu.dma_semaphore, #tpu.memory_space<semaphore_mem>>) src(%arg9 : memref<128x44xf32, #tpu.memory_space<vmem>>) dst(%dma_wait3A_119 : memref<128x44xf32, #tpu.memory_space<hbm>>)
    %scan3A_120 = arith.constant 0 : i32
    %scan3A_121 = arith.constant 0 : i32
    %scan3A_122 = arith.constant 8 : i32
    %scan3A_123 = arith.addi %scan3A_121, %scan3A_122 : i32
    %scan3A_124 = arith.constant 1 : i32
    scf.for %scan3A_200 = %scan3A_121 to %scan3A_123 step %scan3A_124  : i32 {
      %mul3A_201 = arith.constant 16 : i32
      %mul3A_202 = arith.muli %scan3A_200, %mul3A_201 : i32
      %get3A = arith.constant 3 : i32
      %get3A_203 = arith.index_cast %get3A : i32 to index
      %get3A_204 = arith.index_cast %mul3A_202 : i32 to index
      %get3A_205 = tpu.vector_load %arg5[%get3A_203, %get3A_204] {strides = array<i32>} : memref<4x128xi32, #tpu.memory_space<vmem>>, vector<1x16xi32>,
      %get3A_206 = vector.shape_cast %get3A_205 : vector<1x16xi32> to vector<16xi32>
      %mul3A_207 = arith.constant 16 : i32
      %mul3A_208 = arith.muli %scan3A_200, %mul3A_207 : i32
      %add3A_209 = arith.constant 0 : i32
      %add3A_210 = arith.addi %mul3A_208, %add3A_209 : i32
      %slice3A = vector.extract_strided_slice %get3A_206 {offsets = [0], sizes = [1], strides = [1]} : vector<16xi32> to vector<1xi32>
      %squeeze3A = vector.extract %slice3A[0] : i32 from vector<1xi32>
      %dma_start3A_211 = arith.constant 0 : i32
      %dma_start3A_212 = tpu.memref_slice %arg9[%add3A_210, %dma_start3A_211] : memref<128x44xf32, #tpu.memory_space<vmem>> -> memref<1x44xf32, #tpu.memory_space<vmem>>
      %dma_start3A_213 = arith.constant 256 : i32
      %dma_start3A_214 = tpu.memref_slice %arg3[%squeeze3A, %dma_start3A_213] : memref<100000x300xf32, #tpu.memory_space<hbm>> -> memref<1x44xf32, #tpu.memory_space<hbm>>
      %dma_start3A_215 = arith.constant 0 : i32
      %dma_start3A_216 = tpu.memref_slice %arg9[%add3A_210, %dma_start3A_215] : memref<128x44xf32, #tpu.memory_space<vmem>> -> memref<1x44xf32, #tpu.memory_space<vmem>>
      %dma_start3A_217 = arith.constant 256 : i32
      %dma_start3A_218 = tpu.memref_slice %arg3[%squeeze3A, %dma_start3A_217] : memref<100000x300xf32, #tpu.memory_space<hbm>> -> memref<1x44xf32, #tpu.memory_space<hbm>>
      tpu.enqueue_dma source(%dma_start3A_218 : memref<1x44xf32, #tpu.memory_space<hbm>>) target(%dma_start3A_216 : memref<1x44xf32, #tpu.memory_space<vmem>>) target_semaphore(%arg15 : memref<!tpu.dma_semaphore, #tpu.memory_space<semaphore_mem>>)
      %mul3A_219 = arith.constant 16 : i32
      %mul3A_220 = arith.muli %scan3A_200, %mul3A_219 : i32
      %add3A_221 = arith.constant 1 : i32
      %add3A_222 = arith.addi %mul3A_220, %add3A_221 : i32
      %slice3A_223 = vector.extract_strided_slice %get3A_206 {offsets = [1], sizes = [1], strides = [1]} : vector<16xi32> to vector<1xi32>
      %squeeze3A_224 = vector.extract %slice3A_223[0] : i32 from vector<1xi32>
      %dma_start3A_225 = arith.constant 0 : i32
      %dma_start3A_226 = tpu.memref_slice %arg9[%add3A_222, %dma_start3A_225] : memref<128x44xf32, #tpu.memory_space<vmem>> -> memref<1x44xf32, #tpu.memory_space<vmem>>
      %dma_start3A_227 = arith.constant 256 : i32
      %dma_start3A_228 = tpu.memref_slice %arg3[%squeeze3A_224, %dma_start3A_227] : memref<100000x300xf32, #tpu.memory_space<hbm>> -> memref<1x44xf32, #tpu.memory_space<hbm>>
      %dma_start3A_229 = arith.constant 0 : i32
      %dma_start3A_230 = tpu.memref_slice %arg9[%add3A_222, %dma_start3A_229] : memref<128x44xf32, #tpu.memory_space<vmem>> -> memref<1x44xf32, #tpu.memory_space<vmem>>
      %dma_start3A_231 = arith.constant 256 : i32
      %dma_start3A_232 = tpu.memref_slice %arg3[%squeeze3A_224, %dma_start3A_231] : memref<100000x300xf32, #tpu.memory_space<hbm>> -> memref<1x44xf32, #tpu.memory_space<hbm>>
      tpu.enqueue_dma source(%dma_start3A_232 : memref<1x44xf32, #tpu.memory_space<hbm>>) target(%dma_start3A_230 : memref<1x44xf32, #tpu.memory_space<vmem>>) target_semaphore(%arg15 : memref<!tpu.dma_semaphore, #tpu.memory_space<semaphore_mem>>)
      %mul3A_233 = arith.constant 16 : i32
      %mul3A_234 = arith.muli %scan3A_200, %mul3A_233 : i32
      %add3A_235 = arith.constant 2 : i32
      %add3A_236 = arith.addi %mul3A_234, %add3A_235 : i32
      %slice3A_237 = vector.extract_strided_slice %get3A_206 {offsets = [2], sizes = [1], strides = [1]} : vector<16xi32> to vector<1xi32>
      %squeeze3A_238 = vector.extract %slice3A_237[0] : i32 from vector<1xi32>
      %dma_start3A_239 = arith.constant 0 : i32
      %dma_start3A_240 = tpu.memref_slice %arg9[%add3A_236, %dma_start3A_239] : memref<128x44xf32, #tpu.memory_space<vmem>> -> memref<1x44xf32, #tpu.memory_space<vmem>>
      %dma_start3A_241 = arith.constant 256 : i32
      %dma_start3A_242 = tpu.memref_slice %arg3[%squeeze3A_238, %dma_start3A_241] : memref<100000x300xf32, #tpu.memory_space<hbm>> -> memref<1x44xf32, #tpu.memory_space<hbm>>
      %dma_start3A_243 = arith.constant 0 : i32
      %dma_start3A_244 = tpu.memref_slice %arg9[%add3A_236, %dma_start3A_243] : memref<128x44xf32, #tpu.memory_space<vmem>> -> memref<1x44xf32, #tpu.memory_space<vmem>>
      %dma_start3A_245 = arith.constant 256 : i32
      %dma_start3A_246 = tpu.memref_slice %arg3[%squeeze3A_238, %dma_start3A_245] : memref<100000x300xf32, #tpu.memory_space<hbm>> -> memref<1x44xf32, #tpu.memory_space<hbm>>
      tpu.enqueue_dma source(%dma_start3A_246 : memref<1x44xf32, #tpu.memory_space<hbm>>) target(%dma_start3A_244 : memref<1x44xf32, #tpu.memory_space<vmem>>) target_semaphore(%arg15 : memref<!tpu.dma_semaphore, #tpu.memory_space<semaphore_mem>>)
      %mul3A_247 = arith.constant 16 : i32
      %mul3A_248 = arith.muli %scan3A_200, %mul3A_247 : i32
      %add3A_249 = arith.constant 3 : i32
      %add3A_250 = arith.addi %mul3A_248, %add3A_249 : i32
      %slice3A_251 = vector.extract_strided_slice %get3A_206 {offsets = [3], sizes = [1], strides = [1]} : vector<16xi32> to vector<1xi32>
      %squeeze3A_252 = vector.extract %slice3A_251[0] : i32 from vector<1xi32>
      %dma_start3A_253 = arith.constant 0 : i32
      %dma_start3A_254 = tpu.memref_slice %arg9[%add3A_250, %dma_start3A_253] : memref<128x44xf32, #tpu.memory_space<vmem>> -> memref<1x44xf32, #tpu.memory_space<vmem>>
      %dma_start3A_255 = arith.constant 256 : i32
      %dma_start3A_256 = tpu.memref_slice %arg3[%squeeze3A_252, %dma_start3A_255] : memref<100000x300xf32, #tpu.memory_space<hbm>> -> memref<1x44xf32, #tpu.memory_space<hbm>>
      %dma_start3A_257 = arith.constant 0 : i32
      %dma_start3A_258 = tpu.memref_slice %arg9[%add3A_250, %dma_start3A_257] : memref<128x44xf32, #tpu.memory_space<vmem>> -> memref<1x44xf32, #tpu.memory_space<vmem>>
      %dma_start3A_259 = arith.constant 256 : i32
      %dma_start3A_260 = tpu.memref_slice %arg3[%squeeze3A_252, %dma_start3A_259] : memref<100000x300xf32, #tpu.memory_space<hbm>> -> memref<1x44xf32, #tpu.memory_space<hbm>>
      tpu.enqueue_dma source(%dma_start3A_260 : memref<1x44xf32, #tpu.memory_space<hbm>>) target(%dma_start3A_258 : memref<1x44xf32, #tpu.memory_space<vmem>>) target_semaphore(%arg15 : memref<!tpu.dma_semaphore, #tpu.memory_space<semaphore_mem>>)
      %mul3A_261 = arith.constant 16 : i32
      %mul3A_262 = arith.muli %scan3A_200, %mul3A_261 : i32
      %add3A_263 = arith.constant 4 : i32
      %add3A_264 = arith.addi %mul3A_262, %add3A_263 : i32
      %slice3A_265 = vector.extract_strided_slice %get3A_206 {offsets = [4], sizes = [1], strides = [1]} : vector<16xi32> to vector<1xi32>
      %squeeze3A_266 = vector.extract %slice3A_265[0] : i32 from vector<1xi32>
      %dma_start3A_267 = arith.constant 0 : i32
      %dma_start3A_268 = tpu.memref_slice %arg9[%add3A_264, %dma_start3A_267] : memref<128x44xf32, #tpu.memory_space<vmem>> -> memref<1x44xf32, #tpu.memory_space<vmem>>
      %dma_start3A_269 = arith.constant 256 : i32
      %dma_start3A_270 = tpu.memref_slice %arg3[%squeeze3A_266, %dma_start3A_269] : memref<100000x300xf32, #tpu.memory_space<hbm>> -> memref<1x44xf32, #tpu.memory_space<hbm>>
      %dma_start3A_271 = arith.constant 0 : i32
      %dma_start3A_272 = tpu.memref_slice %arg9[%add3A_264, %dma_start3A_271] : memref<128x44xf32, #tpu.memory_space<vmem>> -> memref<1x44xf32, #tpu.memory_space<vmem>>
      %dma_start3A_273 = arith.constant 256 : i32
      %dma_start3A_274 = tpu.memref_slice %arg3[%squeeze3A_266, %dma_start3A_273] : memref<100000x300xf32, #tpu.memory_space<hbm>> -> memref<1x44xf32, #tpu.memory_space<hbm>>
      tpu.enqueue_dma source(%dma_start3A_274 : memref<1x44xf32, #tpu.memory_space<hbm>>) target(%dma_start3A_272 : memref<1x44xf32, #tpu.memory_space<vmem>>) target_semaphore(%arg15 : memref<!tpu.dma_semaphore, #tpu.memory_space<semaphore_mem>>)
      %mul3A_275 = arith.constant 16 : i32
      %mul3A_276 = arith.muli %scan3A_200, %mul3A_275 : i32
      %add3A_277 = arith.constant 5 : i32
      %add3A_278 = arith.addi %mul3A_276, %add3A_277 : i32
      %slice3A_279 = vector.extract_strided_slice %get3A_206 {offsets = [5], sizes = [1], strides = [1]} : vector<16xi32> to vector<1xi32>
      %squeeze3A_280 = vector.extract %slice3A_279[0] : i32 from vector<1xi32>
      %dma_start3A_281 = arith.constant 0 : i32
      %dma_start3A_282 = tpu.memref_slice %arg9[%add3A_278, %dma_start3A_281] : memref<128x44xf32, #tpu.memory_space<vmem>> -> memref<1x44xf32, #tpu.memory_space<vmem>>
      %dma_start3A_283 = arith.constant 256 : i32
      %dma_start3A_284 = tpu.memref_slice %arg3[%squeeze3A_280, %dma_start3A_283] : memref<100000x300xf32, #tpu.memory_space<hbm>> -> memref<1x44xf32, #tpu.memory_space<hbm>>
      %dma_start3A_285 = arith.constant 0 : i32
      %dma_start3A_286 = tpu.memref_slice %arg9[%add3A_278, %dma_start3A_285] : memref<128x44xf32, #tpu.memory_space<vmem>> -> memref<1x44xf32, #tpu.memory_space<vmem>>
      %dma_start3A_287 = arith.constant 256 : i32
      %dma_start3A_288 = tpu.memref_slice %arg3[%squeeze3A_280, %dma_start3A_287] : memref<100000x300xf32, #tpu.memory_space<hbm>> -> memref<1x44xf32, #tpu.memory_space<hbm>>
      tpu.enqueue_dma source(%dma_start3A_288 : memref<1x44xf32, #tpu.memory_space<hbm>>) target(%dma_start3A_286 : memref<1x44xf32, #tpu.memory_space<vmem>>) target_semaphore(%arg15 : memref<!tpu.dma_semaphore, #tpu.memory_space<semaphore_mem>>)
      %mul3A_289 = arith.constant 16 : i32
      %mul3A_290 = arith.muli %scan3A_200, %mul3A_289 : i32
      %add3A_291 = arith.constant 6 : i32
      %add3A_292 = arith.addi %mul3A_290, %add3A_291 : i32
      %slice3A_293 = vector.extract_strided_slice %get3A_206 {offsets = [6], sizes = [1], strides = [1]} : vector<16xi32> to vector<1xi32>
      %squeeze3A_294 = vector.extract %slice3A_293[0] : i32 from vector<1xi32>
      %dma_start3A_295 = arith.constant 0 : i32
      %dma_start3A_296 = tpu.memref_slice %arg9[%add3A_292, %dma_start3A_295] : memref<128x44xf32, #tpu.memory_space<vmem>> -> memref<1x44xf32, #tpu.memory_space<vmem>>
      %dma_start3A_297 = arith.constant 256 : i32
      %dma_start3A_298 = tpu.memref_slice %arg3[%squeeze3A_294, %dma_start3A_297] : memref<100000x300xf32, #tpu.memory_space<hbm>> -> memref<1x44xf32, #tpu.memory_space<hbm>>
      %dma_start3A_299 = arith.constant 0 : i32
      %dma_start3A_300 = tpu.memref_slice %arg9[%add3A_292, %dma_start3A_299] : memref<128x44xf32, #tpu.memory_space<vmem>> -> memref<1x44xf32, #tpu.memory_space<vmem>>
      %dma_start3A_301 = arith.constant 256 : i32
      %dma_start3A_302 = tpu.memref_slice %arg3[%squeeze3A_294, %dma_start3A_301] : memref<100000x300xf32, #tpu.memory_space<hbm>> -> memref<1x44xf32, #tpu.memory_space<hbm>>
      tpu.enqueue_dma source(%dma_start3A_302 : memref<1x44xf32, #tpu.memory_space<hbm>>) target(%dma_start3A_300 : memref<1x44xf32, #tpu.memory_space<vmem>>) target_semaphore(%arg15 : memref<!tpu.dma_semaphore, #tpu.memory_space<semaphore_mem>>)
      %mul3A_303 = arith.constant 16 : i32
      %mul3A_304 = arith.muli %scan3A_200, %mul3A_303 : i32
      %add3A_305 = arith.constant 7 : i32
      %add3A_306 = arith.addi %mul3A_304, %add3A_305 : i32
      %slice3A_307 = vector.extract_strided_slice %get3A_206 {offsets = [7], sizes = [1], strides = [1]} : vector<16xi32> to vector<1xi32>
      %squeeze3A_308 = vector.extract %slice3A_307[0] : i32 from vector<1xi32>
      %dma_start3A_309 = arith.constant 0 : i32
      %dma_start3A_310 = tpu.memref_slice %arg9[%add3A_306, %dma_start3A_309] : memref<128x44xf32, #tpu.memory_space<vmem>> -> memref<1x44xf32, #tpu.memory_space<vmem>>
      %dma_start3A_311 = arith.constant 256 : i32
      %dma_start3A_312 = tpu.memref_slice %arg3[%squeeze3A_308, %dma_start3A_311] : memref<100000x300xf32, #tpu.memory_space<hbm>> -> memref<1x44xf32, #tpu.memory_space<hbm>>
      %dma_start3A_313 = arith.constant 0 : i32
      %dma_start3A_314 = tpu.memref_slice %arg9[%add3A_306, %dma_start3A_313] : memref<128x44xf32, #tpu.memory_space<vmem>> -> memref<1x44xf32, #tpu.memory_space<vmem>>
      %dma_start3A_315 = arith.constant 256 : i32
      %dma_start3A_316 = tpu.memref_slice %arg3[%squeeze3A_308, %dma_start3A_315] : memref<100000x300xf32, #tpu.memory_space<hbm>> -> memref<1x44xf32, #tpu.memory_space<hbm>>
      tpu.enqueue_dma source(%dma_start3A_316 : memref<1x44xf32, #tpu.memory_space<hbm>>) target(%dma_start3A_314 : memref<1x44xf32, #tpu.memory_space<vmem>>) target_semaphore(%arg15 : memref<!tpu.dma_semaphore, #tpu.memory_space<semaphore_mem>>)
      %mul3A_317 = arith.constant 16 : i32
      %mul3A_318 = arith.muli %scan3A_200, %mul3A_317 : i32
      %add3A_319 = arith.constant 8 : i32
      %add3A_320 = arith.addi %mul3A_318, %add3A_319 : i32
      %slice3A_321 = vector.extract_strided_slice %get3A_206 {offsets = [8], sizes = [1], strides = [1]} : vector<16xi32> to vector<1xi32>
      %squeeze3A_322 = vector.extract %slice3A_321[0] : i32 from vector<1xi32>
      %dma_start3A_323 = arith.constant 0 : i32
      %dma_start3A_324 = tpu.memref_slice %arg9[%add3A_320, %dma_start3A_323] : memref<128x44xf32, #tpu.memory_space<vmem>> -> memref<1x44xf32, #tpu.memory_space<vmem>>
      %dma_start3A_325 = arith.constant 256 : i32
      %dma_start3A_326 = tpu.memref_slice %arg3[%squeeze3A_322, %dma_start3A_325] : memref<100000x300xf32, #tpu.memory_space<hbm>> -> memref<1x44xf32, #tpu.memory_space<hbm>>
      %dma_start3A_327 = arith.constant 0 : i32
      %dma_start3A_328 = tpu.memref_slice %arg9[%add3A_320, %dma_start3A_327] : memref<128x44xf32, #tpu.memory_space<vmem>> -> memref<1x44xf32, #tpu.memory_space<vmem>>
      %dma_start3A_329 = arith.constant 256 : i32
      %dma_start3A_330 = tpu.memref_slice %arg3[%squeeze3A_322, %dma_start3A_329] : memref<100000x300xf32, #tpu.memory_space<hbm>> -> memref<1x44xf32, #tpu.memory_space<hbm>>
      tpu.enqueue_dma source(%dma_start3A_330 : memref<1x44xf32, #tpu.memory_space<hbm>>) target(%dma_start3A_328 : memref<1x44xf32, #tpu.memory_space<vmem>>) target_semaphore(%arg15 : memref<!tpu.dma_semaphore, #tpu.memory_space<semaphore_mem>>)
      %mul3A_331 = arith.constant 16 : i32
      %mul3A_332 = arith.muli %scan3A_200, %mul3A_331 : i32
      %add3A_333 = arith.constant 9 : i32
      %add3A_334 = arith.addi %mul3A_332, %add3A_333 : i32
      %slice3A_335 = vector.extract_strided_slice %get3A_206 {offsets = [9], sizes = [1], strides = [1]} : vector<16xi32> to vector<1xi32>
      %squeeze3A_336 = vector.extract %slice3A_335[0] : i32 from vector<1xi32>
      %dma_start3A_337 = arith.constant 0 : i32
      %dma_start3A_338 = tpu.memref_slice %arg9[%add3A_334, %dma_start3A_337] : memref<128x44xf32, #tpu.memory_space<vmem>> -> memref<1x44xf32, #tpu.memory_space<vmem>>
      %dma_start3A_339 = arith.constant 256 : i32
      %dma_start3A_340 = tpu.memref_slice %arg3[%squeeze3A_336, %dma_start3A_339] : memref<100000x300xf32, #tpu.memory_space<hbm>> -> memref<1x44xf32, #tpu.memory_space<hbm>>
      %dma_start3A_341 = arith.constant 0 : i32
      %dma_start3A_342 = tpu.memref_slice %arg9[%add3A_334, %dma_start3A_341] : memref<128x44xf32, #tpu.memory_space<vmem>> -> memref<1x44xf32, #tpu.memory_space<vmem>>
      %dma_start3A_343 = arith.constant 256 : i32
      %dma_start3A_344 = tpu.memref_slice %arg3[%squeeze3A_336, %dma_start3A_343] : memref<100000x300xf32, #tpu.memory_space<hbm>> -> memref<1x44xf32, #tpu.memory_space<hbm>>
      tpu.enqueue_dma source(%dma_start3A_344 : memref<1x44xf32, #tpu.memory_space<hbm>>) target(%dma_start3A_342 : memref<1x44xf32, #tpu.memory_space<vmem>>) target_semaphore(%arg15 : memref<!tpu.dma_semaphore, #tpu.memory_space<semaphore_mem>>)
      %mul3A_345 = arith.constant 16 : i32
      %mul3A_346 = arith.muli %scan3A_200, %mul3A_345 : i32
      %add3A_347 = arith.constant 10 : i32
      %add3A_348 = arith.addi %mul3A_346, %add3A_347 : i32
      %slice3A_349 = vector.extract_strided_slice %get3A_206 {offsets = [10], sizes = [1], strides = [1]} : vector<16xi32> to vector<1xi32>
      %squeeze3A_350 = vector.extract %slice3A_349[0] : i32 from vector<1xi32>
      %dma_start3A_351 = arith.constant 0 : i32
      %dma_start3A_352 = tpu.memref_slice %arg9[%add3A_348, %dma_start3A_351] : memref<128x44xf32, #tpu.memory_space<vmem>> -> memref<1x44xf32, #tpu.memory_space<vmem>>
      %dma_start3A_353 = arith.constant 256 : i32
      %dma_start3A_354 = tpu.memref_slice %arg3[%squeeze3A_350, %dma_start3A_353] : memref<100000x300xf32, #tpu.memory_space<hbm>> -> memref<1x44xf32, #tpu.memory_space<hbm>>
      %dma_start3A_355 = arith.constant 0 : i32
      %dma_start3A_356 = tpu.memref_slice %arg9[%add3A_348, %dma_start3A_355] : memref<128x44xf32, #tpu.memory_space<vmem>> -> memref<1x44xf32, #tpu.memory_space<vmem>>
      %dma_start3A_357 = arith.constant 256 : i32
      %dma_start3A_358 = tpu.memref_slice %arg3[%squeeze3A_350, %dma_start3A_357] : memref<100000x300xf32, #tpu.memory_space<hbm>> -> memref<1x44xf32, #tpu.memory_space<hbm>>
      tpu.enqueue_dma source(%dma_start3A_358 : memref<1x44xf32, #tpu.memory_space<hbm>>) target(%dma_start3A_356 : memref<1x44xf32, #tpu.memory_space<vmem>>) target_semaphore(%arg15 : memref<!tpu.dma_semaphore, #tpu.memory_space<semaphore_mem>>)
      %mul3A_359 = arith.constant 16 : i32
      %mul3A_360 = arith.muli %scan3A_200, %mul3A_359 : i32
      %add3A_361 = arith.constant 11 : i32
      %add3A_362 = arith.addi %mul3A_360, %add3A_361 : i32
      %slice3A_363 = vector.extract_strided_slice %get3A_206 {offsets = [11], sizes = [1], strides = [1]} : vector<16xi32> to vector<1xi32>
      %squeeze3A_364 = vector.extract %slice3A_363[0] : i32 from vector<1xi32>
      %dma_start3A_365 = arith.constant 0 : i32
      %dma_start3A_366 = tpu.memref_slice %arg9[%add3A_362, %dma_start3A_365] : memref<128x44xf32, #tpu.memory_space<vmem>> -> memref<1x44xf32, #tpu.memory_space<vmem>>
      %dma_start3A_367 = arith.constant 256 : i32
      %dma_start3A_368 = tpu.memref_slice %arg3[%squeeze3A_364, %dma_start3A_367] : memref<100000x300xf32, #tpu.memory_space<hbm>> -> memref<1x44xf32, #tpu.memory_space<hbm>>
      %dma_start3A_369 = arith.constant 0 : i32
      %dma_start3A_370 = tpu.memref_slice %arg9[%add3A_362, %dma_start3A_369] : memref<128x44xf32, #tpu.memory_space<vmem>> -> memref<1x44xf32, #tpu.memory_space<vmem>>
      %dma_start3A_371 = arith.constant 256 : i32
      %dma_start3A_372 = tpu.memref_slice %arg3[%squeeze3A_364, %dma_start3A_371] : memref<100000x300xf32, #tpu.memory_space<hbm>> -> memref<1x44xf32, #tpu.memory_space<hbm>>
      tpu.enqueue_dma source(%dma_start3A_372 : memref<1x44xf32, #tpu.memory_space<hbm>>) target(%dma_start3A_370 : memref<1x44xf32, #tpu.memory_space<vmem>>) target_semaphore(%arg15 : memref<!tpu.dma_semaphore, #tpu.memory_space<semaphore_mem>>)
      %mul3A_373 = arith.constant 16 : i32
      %mul3A_374 = arith.muli %scan3A_200, %mul3A_373 : i32
      %add3A_375 = arith.constant 12 : i32
      %add3A_376 = arith.addi %mul3A_374, %add3A_375 : i32
      %slice3A_377 = vector.extract_strided_slice %get3A_206 {offsets = [12], sizes = [1], strides = [1]} : vector<16xi32> to vector<1xi32>
      %squeeze3A_378 = vector.extract %slice3A_377[0] : i32 from vector<1xi32>
      %dma_start3A_379 = arith.constant 0 : i32
      %dma_start3A_380 = tpu.memref_slice %arg9[%add3A_376, %dma_start3A_379] : memref<128x44xf32, #tpu.memory_space<vmem>> -> memref<1x44xf32, #tpu.memory_space<vmem>>
      %dma_start3A_381 = arith.constant 256 : i32
      %dma_start3A_382 = tpu.memref_slice %arg3[%squeeze3A_378, %dma_start3A_381] : memref<100000x300xf32, #tpu.memory_space<hbm>> -> memref<1x44xf32, #tpu.memory_space<hbm>>
      %dma_start3A_383 = arith.constant 0 : i32
      %dma_start3A_384 = tpu.memref_slice %arg9[%add3A_376, %dma_start3A_383] : memref<128x44xf32, #tpu.memory_space<vmem>> -> memref<1x44xf32, #tpu.memory_space<vmem>>
      %dma_start3A_385 = arith.constant 256 : i32
      %dma_start3A_386 = tpu.memref_slice %arg3[%squeeze3A_378, %dma_start3A_385] : memref<100000x300xf32, #tpu.memory_space<hbm>> -> memref<1x44xf32, #tpu.memory_space<hbm>>
      tpu.enqueue_dma source(%dma_start3A_386 : memref<1x44xf32, #tpu.memory_space<hbm>>) target(%dma_start3A_384 : memref<1x44xf32, #tpu.memory_space<vmem>>) target_semaphore(%arg15 : memref<!tpu.dma_semaphore, #tpu.memory_space<semaphore_mem>>)
      %mul3A_387 = arith.constant 16 : i32
      %mul3A_388 = arith.muli %scan3A_200, %mul3A_387 : i32
      %add3A_389 = arith.constant 13 : i32
      %add3A_390 = arith.addi %mul3A_388, %add3A_389 : i32
      %slice3A_391 = vector.extract_strided_slice %get3A_206 {offsets = [13], sizes = [1], strides = [1]} : vector<16xi32> to vector<1xi32>
      %squeeze3A_392 = vector.extract %slice3A_391[0] : i32 from vector<1xi32>
      %dma_start3A_393 = arith.constant 0 : i32
      %dma_start3A_394 = tpu.memref_slice %arg9[%add3A_390, %dma_start3A_393] : memref<128x44xf32, #tpu.memory_space<vmem>> -> memref<1x44xf32, #tpu.memory_space<vmem>>
      %dma_start3A_395 = arith.constant 256 : i32
      %dma_start3A_396 = tpu.memref_slice %arg3[%squeeze3A_392, %dma_start3A_395] : memref<100000x300xf32, #tpu.memory_space<hbm>> -> memref<1x44xf32, #tpu.memory_space<hbm>>
      %dma_start3A_397 = arith.constant 0 : i32
      %dma_start3A_398 = tpu.memref_slice %arg9[%add3A_390, %dma_start3A_397] : memref<128x44xf32, #tpu.memory_space<vmem>> -> memref<1x44xf32, #tpu.memory_space<vmem>>
      %dma_start3A_399 = arith.constant 256 : i32
      %dma_start3A_400 = tpu.memref_slice %arg3[%squeeze3A_392, %dma_start3A_399] : memref<100000x300xf32, #tpu.memory_space<hbm>> -> memref<1x44xf32, #tpu.memory_space<hbm>>
      tpu.enqueue_dma source(%dma_start3A_400 : memref<1x44xf32, #tpu.memory_space<hbm>>) target(%dma_start3A_398 : memref<1x44xf32, #tpu.memory_space<vmem>>) target_semaphore(%arg15 : memref<!tpu.dma_semaphore, #tpu.memory_space<semaphore_mem>>)
      %mul3A_401 = arith.constant 16 : i32
      %mul3A_402 = arith.muli %scan3A_200, %mul3A_401 : i32
      %add3A_403 = arith.constant 14 : i32
      %add3A_404 = arith.addi %mul3A_402, %add3A_403 : i32
      %slice3A_405 = vector.extract_strided_slice %get3A_206 {offsets = [14], sizes = [1], strides = [1]} : vector<16xi32> to vector<1xi32>
      %squeeze3A_406 = vector.extract %slice3A_405[0] : i32 from vector<1xi32>
      %dma_start3A_407 = arith.constant 0 : i32
      %dma_start3A_408 = tpu.memref_slice %arg9[%add3A_404, %dma_start3A_407] : memref<128x44xf32, #tpu.memory_space<vmem>> -> memref<1x44xf32, #tpu.memory_space<vmem>>
      %dma_start3A_409 = arith.constant 256 : i32
      %dma_start3A_410 = tpu.memref_slice %arg3[%squeeze3A_406, %dma_start3A_409] : memref<100000x300xf32, #tpu.memory_space<hbm>> -> memref<1x44xf32, #tpu.memory_space<hbm>>
      %dma_start3A_411 = arith.constant 0 : i32
      %dma_start3A_412 = tpu.memref_slice %arg9[%add3A_404, %dma_start3A_411] : memref<128x44xf32, #tpu.memory_space<vmem>> -> memref<1x44xf32, #tpu.memory_space<vmem>>
      %dma_start3A_413 = arith.constant 256 : i32
      %dma_start3A_414 = tpu.memref_slice %arg3[%squeeze3A_406, %dma_start3A_413] : memref<100000x300xf32, #tpu.memory_space<hbm>> -> memref<1x44xf32, #tpu.memory_space<hbm>>
      tpu.enqueue_dma source(%dma_start3A_414 : memref<1x44xf32, #tpu.memory_space<hbm>>) target(%dma_start3A_412 : memref<1x44xf32, #tpu.memory_space<vmem>>) target_semaphore(%arg15 : memref<!tpu.dma_semaphore, #tpu.memory_space<semaphore_mem>>)
      %mul3A_415 = arith.constant 16 : i32
      %mul3A_416 = arith.muli %scan3A_200, %mul3A_415 : i32
      %add3A_417 = arith.constant 15 : i32
      %add3A_418 = arith.addi %mul3A_416, %add3A_417 : i32
      %slice3A_419 = vector.extract_strided_slice %get3A_206 {offsets = [15], sizes = [1], strides = [1]} : vector<16xi32> to vector<1xi32>
      %squeeze3A_420 = vector.extract %slice3A_419[0] : i32 from vector<1xi32>
      %dma_start3A_421 = arith.constant 0 : i32
      %dma_start3A_422 = tpu.memref_slice %arg9[%add3A_418, %dma_start3A_421] : memref<128x44xf32, #tpu.memory_space<vmem>> -> memref<1x44xf32, #tpu.memory_space<vmem>>
      %dma_start3A_423 = arith.constant 256 : i32
      %dma_start3A_424 = tpu.memref_slice %arg3[%squeeze3A_420, %dma_start3A_423] : memref<100000x300xf32, #tpu.memory_space<hbm>> -> memref<1x44xf32, #tpu.memory_space<hbm>>
      %dma_start3A_425 = arith.constant 0 : i32
      %dma_start3A_426 = tpu.memref_slice %arg9[%add3A_418, %dma_start3A_425] : memref<128x44xf32, #tpu.memory_space<vmem>> -> memref<1x44xf32, #tpu.memory_space<vmem>>
      %dma_start3A_427 = arith.constant 256 : i32
      %dma_start3A_428 = tpu.memref_slice %arg3[%squeeze3A_420, %dma_start3A_427] : memref<100000x300xf32, #tpu.memory_space<hbm>> -> memref<1x44xf32, #tpu.memory_space<hbm>>
      tpu.enqueue_dma source(%dma_start3A_428 : memref<1x44xf32, #tpu.memory_space<hbm>>) target(%dma_start3A_426 : memref<1x44xf32, #tpu.memory_space<vmem>>) target_semaphore(%arg15 : memref<!tpu.dma_semaphore, #tpu.memory_space<semaphore_mem>>)
    }
    %scan3A_125 = arith.constant 8 : i32
    %dma_wait3A_126 = arith.constant 2 : i32
    %dma_wait3A_127 = arith.constant 0 : i32
    %dma_wait3A_128 = tpu.memref_slice %arg5[%dma_wait3A_126, %dma_wait3A_127] : memref<4x128xi32, #tpu.memory_space<vmem>> -> memref<1x128xi32, #tpu.memory_space<vmem>>
    %dma_wait3A_129 = tpu.memref_squeeze %dma_wait3A_128 : memref<1x128xi32, #tpu.memory_space<vmem>> -> memref<128xi32, #tpu.memory_space<vmem>>
    %dma_wait3A_130 = arith.constant 0 : i32
    %dma_wait3A_131 = arith.constant 0 : i32
    %dma_wait3A_132 = tpu.memref_slice %arg3[%dma_wait3A_130, %dma_wait3A_131] : memref<100000x300xf32, #tpu.memory_space<hbm>> -> memref<100000x256xf32, #tpu.memory_space<hbm>>
    tpu.wait_indirect_dma semaphore(%arg10 : memref<!tpu.dma_semaphore, #tpu.memory_space<semaphore_mem>>) src(%dma_wait3A_132 : memref<100000x256xf32, #tpu.memory_space<hbm>>) dst(%arg6 : memref<128x256xf32, #tpu.memory_space<vmem>>)
    %add3A_133 = arith.constant 256 : i32
    %add3A_134 = arith.addi %mul3A_2, %add3A_133 : i32
    %dma_start3A_135 = arith.constant 0 : i32
    %dma_start3A_136 = tpu.memref_slice %arg4[%add3A_134, %dma_start3A_135] : memref<16384x300xf32, #tpu.memory_space<hbm>> -> memref<128x256xf32, #tpu.memory_space<hbm>>
    %dma_start3A_137 = arith.constant 0 : i32
    %dma_start3A_138 = tpu.memref_slice %arg4[%add3A_134, %dma_start3A_137] : memref<16384x300xf32, #tpu.memory_space<hbm>> -> memref<128x256xf32, #tpu.memory_space<hbm>>
    tpu.enqueue_dma source(%arg6 : memref<128x256xf32, #tpu.memory_space<vmem>>) target(%dma_start3A_138 : memref<128x256xf32, #tpu.memory_space<hbm>>) target_semaphore(%arg12 : memref<!tpu.dma_semaphore, #tpu.memory_space<semaphore_mem>>)
    %dma_wait3A_139 = arith.constant 0 : i32
    %dma_wait3A_140 = arith.constant 256 : i32
    %dma_wait3A_141 = tpu.memref_slice %arg3[%dma_wait3A_139, %dma_wait3A_140] : memref<100000x300xf32, #tpu.memory_space<hbm>> -> memref<128x44xf32, #tpu.memory_space<hbm>>
    %dma_wait3A_142 = arith.constant 0 : i32
    %dma_wait3A_143 = arith.constant 256 : i32
    %dma_wait3A_144 = tpu.memref_slice %arg3[%dma_wait3A_142, %dma_wait3A_143] : memref<100000x300xf32, #tpu.memory_space<hbm>> -> memref<128x44xf32, #tpu.memory_space<hbm>>
    tpu.wait_dma2 semaphore(%arg14 : memref<!tpu.dma_semaphore, #tpu.memory_space<semaphore_mem>>) src(%dma_wait3A_144 : memref<128x44xf32, #tpu.memory_space<hbm>>) dst(%arg8 : memref<128x44xf32, #tpu.memory_space<vmem>>)
    %add3A_145 = arith.constant 256 : i32
    %add3A_146 = arith.addi %mul3A_2, %add3A_145 : i32
    %dma_start3A_147 = arith.constant 256 : i32
    %dma_start3A_148 = tpu.memref_slice %arg4[%add3A_146, %dma_start3A_147] : memref<16384x300xf32, #tpu.memory_space<hbm>> -> memref<128x44xf32, #tpu.memory_space<hbm>>
    %dma_start3A_149 = arith.constant 256 : i32
    %dma_start3A_150 = tpu.memref_slice %arg4[%add3A_146, %dma_start3A_149] : memref<16384x300xf32, #tpu.memory_space<hbm>> -> memref<128x44xf32, #tpu.memory_space<hbm>>
    tpu.enqueue_dma source(%arg8 : memref<128x44xf32, #tpu.memory_space<vmem>>) target(%dma_start3A_150 : memref<128x44xf32, #tpu.memory_space<hbm>>) target_semaphore(%arg16 : memref<!tpu.dma_semaphore, #tpu.memory_space<semaphore_mem>>)
    %dma_wait3A_151 = arith.constant 3 : i32
    %dma_wait3A_152 = arith.constant 0 : i32
    %dma_wait3A_153 = tpu.memref_slice %arg5[%dma_wait3A_151, %dma_wait3A_152] : memref<4x128xi32, #tpu.memory_space<vmem>> -> memref<1x128xi32, #tpu.memory_space<vmem>>
    %dma_wait3A_154 = tpu.memref_squeeze %dma_wait3A_153 : memref<1x128xi32, #tpu.memory_space<vmem>> -> memref<128xi32, #tpu.memory_space<vmem>>
    %dma_wait3A_155 = arith.constant 0 : i32
    %dma_wait3A_156 = arith.constant 0 : i32
    %dma_wait3A_157 = tpu.memref_slice %arg3[%dma_wait3A_155, %dma_wait3A_156] : memref<100000x300xf32, #tpu.memory_space<hbm>> -> memref<100000x256xf32, #tpu.memory_space<hbm>>
    tpu.wait_indirect_dma semaphore(%arg11 : memref<!tpu.dma_semaphore, #tpu.memory_space<semaphore_mem>>) src(%dma_wait3A_157 : memref<100000x256xf32, #tpu.memory_space<hbm>>) dst(%arg7 : memref<128x256xf32, #tpu.memory_space<vmem>>)
    %add3A_158 = arith.constant 384 : i32
    %add3A_159 = arith.addi %mul3A_2, %add3A_158 : i32
    %dma_start3A_160 = arith.constant 0 : i32
    %dma_start3A_161 = tpu.memref_slice %arg4[%add3A_159, %dma_start3A_160] : memref<16384x300xf32, #tpu.memory_space<hbm>> -> memref<128x256xf32, #tpu.memory_space<hbm>>
    %dma_start3A_162 = arith.constant 0 : i32
    %dma_start3A_163 = tpu.memref_slice %arg4[%add3A_159, %dma_start3A_162] : memref<16384x300xf32, #tpu.memory_space<hbm>> -> memref<128x256xf32, #tpu.memory_space<hbm>>
    tpu.enqueue_dma source(%arg7 : memref<128x256xf32, #tpu.memory_space<vmem>>) target(%dma_start3A_163 : memref<128x256xf32, #tpu.memory_space<hbm>>) target_semaphore(%arg13 : memref<!tpu.dma_semaphore, #tpu.memory_space<semaphore_mem>>)
    %dma_wait3A_164 = arith.constant 0 : i32
    %dma_wait3A_165 = arith.constant 256 : i32
    %dma_wait3A_166 = tpu.memref_slice %arg3[%dma_wait3A_164, %dma_wait3A_165] : memref<100000x300xf32, #tpu.memory_space<hbm>> -> memref<128x44xf32, #tpu.memory_space<hbm>>
    %dma_wait3A_167 = arith.constant 0 : i32
    %dma_wait3A_168 = arith.constant 256 : i32
    %dma_wait3A_169 = tpu.memref_slice %arg3[%dma_wait3A_167, %dma_wait3A_168] : memref<100000x300xf32, #tpu.memory_space<hbm>> -> memref<128x44xf32, #tpu.memory_space<hbm>>
    tpu.wait_dma2 semaphore(%arg15 : memref<!tpu.dma_semaphore, #tpu.memory_space<semaphore_mem>>) src(%dma_wait3A_169 : memref<128x44xf32, #tpu.memory_space<hbm>>) dst(%arg9 : memref<128x44xf32, #tpu.memory_space<vmem>>)
    %add3A_170 = arith.constant 384 : i32
    %add3A_171 = arith.addi %mul3A_2, %add3A_170 : i32
    %dma_start3A_172 = arith.constant 256 : i32
    %dma_start3A_173 = tpu.memref_slice %arg4[%add3A_171, %dma_start3A_172] : memref<16384x300xf32, #tpu.memory_space<hbm>> -> memref<128x44xf32, #tpu.memory_space<hbm>>
    %dma_start3A_174 = arith.constant 256 : i32
    %dma_start3A_175 = tpu.memref_slice %arg4[%add3A_171, %dma_start3A_174] : memref<16384x300xf32, #tpu.memory_space<hbm>> -> memref<128x44xf32, #tpu.memory_space<hbm>>
    tpu.enqueue_dma source(%arg9 : memref<128x44xf32, #tpu.memory_space<vmem>>) target(%dma_start3A_175 : memref<128x44xf32, #tpu.memory_space<hbm>>) target_semaphore(%arg17 : memref<!tpu.dma_semaphore, #tpu.memory_space<semaphore_mem>>)
    %add3A_176 = arith.constant 256 : i32
    %add3A_177 = arith.addi %mul3A_2, %add3A_176 : i32
    %dma_wait3A_178 = arith.constant 0 : i32
    %dma_wait3A_179 = tpu.memref_slice %arg4[%add3A_177, %dma_wait3A_178] : memref<16384x300xf32, #tpu.memory_space<hbm>> -> memref<128x256xf32, #tpu.memory_space<hbm>>
    %dma_wait3A_180 = arith.constant 0 : i32
    %dma_wait3A_181 = tpu.memref_slice %arg4[%add3A_177, %dma_wait3A_180] : memref<16384x300xf32, #tpu.memory_space<hbm>> -> memref<128x256xf32, #tpu.memory_space<hbm>>
    tpu.wait_dma2 semaphore(%arg12 : memref<!tpu.dma_semaphore, #tpu.memory_space<semaphore_mem>>) src(%arg6 : memref<128x256xf32, #tpu.memory_space<vmem>>) dst(%dma_wait3A_181 : memref<128x256xf32, #tpu.memory_space<hbm>>)
    %add3A_182 = arith.constant 256 : i32
    %add3A_183 = arith.addi %mul3A_2, %add3A_182 : i32
    %dma_wait3A_184 = arith.constant 256 : i32
    %dma_wait3A_185 = tpu.memref_slice %arg4[%add3A_183, %dma_wait3A_184] : memref<16384x300xf32, #tpu.memory_space<hbm>> -> memref<128x44xf32, #tpu.memory_space<hbm>>
    %dma_wait3A_186 = arith.constant 256 : i32
    %dma_wait3A_187 = tpu.memref_slice %arg4[%add3A_183, %dma_wait3A_186] : memref<16384x300xf32, #tpu.memory_space<hbm>> -> memref<128x44xf32, #tpu.memory_space<hbm>>
    tpu.wait_dma2 semaphore(%arg16 : memref<!tpu.dma_semaphore, #tpu.memory_space<semaphore_mem>>) src(%arg8 : memref<128x44xf32, #tpu.memory_space<vmem>>) dst(%dma_wait3A_187 : memref<128x44xf32, #tpu.memory_space<hbm>>)
    %add3A_188 = arith.constant 384 : i32
    %add3A_189 = arith.addi %mul3A_2, %add3A_188 : i32
    %dma_wait3A_190 = arith.constant 0 : i32
    %dma_wait3A_191 = tpu.memref_slice %arg4[%add3A_189, %dma_wait3A_190] : memref<16384x300xf32, #tpu.memory_space<hbm>> -> memref<128x256xf32, #tpu.memory_space<hbm>>
    %dma_wait3A_192 = arith.constant 0 : i32
    %dma_wait3A_193 = tpu.memref_slice %arg4[%add3A_189, %dma_wait3A_192] : memref<16384x300xf32, #tpu.memory_space<hbm>> -> memref<128x256xf32, #tpu.memory_space<hbm>>
    tpu.wait_dma2 semaphore(%arg13 : memref<!tpu.dma_semaphore, #tpu.memory_space<semaphore_mem>>) src(%arg7 : memref<128x256xf32, #tpu.memory_space<vmem>>) dst(%dma_wait3A_193 : memref<128x256xf32, #tpu.memory_space<hbm>>)
    %add3A_194 = arith.constant 384 : i32
    %add3A_195 = arith.addi %mul3A_2, %add3A_194 : i32
    %dma_wait3A_196 = arith.constant 256 : i32
    %dma_wait3A_197 = tpu.memref_slice %arg4[%add3A_195, %dma_wait3A_196] : memref<16384x300xf32, #tpu.memory_space<hbm>> -> memref<128x44xf32, #tpu.memory_space<hbm>>
    %dma_wait3A_198 = arith.constant 256 : i32
    %dma_wait3A_199 = tpu.memref_slice %arg4[%add3A_195, %dma_wait3A_198] : memref<16384x300xf32, #tpu.memory_space<hbm>> -> memref<128x44xf32, #tpu.memory_space<hbm>>
    tpu.wait_dma2 semaphore(%arg17 : memref<!tpu.dma_semaphore, #tpu.memory_space<semaphore_mem>>) src(%arg9 : memref<128x44xf32, #tpu.memory_space<vmem>>) dst(%dma_wait3A_199 : memref<128x44xf32, #tpu.memory_space<hbm>>)
    return
  }
}

</mosaic_0001>

<sc_bundles>
// kernel: kernel.3.cloned.1.call-start
scs
__scs_entry_jumppad:
0x0: {  	(pc) =	sbr.rel $0x88, $3  }
0x1: {  	(tag) =	ssettag $0x0;
	lr =	simm.s32 $0x1  }
0x2: {  	[smem:$0x3F9F] =	sst lr;
	_ =	strace $0xD0000000  }
0x3: {  	_ = 	snop  }
0x4: {  	_ = 	snop  }
0x5: {  	_ = 	snop  }
0x6: {  	_ = 	snop  }
0x7: {  	_ = 	snop  }
__scs_overlays_trampoline_lowered:
0x8: {  	[smem:$0x3FAE] =	sst s0  }
0x9: {  	[smem:$0x3FAF] =	sst s1  }
0xa: {  	[smem:$0x3FB0] =	sst s2  }
0xb: {  	[smem:$0x3FB1] =	sst s3  }
0xc: {  	[smem:$0x3FB2] =	sst s4  }
0xd: {  	[smem:$0x3FB3] =	sst s5  }
0xe: {  	[smem:$0x3FB4] =	sst s6  }
0xf: {  	[smem:$0x3FB5] =	sst s7  }
0x10: {  	[smem:$0x3FB6] =	sst s8  }
0x11: {  	[smem:$0x3FB7] =	sst s9;
	s0 =	simm.s32 @!p0 $0x0  }
0x12: {  	s1 =	sld [smem:$0x3F9D];
	s0 =	simm.s32 @p0 $0x1  }
0x13: {  	[smem:$0x3FB8] =	sst s0;
	s0 =	simm.s32 @!p1 $0x0  }
0x14: {  	s2 =	sld [smem:$0x3F9C];
	s0 =	simm.s32 @p1 $0x1  }
0x15: {  	[smem:$0x3FB9] =	sst s0;
	s0 =	simm.s32 @!p2 $0x0  }
0x16: {  	s3 =	sld [smem:$0x3FDB];
	s0 =	simm.s32 @p2 $0x1  }
0x17: {  	s4 =	simm.s32 $0x1BF5;
	[smem:$0x3FBB] =	sst s0  }
0x18: {  	s0 =	sld [smem:$0x3F9E];
	_ =	swait.ge [sflag:s4], $0x0  }
0x19: {  	s7 =	sld [smem:$0x3F9F]  }
0x1a: {  	s8 =	sadd.s32 $0xFFFFE003, lr  }
0x1b: {  	s9 =	sadd.s32 $0xFFFFFEF7, lr;
	s5 =	simm.s32 $0xFFFFFFFF;
	p2 =	slt.u32 s8, $0xFFFFF086  }
0x1c: {  	p1 =	slt.u32 s9, $0xF7A;
	s5 =	simm.s32 @!p2 $0x0  }
0x1d: {  	s5 =	simm.s32 @p1 $0x1;
	p0 =	seq.s32 s7, s2  }
0x1e: {  	s7 =	smul.u32 @!p0 $0xF7A, s2;
	p2 =	seq.s32 @!p0 s5, $0x0  }
0x1f: {  	s9 =	smul.u32 $0xF7A, s1;
	s8 =	simm.s32 @!p0 $0x1BF5;
	p2 =	por !p2, p0  }
0x20: {  	[sflag:s8] =	ssyncset.s32 @!p0 $0xFFFFF086;
	s6 =	sadd.s32 @!p0 s3, s7;
	s7 =	simm.s32 @!p0 $0x108  }
0x21: {  	s3 =	sadd.s32 s3, s9;
	s6 =	sadd.s32 @!p0 $0x88, s6;
	s7 =	simm.s32 @p2 $0x1082  }
0x22: {  	[simem:s7], [sflag:s8] =	dma.local @!p0 [hbm:s6], $0xF7A  }
0x23: {  	s9 =	sor.u32 $0xD0000000, s2;
	s6 =	simm.s32 $0x108;
	_ =	swait.ge @!p0 [sflag:s8], $0x0  }
0x24: {  	s3 =	sadd.s32 $0x88, s3;
	s6 =	simm.s32 @!p1 $0x1082;
	[sflag:s4] =	ssyncset.s32 $0xFFFFF086  }
0x25: {  	[simem:s6], [sflag:s4] =	dma.local [hbm:s3], $0xF7A  }
0x26: {  	[smem:$0x3F9F] =	sst s1;
	(tag) =	ssettag s2;
	_ =	strace s9  }
0x27: {  	s1 =	sld [smem:$0x3FAF]  }
0x28: {  	s2 =	sld [smem:$0x3FB0]  }
0x29: {  	s4 =	sld [smem:$0x3FB2]  }
0x2a: {  	p0 =	seq.s32 s5, $0x0;
	s5 =	sld [smem:$0x3FB3]  }
0x2b: {  	s6 =	sld [smem:$0x3FB4]  }
0x2c: {  	s7 =	sld [smem:$0x3FB5]  }
0x2d: {  	s3 =	simm.s32 $0x108;
	s8 =	sld [smem:$0x3FB6]  }
0x2e: {  	s3 =	simm.s32 @!p0 $0x1082;
	s9 =	sld [smem:$0x3FB7]  }
0x2f: {  	lr =	sadd.s32 s0, s3;
	s0 =	sld [smem:$0x3FAE]  }
0x30: {  	s3 =	sld [smem:$0x3FB1]  }
0x31: {  	[smem:$0x3FBA] =	sst s10  }
0x32: {  	s10 =	sld [smem:$0x3FB8];
	_ =	sdelay $0x3  }
0x33: {  	p0 =	seq.s32 s10, $0x1;
	s10 =	sld [smem:$0x3FBA];
	_ =	sdelay $0x3  }
0x34: {  	[smem:$0x3FBA] =	sst s10  }
0x35: {  	s10 =	sld [smem:$0x3FB9];
	_ =	sdelay $0x3  }
0x36: {  	p1 =	seq.s32 s10, $0x1;
	s10 =	sld [smem:$0x3FBA];
	_ =	sdelay $0x3  }
0x37: {  	[smem:$0x3FBA] =	sst s10  }
0x38: {  	s10 =	sld [smem:$0x3FBB]  }
0x39: {  	_ = 	snop;
	(pc) =	sbr.ind lr, $3  }
0x3a: {  	_ = 	snop  }
0x3b: {  	_ = 	snop  }
0x3c: {  	p2 =	seq.s32 s10, $0x1;
	s10 =	sld [smem:$0x3FBA]  }
0x3d: {  	_ =	shalt  }
0x3e: {  	_ =	shalt  }
0x3f: {  	_ =	shalt  }
0x40: {  	_ =	shalt  }
0x41: {  	_ =	shalt  }
0x42: {  	_ =	shalt  }
0x43: {  	_ =	shalt  }
0x44: {  	_ =	shalt  }
0x45: {  	_ =	shalt  }
0x46: {  	_ =	shalt  }
0x47: {  	_ =	shalt  }
0x48: {  	_ =	shalt  }
0x49: {  	_ =	shalt  }
0x4a: {  	_ =	shalt  }
0x4b: {  	_ =	shalt  }
0x4c: {  	_ =	shalt  }
0x4d: {  	_ =	shalt  }
0x4e: {  	_ =	shalt  }
0x4f: {  	_ =	shalt  }
0x50: {  	_ =	shalt  }
0x51: {  	_ =	shalt  }
0x52: {  	_ =	shalt  }
0x53: {  	_ =	shalt  }
0x54: {  	_ =	shalt  }
0x55: {  	_ =	shalt  }
0x56: {  	_ =	shalt  }
0x57: {  	_ =	shalt  }
0x58: {  	_ =	shalt  }
0x59: {  	_ =	shalt  }
0x5a: {  	_ =	shalt  }
0x5b: {  	_ =	shalt  }
0x5c: {  	_ =	shalt  }
0x5d: {  	_ =	shalt  }
0x5e: {  	_ =	shalt  }
0x5f: {  	_ =	shalt  }
0x60: {  	_ =	shalt  }
0x61: {  	_ =	shalt  }
0x62: {  	_ =	shalt  }
0x63: {  	_ =	shalt  }
0x64: {  	_ =	shalt  }
0x65: {  	_ =	shalt  }
0x66: {  	_ =	shalt  }
0x67: {  	_ =	shalt  }
0x68: {  	_ =	shalt  }
0x69: {  	_ =	shalt  }
0x6a: {  	_ =	shalt  }
0x6b: {  	_ =	shalt  }
0x6c: {  	_ =	shalt  }
0x6d: {  	_ =	shalt  }
0x6e: {  	_ =	shalt  }
0x6f: {  	_ =	shalt  }
0x70: {  	_ =	shalt  }
0x71: {  	_ =	shalt  }
0x72: {  	_ =	shalt  }
0x73: {  	_ =	shalt  }
0x74: {  	_ =	shalt  }
0x75: {  	_ =	shalt  }
0x76: {  	_ =	shalt  }
0x77: {  	_ =	shalt  }
0x78: {  	_ =	shalt  }
0x79: {  	_ =	shalt  }
0x7a: {  	_ =	shalt  }
0x7b: {  	_ =	shalt  }
0x7c: {  	_ =	shalt  }
0x7d: {  	_ =	shalt  }
0x7e: {  	_ =	shalt  }
0x7f: {  	_ =	shalt  }
0x80: {  	_ =	shalt  }
0x81: {  	_ =	shalt  }
0x82: {  	_ =	shalt  }
0x83: {  	_ =	shalt  }
0x84: {  	_ =	shalt  }
0x85: {  	_ =	shalt  }
0x86: {  	_ =	shalt  }
0x87: {  	_ =	shalt  }
.Lfunc_end0:
.L_simem_size_0:
called_computation_lowered:
.L_overlay_start_0:
0x88: {  	s2 =	sld [smem:$0x3FD9]  }
0x89: {  	s3 =	sld [smem:$0x3FFE];
	_ =	sdelay $0x1  }
0x8a: {  	s1 =	srdreg.scid  }
0x8b: {  	s0 =	sand.u32 $0x1, s1  }
0x8c: {  	s17 =	sshll.u32 s0, $0xA;
	s2 =	sadd.s32 s3, s2  }
0x8d: {  	s2 =	sadd.s32 s2, s17  }
0x8e: {  	[smem:$0x3FC6] =	sst s2  }
0x8f: {  	_ = 	snop  }
0x90: {  	s2 =	sld [smem:$0x3FC9];
	(tm) =	ssettm $0x1  }
0x91: {  	s18 =	sld [smem:$0x3FFB];
	_ =	sdelay $0x3  }
0x92: {  	_ =	strace s18  }
0x93: {  	s3 =	sld [smem:$0x3FFC];
	_ =	sdelay $0x3  }
0x94: {  	_ =	strace s3  }
0x95: {  	s3 =	sld [smem:$0x3FFD];
	_ =	sdelay $0x3  }
0x96: {  	_ =	strace s3  }
0x97: {  	_ =	strace $0x8FFFFFFF  }
0x98: {  	s19 =	sld [smem:$0x3FDB];
	_ =	sdelay $0x1  }
0x99: {  	s4 =	simm.s32 $_scs_section_size  }
0x9a: {  	s5 =	simm.s32 $_size__tile_overlayer_lowered;
	s6 =	simm.s32 $_tile_overlayer_lowered  }
0x9b: {  	s22 =	simm.s32 $0x1BFF;
	s21 =	sshll.u32 s6, $0x1;
	s3 =	sadd.s32 s4, s19  }
0x9c: {  	s7 =	simm.s32 $0x0;
	s20 =	sshll.u32 s5, $0x1;
	s5 =	sadd.s32 s21, s3  }
0x9d: {  	[timem:s7], [sflag:s22] =	dma.local [hbm:s5], s20  }
0x9e: {  	_ =	swait.ge [sflag:s22], s20  }
0x9f: {  	s4 =	ssub.s32 $0x0, s20;
	[sflag:s22] =	ssyncset.done $0x0  }
0xa0: {  	[sflag:s22] =	ssyncadd.s32 s4;
	_ =	sdelay $0x1  }
0xa1: {  	s23 =	simm.s32 $0x1B8B  }
0xa2: {  	_ =	swait.ge [sflag:s23], $0x1  }
0xa3: {  	[sflag:s23] =	ssyncset.done $0x0  }
0xa4: {  	s25 =	simm.s32 $0x1B8E;
	s24 =	sld [smem:$0x3FFE];
	[sflag:s23] =	ssyncadd.s32 $0xFFFFFFFF  }
0xa5: {  	s26 =	simm.s32 $execute0_lowered;
	[smem:$0x3FD2] =	sst s25  }
0xa6: {  	s5 =	sshll.u32 s26, $0x1;
	_ =	strace $0x80000046;
	[dreg:$0x1] =	wrdreg $0xFFFFFFFF  }
0xa7: {  	s28 =	simm.s32 $_size_execute0_lowered;
	s3 =	sadd.s32 s3, s5;
	[dreg:$0x0] =	wrdreg $0x0  }
0xa8: {  	s5 =	sshll.u32 s28, $0x1;
	[dreg:$0x2] =	wrdreg s3  }
0xa9: {  	[dreg:$0x3] =	wrdreg s5  }
0xaa: {  	[dreg:$0x4] =	wrdreg $0xC0  }
0xab: {  	_ =	task [dreg:s7], $0x5FFFF  }
0xac: {  	[dreg:$0x1] =	wrdreg $0xFFFFFFFF  }
0xad: {  	[dreg:$0x0] =	wrdreg $0x60  }
0xae: {  	[dreg:$0x2] =	wrdreg s2  }
0xaf: {  	[dreg:$0x3] =	wrdreg s24  }
0xb0: {  	[dreg:$0x4] =	wrdreg $0x9  }
0xb1: {  	_ =	task.clear_ibuf [dreg:s7], $0x5FFFF;
	_ =	strace $0x90000046  }
0xb2: {  	s29 =	simm.s32 $0x9;
	_ =	strace $0x80000048  }
0xb3: {  	_ =	swait.ge [sflag:s29], $0x1  }
0xb4: {  	[sflag:s29] =	ssyncadd.s32 $0xFFFFFFFF  }
0xb5: {  	_ =	strace $0x90000048  }
0xb6: {  	_ =	sfence  }
0xb7: {  	s30 =	sld [smem:$0x0];
	_ =	sdelay $0x2  }
0xb8: {  	s31 =	sshll.u32 s1, $0xD;
	s1 =	sshrl.u32 s1, $0x2  }
0xb9: {  	s3 =	sand.u32 $0x4000, s31;
	s1 =	sadd.s32 s1, s30  }
0xba: {  	s0 =	sor.u32 s3, s0;
	s1 =	sshll.u32 s1, $0x11  }
0xbb: {  	s0 =	sor.u32 s1, s0  }
0xbc: {  	s0 =	sadd.s32 $0x8F2B, s0  }
0xbd: {  	[sflag:s0] =	ssyncadd.remote.s32 $0x1  }
0xbe: {  	_ =	sfence.sel $0xFFFF  }
0xbf: {  	[dreg:$0x0] =	wrdreg $0xFFFFFFFF;
	(pc) =	sbr.abs _section_cstart, $3  }
0xc0: {  	[dreg:$0x1] =	wrdreg $0xFFFFFFFF  }
0xc1: {  	_ =	task.clear_ibuf [dreg:s7], $0x2FFFF;
	_ =	strace $0x9FFFFFFF  }
0xc2: {  	(tm) =	ssettm $0x7FFFFFFF  }
0xc3: {  	_ =	shalt  }
tec
execute0_lowered:
.L_overlay_start_1:
0x0: {  	(tag) =	ssettag $0x1  }
0x1: {  	s0 =	srdreg.scid  }
0x2: {  	s1 =	stileid.u32;
	s0 =	sand.u32 $0x1, s0  }
0x3: {  	s1 =	sshll.u32 s1, $0x7;
	s2 =	sshll.u32 s0, $0x6  }
0x4: {  	s4 =	rddreg [dreg:$0x0];
	s5 =	simm.s32 $0x0;
	s1 =	sor.u32 s2, s1  }
0x5: {  	[smem:$0x7FF] =	sst s5;
	s0 =	ssub.s32 $0x2, s0;
	s3 =	smul.u32 $0xC00, s1  }
0x6: {  	s22 =	rddreg [dreg:$0x1];
	_ =	strace $0x80000047;
	s25 =	sshrl.u32 s0, $0x1  }
0x7: {  	s0 =	ssub.s32 s0, s25;
	s1 =	sadd.s32 s4, s1;
	s23 =	sshrl.u32 s3, $0x3  }
0x8: {  	[smem:$0x7FA] =	sst s1;
	s0 =	smax.u32 s0, $0x1;
	s2 =	sadd.s32 s23, s22  }
0x9: {  	[smem:$0x7FD] =	sst s0;
	s5 =	sadd.s32 $0x494200, s2  }
0xa: {  	s24 =	sadd.s32 $0x494300, s2;
	[smem:$0x7F4] =	sst s5  }
0xb: {  	s6 =	sadd.s32 $0x495A00, s2;
	[smem:$0x7F5] =	sst s24  }
0xc: {  	s26 =	sadd.s32 $0x495B00, s2;
	[smem:$0x7F6] =	sst s6  }
0xd: {  	s28 =	sadd.s32 $0x497200, s2;
	[smem:$0x7F7] =	sst s26  }
0xe: {  	s29 =	sadd.s32 $0x497300, s2;
	[smem:$0x7F8] =	sst s28  }
0xf: {  	v2 =	vlaneseq.u32;
	s30 =	sadd.s32 $0x498A00, s2;
	[smem:$0x7F9] =	sst s29  }
0x10: {  	vm0 =	vmmov $0xffff;
	v1 =	vshrl.u32 v2, $0x3;
	s4 =	simm.s32 $0x0;
	s31 =	sadd.s32 $0x498B00, s2;
	[smem:$0x7FB] =	sst s30  }
0x11: {  	v0 =	vand.u32 $0x7, v2;
	v2 =	vor.u32 $0x8, v2;
	v1 =	vmul.u32 $0x8, v1;
	s3 =	sadd.s32 $0x400, s22;
	s2 =	simm.s32 $0x200;
	[smem:$0x7FC] =	sst s31  }
.LBB2_1:
0x12: {  	s1 =	sld [smem:$0x7FA];
	_ =	sdelay $0x1  }
0x13: {  	[smem:$0x7F2] =	sst s4;
	s0 =	simm.s32 $0x0;
	s7 =	simm.s32 $0x9  }
0x14: {  	[tilespmem:s0], [sflag:$0x9] =	stream.linear.gather [hbm4b:s1+s0], $0x200, $0x38;
	[tilespmem:$0x18200] =	vst v63  }
0x15: {  	_ =	swait.ge [sflag:s7], $0x200  }
0x16: {  	[sflag:s7] =	ssyncset.done $0x0  }
0x17: {  	[sflag:s7] =	ssyncadd.s32 $0xFFFFFE00  }
0x18: {  	v3 =	vld [tilespmem:$0x0];
	_ =	sdelay $0x4  }
0x19: {  	v4 =	vshrl.u32 v3, $0x3  }
0x1a: {  	v4 =	vmul.u32 $0x18, v4  }
0x1b: {  	v3 =	vand.u32 $0x7, v3  }
0x1c: {  	v3 =	vor.u32 v3, v4  }
0x1d: {  	v4 =	vperm.xlane v3, v0;
	_ =	sdelay $0x1  }
0x1e: {  	v3 =	vperm.xlane v3, v2;
	v4 =	vadd.s32 v1, v4;
	_ =	sdelay $0x1  }
0x1f: {  	v3 =	vadd.s32 v1, v3;
	_ =	sdelay $0x2  }
0x20: {  	[tilespmem:s2], [sflag:$0x1] =	stream.indirect_vreg.gather [hbm4b:s3+s0], $0x80, v4, vm0, $0xb8;
	[tilespmem:$0x18200] =	vst v63  }
0x21: {  	s8 =	simm.s32 $0xA00  }
0x22: {  	[tilespmem:s8], [sflag:$0x1] =	stream.indirect_vreg.gather [hbm4b:s3+s0], $0x80, v3, vm0, $0xb8;
	[tilespmem:$0x18200] =	vst v63  }
0x23: {  	v3 =	vld [tilespmem:$0x10];
	_ =	sdelay $0x4  }
0x24: {  	v4 =	vshrl.u32 v3, $0x3  }
0x25: {  	v4 =	vmul.u32 $0x18, v4  }
0x26: {  	v3 =	vand.u32 $0x7, v3  }
0x27: {  	v3 =	vor.u32 v3, v4  }
0x28: {  	v4 =	vperm.xlane v3, v0;
	_ =	sdelay $0x1  }
0x29: {  	v3 =	vperm.xlane v3, v2;
	v4 =	vadd.s32 v1, v4;
	_ =	sdelay $0x1  }
0x2a: {  	v3 =	vadd.s32 v1, v3;
	_ =	sdelay $0x1  }
0x2b: {  	s9 =	simm.s32 $0x1200  }
0x2c: {  	[tilespmem:s9], [sflag:$0x1] =	stream.indirect_vreg.gather [hbm4b:s3+s0], $0x80, v4, vm0, $0xb8;
	[tilespmem:$0x18200] =	vst v63  }
0x2d: {  	s10 =	simm.s32 $0x1A00  }
0x2e: {  	[tilespmem:s10], [sflag:$0x1] =	stream.indirect_vreg.gather [hbm4b:s3+s0], $0x80, v3, vm0, $0xb8;
	[tilespmem:$0x18200] =	vst v63  }
0x2f: {  	v3 =	vld [tilespmem:$0x20];
	_ =	sdelay $0x4  }
0x30: {  	v4 =	vshrl.u32 v3, $0x3  }
0x31: {  	v4 =	vmul.u32 $0x18, v4  }
0x32: {  	v3 =	vand.u32 $0x7, v3  }
0x33: {  	v3 =	vor.u32 v3, v4  }
0x34: {  	v4 =	vperm.xlane v3, v0;
	_ =	sdelay $0x1  }
0x35: {  	v3 =	vperm.xlane v3, v2;
	v4 =	vadd.s32 v1, v4;
	_ =	sdelay $0x1  }
0x36: {  	v3 =	vadd.s32 v1, v3;
	_ =	sdelay $0x1  }
0x37: {  	s11 =	simm.s32 $0x2200  }
0x38: {  	[tilespmem:s11], [sflag:$0x1] =	stream.indirect_vreg.gather [hbm4b:s3+s0], $0x80, v4, vm0, $0xb8;
	[tilespmem:$0x18200] =	vst v63  }
0x39: {  	s12 =	simm.s32 $0x2A00  }
0x3a: {  	[tilespmem:s12], [sflag:$0x1] =	stream.indirect_vreg.gather [hbm4b:s3+s0], $0x80, v3, vm0, $0xb8;
	[tilespmem:$0x18200] =	vst v63  }
0x3b: {  	v3 =	vld [tilespmem:$0x30];
	_ =	sdelay $0x4  }
0x3c: {  	v4 =	vshrl.u32 v3, $0x3  }
0x3d: {  	v4 =	vmul.u32 $0x18, v4  }
0x3e: {  	v3 =	vand.u32 $0x7, v3  }
0x3f: {  	v3 =	vor.u32 v3, v4  }
0x40: {  	v4 =	vperm.xlane v3, v0;
	_ =	sdelay $0x1  }
0x41: {  	v3 =	vperm.xlane v3, v2;
	v4 =	vadd.s32 v1, v4;
	_ =	sdelay $0x1  }
0x42: {  	v3 =	vadd.s32 v1, v3;
	_ =	sdelay $0x1  }
0x43: {  	s13 =	simm.s32 $0x3200  }
0x44: {  	[tilespmem:s13], [sflag:$0x1] =	stream.indirect_vreg.gather [hbm4b:s3+s0], $0x80, v4, vm0, $0xb8;
	[tilespmem:$0x18200] =	vst v63  }
0x45: {  	s14 =	simm.s32 $0x3A00  }
0x46: {  	[tilespmem:s14], [sflag:$0x1] =	stream.indirect_vreg.gather [hbm4b:s3+s0], $0x80, v3, vm0, $0xb8;
	[tilespmem:$0x18200] =	vst v63  }
0x47: {  	v3 =	vld [tilespmem:$0x40];
	_ =	sdelay $0x4  }
0x48: {  	v4 =	vshrl.u32 v3, $0x3  }
0x49: {  	v4 =	vmul.u32 $0x18, v4  }
0x4a: {  	v3 =	vand.u32 $0x7, v3  }
0x4b: {  	v3 =	vor.u32 v3, v4  }
0x4c: {  	v4 =	vperm.xlane v3, v0;
	_ =	sdelay $0x1  }
0x4d: {  	v3 =	vperm.xlane v3, v2;
	v4 =	vadd.s32 v1, v4;
	_ =	sdelay $0x1  }
0x4e: {  	v3 =	vadd.s32 v1, v3;
	_ =	sdelay $0x1  }
0x4f: {  	s15 =	simm.s32 $0x4200  }
0x50: {  	[tilespmem:s15], [sflag:$0x1] =	stream.indirect_vreg.gather [hbm4b:s3+s0], $0x80, v4, vm0, $0xb8;
	[tilespmem:$0x18200] =	vst v63  }
0x51: {  	s16 =	simm.s32 $0x4A00  }
0x52: {  	[tilespmem:s16], [sflag:$0x1] =	stream.indirect_vreg.gather [hbm4b:s3+s0], $0x80, v3, vm0, $0xb8;
	[tilespmem:$0x18200] =	vst v63  }
0x53: {  	v3 =	vld [tilespmem:$0x50];
	_ =	sdelay $0x4  }
0x54: {  	v4 =	vshrl.u32 v3, $0x3  }
0x55: {  	v4 =	vmul.u32 $0x18, v4  }
0x56: {  	v3 =	vand.u32 $0x7, v3  }
0x57: {  	v3 =	vor.u32 v3, v4  }
0x58: {  	v4 =	vperm.xlane v3, v0;
	_ =	sdelay $0x1  }
0x59: {  	v3 =	vperm.xlane v3, v2;
	v4 =	vadd.s32 v1, v4;
	_ =	sdelay $0x1  }
0x5a: {  	v3 =	vadd.s32 v1, v3;
	_ =	sdelay $0x1  }
0x5b: {  	s17 =	simm.s32 $0x5200  }
0x5c: {  	[tilespmem:s17], [sflag:$0x1] =	stream.indirect_vreg.gather [hbm4b:s3+s0], $0x80, v4, vm0, $0xb8;
	[tilespmem:$0x18200] =	vst v63  }
0x5d: {  	s18 =	simm.s32 $0x5A00  }
0x5e: {  	[tilespmem:s18], [sflag:$0x1] =	stream.indirect_vreg.gather [hbm4b:s3+s0], $0x80, v3, vm0, $0xb8;
	[tilespmem:$0x18200] =	vst v63  }
0x5f: {  	v3 =	vld [tilespmem:$0x60];
	_ =	sdelay $0x4  }
0x60: {  	v4 =	vshrl.u32 v3, $0x3  }
0x61: {  	v4 =	vmul.u32 $0x18, v4  }
0x62: {  	v3 =	vand.u32 $0x7, v3  }
0x63: {  	v3 =	vor.u32 v3, v4  }
0x64: {  	v4 =	vperm.xlane v3, v0;
	_ =	sdelay $0x1  }
0x65: {  	v3 =	vperm.xlane v3, v2;
	v4 =	vadd.s32 v1, v4;
	_ =	sdelay $0x1  }
0x66: {  	v3 =	vadd.s32 v1, v3;
	_ =	sdelay $0x1  }
0x67: {  	s19 =	simm.s32 $0x6200  }
0x68: {  	[tilespmem:s19], [sflag:$0x1] =	stream.indirect_vreg.gather [hbm4b:s3+s0], $0x80, v4, vm0, $0xb8;
	[tilespmem:$0x18200] =	vst v63  }
0x69: {  	s20 =	simm.s32 $0x6A00  }
0x6a: {  	[tilespmem:s20], [sflag:$0x1] =	stream.indirect_vreg.gather [hbm4b:s3+s0], $0x80, v3, vm0, $0xb8;
	[tilespmem:$0x18200] =	vst v63  }
0x6b: {  	v3 =	vld [tilespmem:$0x70];
	_ =	sdelay $0x4  }
0x6c: {  	v4 =	vshrl.u32 v3, $0x3  }
0x6d: {  	v4 =	vmul.u32 $0x18, v4  }
0x6e: {  	v3 =	vand.u32 $0x7, v3  }
0x6f: {  	v3 =	vor.u32 v3, v4  }
0x70: {  	v4 =	vperm.xlane v3, v0;
	_ =	sdelay $0x1  }
0x71: {  	v3 =	vperm.xlane v3, v2;
	v4 =	vadd.s32 v1, v4;
	_ =	sdelay $0x1  }
0x72: {  	v3 =	vadd.s32 v1, v3;
	_ =	sdelay $0x1  }
0x73: {  	s21 =	simm.s32 $0x7200  }
0x74: {  	[tilespmem:s21], [sflag:$0x1] =	stream.indirect_vreg.gather [hbm4b:s3+s0], $0x80, v4, vm0, $0xb8;
	[tilespmem:$0x18200] =	vst v63  }
0x75: {  	s22 =	simm.s32 $0x7A00  }
0x76: {  	[tilespmem:s22], [sflag:$0x1] =	stream.indirect_vreg.gather [hbm4b:s3+s0], $0x80, v3, vm0, $0xb8;
	[tilespmem:$0x18200] =	vst v63  }
0x77: {  	v3 =	vld [tilespmem:s0+$0x0];
	_ =	sdelay $0x4  }
0x78: {  	(v2sf) =	vpush v3, $0x7  }
0x79: {  	(v2sf) =	vpush v3, $0xD  }
0x7a: {  	(v2sf) =	vpush v3, $0x9  }
0x7b: {  	(v2sf) =	vpush v3, $0x5  }
0x7c: {  	(v2sf) =	vpush v3, $0x6;
	_ =	sdelay $0x1  }
0x7d: {  	(v2sf) =	vpush v3, $0x1  }
0x7e: {  	(v2sf) =	vpush v3, $0xC;
	_ =	sdelay $0x1  }
0x7f: {  	(v2sf) =	vpush v3, $0x0  }
0x80: {  	(v2sf) =	vpush v3, $0xA  }
0x81: {  	(v2sf) =	vpush v3, $0xE  }
0x82: {  	(v2sf) =	vpush v3, $0x3  }
0x83: {  	s24 =	simm.s32 $0x10280;
	(v2sf) =	vpush v3, $0x2  }
0x84: {  	s26 =	simm.s32 $0x2000;
	s5 =	simm.s32 $0x10380;
	[dreg:$0x19] =	wrdreg s24;
	(v2sf) =	vpush v3, $0x8  }
0x85: {  	s6 =	simm.s32 $0x0;
	[dreg:$0x6] =	wrdreg s5;
	s0 =	spop (v2sf)  }
0x86: {  	s1 =	spop (v2sf);
	s9 =	sshrl.u32 s0, $0x3;
	s0 =	sshll.u32 s0, $0x7  }
0x87: {  	s23 =	spop (v2sf);
	s5 =	smul.u32 $0xC00, s9;
	s8 =	sshll.u32 s1, $0x7  }
0x88: {  	s0 =	sand.u32 $0x380, s0;
	s25 =	spop (v2sf);
	s10 =	sshrl.u32 s23, $0x3  }
0x89: {  	s18 =	sshll.u32 s23, $0x7;
	s7 =	spop (v2sf);
	s2 =	sshrl.u32 s25, $0x3  }
0x8a: {  	s13 =	sshll.u32 s25, $0x7;
	s10 =	smul.u32 $0xC00, s10;
	s30 =	sor.u32 s0, s5  }
0x8b: {  	s9 =	spop (v2sf);
	s15 =	sshrl.u32 s7, $0x3;
	s7 =	sshll.u32 s7, $0x7  }
0x8c: {  	s13 =	sand.u32 $0x380, s13;
	s2 =	smul.u32 $0xC00, s2;
	s11 =	spop (v2sf)  }
0x8d: {  	[dreg:$0x1c] =	wrdreg s10;
	s4 =	sshrl.u32 s9, $0x3;
	s20 =	smul.u32 $0xC00, s15  }
0x8e: {  	s9 =	sshll.u32 s9, $0x7;
	s21 =	sand.u32 $0x380, s7;
	s14 =	spop (v2sf)  }
0x8f: {  	s16 =	sand.u32 $0x380, s9;
	s29 =	sor.u32 s13, s2;
	s19 =	spop (v2sf)  }
0x90: {  	s2 =	sshrl.u32 s11, $0x3;
	s13 =	sshll.u32 s11, $0x7;
	s12 =	spop (v2sf)  }
0x91: {  	s22 =	sshll.u32 s14, $0x7;
	s15 =	sshll.u32 s19, $0x7;
	s17 =	spop (v2sf)  }
0x92: {  	s19 =	sshrl.u32 s19, $0x3;
	s10 =	sshrl.u32 s12, $0x3;
	s23 =	spop (v2sf)  }
0x93: {  	s24 =	spop (v2sf);
	s5 =	sshll.u32 s23, $0x7;
	s0 =	sshrl.u32 s23, $0x3  }
0x94: {  	s23 =	sshrl.u32 s1, $0x3;
	s25 =	sshrl.u32 s24, $0x3;
	s7 =	sshll.u32 s24, $0x7  }
0x95: {  	s31 =	sand.u32 $0x380, s5;
	s24 =	smul.u32 $0xC00, s10;
	s10 =	sand.u32 $0x380, s22  }
0x96: {  	s5 =	sand.u32 $0x380, s13;
	s22 =	simm.s32 $0x10400;
	s13 =	simm.s32 $0x10680  }
0x97: {  	s9 =	smul.u32 $0xC00, s25;
	s7 =	sand.u32 $0x380, s7;
	[dreg:$0x14] =	wrdreg s22  }
0x98: {  	[dreg:$0x9] =	wrdreg s13;
	s22 =	simm.s32 $0x10200;
	s13 =	simm.s32 $0x10600  }
0x99: {  	s28 =	sor.u32 s7, s9;
	s9 =	sshll.u32 s12, $0x7;
	s12 =	sshrl.u32 s14, $0x3  }
0x9a: {  	s7 =	sand.u32 $0x380, s15;
	s14 =	sadd.s32 $0x800, s30;
	s15 =	sand.u32 $0x380, s8  }
0x9b: {  	s25 =	sand.u32 $0x380, s9;
	s11 =	smul.u32 $0xC00, s12;
	s12 =	simm.s32 $0x10700  }
0x9c: {  	s1 =	sshrl.u32 s14, $0x3;
	s14 =	simm.s32 $0x10500;
	[dreg:$0x3] =	wrdreg s12  }
0x9d: {  	s9 =	smul.u32 $0xC00, s19;
	s19 =	simm.s32 $0x10300;
	[dreg:$0xe] =	wrdreg s14  }
0x9e: {  	s8 =	simm.s32 $0x10;
	s12 =	simm.s32 $0x10480;
	[smem:$0x7F3] =	sst s19  }
0x9f: {  	(v2sf) =	vpush v3, $0x4;
	s30 =	sshrl.u32 s17, $0x3;
	s14 =	simm.s32 $0x10580;
	[dreg:$0x11] =	wrdreg s12  }
.LBB2_2:
0xa0: {  	s10 =	sor.u32 s10, s11  }
0xa1: {  	s19 =	smul.u32 $0xC00, s0;
	s28 =	sadd.s32 $0x800, s28;
	s12 =	smov.u32 s26  }
0xa2: {  	s29 =	sadd.s32 $0x800, s29;
	s0 =	sand.u32 $0x380, s18;
	s4 =	smul.u32 $0xC00, s4  }
0xa3: {  	s1 =	sadd.s32 s3, s1;
	[smem:$0x7F1] =	sst s12;
	s12 =	smul.u32 $0xC00, s2  }
0xa4: {  	s2 =	sadd.s32 $0x800, s10;
	s18 =	sshrl.u32 s28, $0x3;
	s7 =	sor.u32 s7, s9  }
0xa5: {  	s9 =	smul.u32 $0xC00, s30;
	s10 =	sor.u32 s31, s19;
	s31 =	sshrl.u32 s29, $0x3  }
0xa6: {  	(v2sf) =	vpush v3, $0xF;
	s19 =	sor.u32 s21, s20;
	s21 =	sadd.s32 $0x800, s7;
	s4 =	sor.u32 s16, s4  }
0xa7: {  	s20 =	sadd.s32 $0x800, s19;
	s19 =	sshrl.u32 s2, $0x3;
	s2 =	sshrl.u32 s21, $0x3  }
0xa8: {  	(v2sf) =	vpush v3, $0xB;
	s21 =	sshll.u32 s17, $0x7;
	s10 =	sadd.s32 $0x800, s10;
	s4 =	sadd.s32 $0x800, s4  }
0xa9: {  	s5 =	sor.u32 s5, s12;
	s7 =	sshrl.u32 s20, $0x3;
	s11 =	sand.u32 $0x380, s21  }
0xaa: {  	s17 =	sadd.s32 s3, s19;
	s21 =	sor.u32 s25, s24;
	s19 =	simm.s32 $0x0  }
0xab: {  	s4 =	sshrl.u32 s4, $0x3;
	s10 =	sshrl.u32 s10, $0x3;
	s5 =	sadd.s32 $0x800, s5  }
0xac: {  	[tilespmem:s22], [sflag:$0x5] =	stream.linear.gather [hbm4b:s17+s19], $0x80, $0x38;
	[tilespmem:$0x18200] =	vst v63  }
0xad: {  	s9 =	sor.u32 s11, s9;
	s4 =	sadd.s32 s3, s4;
	s10 =	sadd.s32 s3, s10  }
0xae: {  	s17 =	sld [smem:$0x7F3];
	s9 =	sadd.s32 $0x800, s9;
	s16 =	spop (v2sf)  }
0xaf: {  	s7 =	sadd.s32 s3, s7;
	s9 =	sshrl.u32 s9, $0x3;
	s24 =	sshrl.u32 s16, $0x3  }
0xb0: {  	s20 =	sshll.u32 s16, $0x7;
	s16 =	rddreg [dreg:$0x1c];
	s11 =	smul.u32 $0xC00, s24  }
0xb1: {  	s25 =	sand.u32 $0x380, s20;
	s20 =	rddreg [dreg:$0x19];
	s24 =	sadd.s32 $0x800, s21  }
0xb2: {  	[tilespmem:s20], [sflag:$0x5] =	stream.linear.gather [hbm4b:s4+s19], $0x80, $0x38;
	[tilespmem:$0x18200] =	vst v63  }
0xb3: {  	s9 =	sadd.s32 s3, s9;
	s0 =	sor.u32 s0, s16;
	s4 =	sshrl.u32 s24, $0x3  }
0xb4: {  	s0 =	sadd.s32 $0x800, s0;
	s24 =	sadd.s32 s3, s31;
	s22 =	sor.u32 s25, s11  }
0xb5: {  	s11 =	spop (v2sf);
	s0 =	sshrl.u32 s0, $0x3;
	s25 =	sadd.s32 $0x800, s22  }
0xb6: {  	[tilespmem:s17], [sflag:$0x5] =	stream.linear.gather [hbm4b:s10+s19], $0x80, $0x38;
	[tilespmem:$0x18200] =	vst v63  }
0xb7: {  	s20 =	spop (v2sf);
	s22 =	rddreg [dreg:$0x6];
	s0 =	sadd.s32 s3, s0  }
0xb8: {  	s12 =	sshrl.u32 s25, $0x3;
	s21 =	sshrl.u32 s20, $0x3;
	s16 =	sshll.u32 s20, $0x7  }
0xb9: {  	[tilespmem:s22], [sflag:$0x5] =	stream.linear.gather [hbm4b:s9+s19], $0x80, $0x38;
	[tilespmem:$0x18200] =	vst v63  }
0xba: {  	s25 =	rddreg [dreg:$0x14];
	s20 =	smul.u32 $0xC00, s23;
	s10 =	sadd.s32 s3, s12  }
0xbb: {  	[tilespmem:s25], [sflag:$0x5] =	stream.linear.gather [hbm4b:s10+s19], $0x80, $0x38;
	[tilespmem:$0x18200] =	vst v63  }
0xbc: {  	s12 =	sshll.u32 s11, $0x7;
	s17 =	smul.u32 $0xC00, s21;
	s21 =	rddreg [dreg:$0x11]  }
0xbd: {  	[tilespmem:s21], [sflag:$0x5] =	stream.linear.gather [hbm4b:s24+s19], $0x80, $0x38;
	[tilespmem:$0x18200] =	vst v63  }
0xbe: {  	s16 =	sand.u32 $0x380, s16;
	s11 =	sshrl.u32 s11, $0x3;
	s24 =	rddreg [dreg:$0xe]  }
0xbf: {  	[tilespmem:s24], [sflag:$0x5] =	stream.linear.gather [hbm4b:s7+s19], $0x80, $0x38;
	[tilespmem:$0x18200] =	vst v63  }
0xc0: {  	s23 =	sor.u32 s15, s20;
	s15 =	sand.u32 $0x380, s12;
	s16 =	sor.u32 s16, s17  }
0xc1: {  	[tilespmem:s14], [sflag:$0x5] =	stream.linear.gather [hbm4b:s1+s19], $0x80, $0x38;
	[tilespmem:$0x18200] =	vst v63  }
0xc2: {  	s25 =	sadd.s32 s3, s18;
	s10 =	sadd.s32 $0x800, s23;
	s17 =	sadd.s32 s3, s2  }
0xc3: {  	[tilespmem:s13], [sflag:$0x5] =	stream.linear.gather [hbm4b:s25+s19], $0x80, $0x38;
	[tilespmem:$0x18200] =	vst v63  }
0xc4: {  	s18 =	sshrl.u32 s5, $0x3;
	s22 =	sadd.s32 $0x800, s16;
	s16 =	rddreg [dreg:$0x9]  }
0xc5: {  	[tilespmem:s16], [sflag:$0x5] =	stream.linear.gather [hbm4b:s0+s19], $0x80, $0x38;
	[tilespmem:$0x18200] =	vst v63  }
0xc6: {  	s2 =	sadd.s32 s3, s18;
	s9 =	sshrl.u32 s22, $0x3;
	s21 =	rddreg [dreg:$0x3]  }
0xc7: {  	[tilespmem:s21], [sflag:$0x5] =	stream.linear.gather [hbm4b:s17+s19], $0x80, $0x38;
	[tilespmem:$0x18200] =	vst v63  }
0xc8: {  	s22 =	sadd.s32 $0x10780, s6;
	s23 =	sadd.s32 s3, s9;
	s14 =	smul.u32 $0xC00, s11  }
0xc9: {  	[tilespmem:s22], [sflag:$0x5] =	stream.linear.gather [hbm4b:s23+s19], $0x80, $0x38;
	[tilespmem:$0x18200] =	vst v63  }
0xca: {  	s24 =	sadd.s32 $0x10800, s6;
	s1 =	sshrl.u32 s10, $0x3;
	s20 =	sor.u32 s15, s14  }
0xcb: {  	[tilespmem:s24], [sflag:$0x5] =	stream.linear.gather [hbm4b:s2+s19], $0x80, $0x38;
	[tilespmem:$0x18200] =	vst v63  }
0xcc: {  	s1 =	sadd.s32 s3, s1;
	s25 =	sadd.s32 $0x10880, s6;
	s5 =	sadd.s32 $0x800, s20  }
0xcd: {  	[tilespmem:s25], [sflag:$0x5] =	stream.linear.gather [hbm4b:s1+s19], $0x80, $0x38;
	[tilespmem:$0x18200] =	vst v63  }
0xce: {  	s5 =	sshrl.u32 s5, $0x3;
	s2 =	sadd.s32 s3, s4;
	s1 =	sadd.s32 $0x10900, s6  }
0xcf: {  	[tilespmem:s1], [sflag:$0x5] =	stream.linear.gather [hbm4b:s2+s19], $0x80, $0x38;
	[tilespmem:$0x18200] =	vst v63  }
0xd0: {  	s5 =	sadd.s32 s3, s5;
	s4 =	sadd.s32 $0x10980, s6  }
0xd1: {  	[tilespmem:s4], [sflag:$0x5] =	stream.linear.gather [hbm4b:s5+s19], $0x80, $0x38;
	[tilespmem:$0x18200] =	vst v63  }
0xd2: {  	v3 =	vld [tilespmem:s8+$0x0];
	_ =	sdelay $0x4  }
0xd3: {  	(v2sf) =	vpush v3, $0x7  }
0xd4: {  	(v2sf) =	vpush v3, $0xD  }
0xd5: {  	(v2sf) =	vpush v3, $0x9  }
0xd6: {  	(v2sf) =	vpush v3, $0x5  }
0xd7: {  	s6 =	sld [smem:$0x7F1]  }
0xd8: {  	(v2sf) =	vpush v3, $0x6;
	_ =	sdelay $0x1  }
0xd9: {  	s6 =	sshra.s32 s6, $0x2;
	(v2sf) =	vpush v3, $0x1  }
0xda: {  	s0 =	sadd.s32 $0x10280, s6;
	(v2sf) =	vpush v3, $0xC  }
0xdb: {  	s7 =	sadd.s32 $0x10380, s6;
	[dreg:$0x19] =	wrdreg s0  }
0xdc: {  	s9 =	sadd.s32 $0x10400, s6;
	[dreg:$0x6] =	wrdreg s7;
	(v2sf) =	vpush v3, $0x0  }
0xdd: {  	p0 =	sne.s32 s26, $0xE000;
	s10 =	sadd.s32 $0x10700, s6;
	[dreg:$0x14] =	wrdreg s9;
	(v2sf) =	vpush v3, $0xA  }
0xde: {  	s26 =	sadd.s32 $0x2000, s26;
	s11 =	sadd.s32 $0x10480, s6;
	[dreg:$0x3] =	wrdreg s10;
	(v2sf) =	vpush v3, $0xE  }
0xdf: {  	s12 =	sadd.s32 $0x10680, s6;
	s13 =	sadd.s32 $0x10500, s6;
	[dreg:$0x11] =	wrdreg s11;
	(v2sf) =	vpush v3, $0x3  }
0xe0: {  	s22 =	sadd.s32 $0x10200, s6;
	s24 =	sadd.s32 $0x10300, s6;
	[dreg:$0x9] =	wrdreg s12;
	(v2sf) =	vpush v3, $0x2  }
0xe1: {  	s8 =	sadd.s32 $0x10, s8;
	[dreg:$0xe] =	wrdreg s13;
	(v2sf) =	vpush v3, $0x8;
	s0 =	spop (v2sf)  }
0xe2: {  	[smem:$0x7F3] =	sst s24;
	s14 =	sshrl.u32 s0, $0x3;
	s13 =	spop (v2sf)  }
0xe3: {  	s0 =	sshll.u32 s0, $0x7;
	s14 =	smul.u32 $0xC00, s14;
	s15 =	spop (v2sf)  }
0xe4: {  	s1 =	sshll.u32 s13, $0x7;
	s30 =	sand.u32 $0x380, s0;
	s17 =	spop (v2sf)  }
0xe5: {  	s16 =	sshrl.u32 s15, $0x3;
	s18 =	sshll.u32 s15, $0x7;
	s9 =	sshrl.u32 s17, $0x3  }
0xe6: {  	s19 =	spop (v2sf);
	s2 =	sshll.u32 s17, $0x7;
	s4 =	smul.u32 $0xC00, s16  }
0xe7: {  	s30 =	sor.u32 s30, s14;
	s14 =	sadd.s32 $0x10580, s6;
	s20 =	sshrl.u32 s19, $0x3  }
0xe8: {  	s21 =	spop (v2sf);
	s5 =	sshll.u32 s19, $0x7;
	s9 =	smul.u32 $0xC00, s9  }
0xe9: {  	s29 =	sand.u32 $0x380, s2;
	[dreg:$0x1c] =	wrdreg s4;
	s11 =	spop (v2sf)  }
0xea: {  	s4 =	sshrl.u32 s21, $0x3;
	s20 =	smul.u32 $0xC00, s20;
	s25 =	sshll.u32 s21, $0x7  }
0xeb: {  	s21 =	sand.u32 $0x380, s5;
	s12 =	spop (v2sf);
	s16 =	sand.u32 $0x380, s25  }
0xec: {  	s2 =	sshrl.u32 s11, $0x3;
	s11 =	sshll.u32 s11, $0x7;
	s28 =	spop (v2sf)  }
0xed: {  	s29 =	sor.u32 s29, s9;
	s15 =	sshll.u32 s12, $0x7;
	s23 =	spop (v2sf)  }
0xee: {  	s12 =	sshrl.u32 s12, $0x3;
	s7 =	sshll.u32 s28, $0x7;
	s17 =	spop (v2sf)  }
0xef: {  	s19 =	sshll.u32 s23, $0x7;
	s23 =	sshrl.u32 s23, $0x3;
	s10 =	spop (v2sf)  }
0xf0: {  	s7 =	sand.u32 $0x380, s7;
	s24 =	sshll.u32 s10, $0x7;
	s25 =	spop (v2sf)  }
0xf1: {  	s0 =	sshrl.u32 s10, $0x3;
	s31 =	sand.u32 $0x380, s24;
	s5 =	sshrl.u32 s25, $0x3  }
0xf2: {  	s10 =	sshll.u32 s25, $0x7;
	s24 =	smul.u32 $0xC00, s23;
	s25 =	sand.u32 $0x380, s19  }
.Ltmp0:
0xf3: {  	s23 =	sshrl.u32 s13, $0x3;
	s13 =	sadd.s32 $0x10600, s6;
	(pc) =	sbr.rel @p0 .LBB2_2-.Ltmp0, $4  }
0xf4: {  	s19 =	sand.u32 $0x380, s10;
	s10 =	sand.u32 $0x380, s15;
	s15 =	smul.u32 $0xC00, s5  }
0xf5: {  	s5 =	sand.u32 $0x380, s11;
	s11 =	smul.u32 $0xC00, s12;
	s12 =	sshrl.u32 s28, $0x3  }
0xf6: {  	s9 =	smul.u32 $0xC00, s12;
	s28 =	sor.u32 s19, s15;
	s19 =	sadd.s32 $0x800, s30  }
0xf7: {  	(v2sf) =	vpush v3, $0x4;
	s15 =	sand.u32 $0x380, s1;
	s30 =	sshrl.u32 s17, $0x3;
	s1 =	sshrl.u32 s19, $0x3  }
0xf8: {  	s8 =	sor.u32 s10, s11;
	s4 =	smul.u32 $0xC00, s4  }
0xf9: {  	s19 =	simm.s32 $0x0;
	s0 =	smul.u32 $0xC00, s0;
	s11 =	rddreg [dreg:$0x19]  }
0xfa: {  	s12 =	sor.u32 s21, s20;
	s7 =	sor.u32 s7, s9;
	s20 =	sadd.s32 $0x800, s29  }
0xfb: {  	s21 =	sand.u32 $0x380, s18;
	s2 =	smul.u32 $0xC00, s2;
	s8 =	sadd.s32 $0x800, s8  }
0xfc: {  	s9 =	sshrl.u32 s20, $0x3;
	s8 =	sshrl.u32 s8, $0x3;
	s4 =	sor.u32 s16, s4  }
0xfd: {  	s20 =	rddreg [dreg:$0x1c];
	s8 =	sadd.s32 s3, s8;
	s4 =	sadd.s32 $0x800, s4  }
0xfe: {  	[tilespmem:s22], [sflag:$0x5] =	stream.linear.gather [hbm4b:s8+s19], $0x80, $0x38;
	[tilespmem:$0x18200] =	vst v63  }
0xff: {  	s0 =	sor.u32 s31, s0;
	s10 =	sor.u32 s21, s20;
	s4 =	sshrl.u32 s4, $0x3  }
0x100: {  	s21 =	sld [smem:$0x7F3];
	s0 =	sadd.s32 $0x800, s0;
	s4 =	sadd.s32 s3, s4  }
0x101: {  	(v2sf) =	vpush v3, $0xF;
	[tilespmem:s11], [sflag:$0x5] =	stream.linear.gather [hbm4b:s4+s19], $0x80, $0x38;
	[tilespmem:$0x18200] =	vst v63  }
0x102: {  	(v2sf) =	vpush v3, $0xB;
	s22 =	smul.u32 $0xC00, s30;
	s4 =	sadd.s32 $0x800, s12;
	s12 =	sshll.u32 s17, $0x7  }
0x103: {  	s24 =	sor.u32 s25, s24;
	s0 =	sshrl.u32 s0, $0x3;
	s12 =	sand.u32 $0x380, s12  }
0x104: {  	s1 =	sadd.s32 s3, s1;
	s0 =	sadd.s32 s3, s0;
	s11 =	sor.u32 s12, s22  }
0x105: {  	[tilespmem:s21], [sflag:$0x5] =	stream.linear.gather [hbm4b:s0+s19], $0x80, $0x38;
	[tilespmem:$0x18200] =	vst v63  }
0x106: {  	s7 =	sadd.s32 $0x800, s7;
	s18 =	sadd.s32 $0x800, s24;
	s11 =	sadd.s32 $0x800, s11  }
0x107: {  	s24 =	rddreg [dreg:$0x6];
	s16 =	sadd.s32 $0x800, s28;
	s11 =	sshrl.u32 s11, $0x3  }
0x108: {  	s7 =	sshrl.u32 s7, $0x3;
	s2 =	sor.u32 s5, s2;
	s11 =	sadd.s32 s3, s11  }
0x109: {  	[tilespmem:s24], [sflag:$0x5] =	stream.linear.gather [hbm4b:s11+s19], $0x80, $0x38;
	[tilespmem:$0x18200] =	vst v63  }
0x10a: {  	s5 =	sshrl.u32 s18, $0x3;
	s9 =	sadd.s32 s3, s9;
	s25 =	spop (v2sf)  }
0x10b: {  	s20 =	rddreg [dreg:$0x11];
	s2 =	sadd.s32 $0x800, s2;
	s26 =	sshrl.u32 s25, $0x3  }
0x10c: {  	s10 =	sadd.s32 $0x800, s10;
	s17 =	sshll.u32 s25, $0x7;
	s12 =	smul.u32 $0xC00, s26  }
0x10d: {  	s7 =	sadd.s32 s3, s7;
	s8 =	sshrl.u32 s16, $0x3;
	s17 =	sand.u32 $0x380, s17  }
0x10e: {  	s10 =	sshrl.u32 s10, $0x3;
	s2 =	sshrl.u32 s2, $0x3;
	s12 =	sor.u32 s17, s12  }
0x10f: {  	s8 =	sadd.s32 s3, s8;
	s2 =	sadd.s32 s3, s2;
	s12 =	sadd.s32 $0x800, s12  }
0x110: {  	s4 =	sshrl.u32 s4, $0x3;
	s0 =	spop (v2sf);
	s12 =	sshrl.u32 s12, $0x3  }
0x111: {  	s22 =	spop (v2sf);
	s26 =	rddreg [dreg:$0x14];
	s12 =	sadd.s32 s3, s12  }
0x112: {  	[tilespmem:s26], [sflag:$0x5] =	stream.linear.gather [hbm4b:s12+s19], $0x80, $0x38;
	[tilespmem:$0x18200] =	vst v63  }
0x113: {  	s4 =	sadd.s32 s3, s4;
	s16 =	sshll.u32 s0, $0x7;
	s25 =	sshrl.u32 s22, $0x3  }
0x114: {  	[tilespmem:s20], [sflag:$0x5] =	stream.linear.gather [hbm4b:s9+s19], $0x80, $0x38;
	[tilespmem:$0x18200] =	vst v63  }
0x115: {  	s17 =	sshll.u32 s22, $0x7;
	s22 =	smul.u32 $0xC00, s23;
	s23 =	rddreg [dreg:$0xe]  }
0x116: {  	[tilespmem:s23], [sflag:$0x5] =	stream.linear.gather [hbm4b:s4+s19], $0x80, $0x38;
	[tilespmem:$0x18200] =	vst v63  }
0x117: {  	s0 =	sshrl.u32 s0, $0x3;
	s11 =	smul.u32 $0xC00, s25;
	s18 =	sand.u32 $0x380, s17  }
0x118: {  	[tilespmem:s14], [sflag:$0x5] =	stream.linear.gather [hbm4b:s1+s19], $0x80, $0x38;
	[tilespmem:$0x18200] =	vst v63  }
0x119: {  	s0 =	smul.u32 $0xC00, s0;
	s21 =	sor.u32 s18, s11;
	s25 =	sor.u32 s15, s22  }
0x11a: {  	[tilespmem:s13], [sflag:$0x5] =	stream.linear.gather [hbm4b:s8+s19], $0x80, $0x38;
	[tilespmem:$0x18200] =	vst v63  }
0x11b: {  	s11 =	sadd.s32 s3, s10;
	s24 =	sadd.s32 $0x800, s21;
	s12 =	rddreg [dreg:$0x9]  }
0x11c: {  	[tilespmem:s12], [sflag:$0x5] =	stream.linear.gather [hbm4b:s11+s19], $0x80, $0x38;
	[tilespmem:$0x18200] =	vst v63  }
0x11d: {  	s15 =	sadd.s32 $0x10780, s6;
	s26 =	sshrl.u32 s24, $0x3;
	s14 =	rddreg [dreg:$0x3]  }
0x11e: {  	[tilespmem:s14], [sflag:$0x5] =	stream.linear.gather [hbm4b:s7+s19], $0x80, $0x38;
	[tilespmem:$0x18200] =	vst v63  }
0x11f: {  	s9 =	sadd.s32 $0x800, s25;
	s1 =	sadd.s32 s3, s26;
	s13 =	sand.u32 $0x380, s16  }
0x120: {  	[tilespmem:s15], [sflag:$0x5] =	stream.linear.gather [hbm4b:s1+s19], $0x80, $0x38;
	[tilespmem:$0x18200] =	vst v63  }
0x121: {  	s4 =	sshrl.u32 s9, $0x3;
	s16 =	sadd.s32 $0x10800, s6;
	s0 =	sor.u32 s13, s0  }
0x122: {  	[tilespmem:s16], [sflag:$0x5] =	stream.linear.gather [hbm4b:s2+s19], $0x80, $0x38;
	[tilespmem:$0x18200] =	vst v63  }
0x123: {  	s17 =	sadd.s32 $0x10880, s6;
	s18 =	sadd.s32 s3, s4;
	s0 =	sadd.s32 $0x800, s0  }
0x124: {  	[tilespmem:s17], [sflag:$0x5] =	stream.linear.gather [hbm4b:s18+s19], $0x80, $0x38;
	[tilespmem:$0x18200] =	vst v63  }
0x125: {  	s21 =	sadd.s32 s3, s5;
	s20 =	sadd.s32 $0x10900, s6;
	s0 =	sshrl.u32 s0, $0x3  }
0x126: {  	[tilespmem:s20], [sflag:$0x5] =	stream.linear.gather [hbm4b:s21+s19], $0x80, $0x38;
	[tilespmem:$0x18200] =	vst v63  }
0x127: {  	s22 =	sadd.s32 $0x10980, s6;
	s0 =	sadd.s32 s3, s0  }
0x128: {  	[tilespmem:s22], [sflag:$0x5] =	stream.linear.gather [hbm4b:s0+s19], $0x80, $0x38;
	[tilespmem:$0x18200] =	vst v63  }
0x129: {  	v3 =	vld [tilespmem:$0x80];
	_ =	sdelay $0x4  }
0x12a: {  	v4 =	vshrl.u32 v3, $0x3  }
0x12b: {  	v4 =	vmul.u32 $0x18, v4  }
0x12c: {  	v3 =	vand.u32 $0x7, v3  }
0x12d: {  	v3 =	vor.u32 v3, v4  }
0x12e: {  	v4 =	vperm.xlane v3, v0;
	_ =	sdelay $0x1  }
0x12f: {  	v3 =	vperm.xlane v3, v2;
	v4 =	vadd.s32 v1, v4;
	_ =	sdelay $0x1  }
0x130: {  	v3 =	vadd.s32 v1, v3;
	_ =	sdelay $0x1  }
0x131: {  	s24 =	simm.s32 $0x8200;
	s23 =	simm.s32 $0x0  }
0x132: {  	[tilespmem:s24], [sflag:$0x2] =	stream.indirect_vreg.gather [hbm4b:s3+s23], $0x80, v4, vm0, $0xb8;
	[tilespmem:$0x18200] =	vst v63  }
0x133: {  	s25 =	simm.s32 $0x8A00  }
0x134: {  	[tilespmem:s25], [sflag:$0x2] =	stream.indirect_vreg.gather [hbm4b:s3+s23], $0x80, v3, vm0, $0xb8;
	[tilespmem:$0x18200] =	vst v63  }
0x135: {  	v3 =	vld [tilespmem:$0x90];
	_ =	sdelay $0x4  }
0x136: {  	v4 =	vshrl.u32 v3, $0x3  }
0x137: {  	v4 =	vmul.u32 $0x18, v4  }
0x138: {  	v3 =	vand.u32 $0x7, v3  }
0x139: {  	v3 =	vor.u32 v3, v4  }
0x13a: {  	v4 =	vperm.xlane v3, v0;
	_ =	sdelay $0x1  }
0x13b: {  	v3 =	vperm.xlane v3, v2;
	v4 =	vadd.s32 v1, v4;
	_ =	sdelay $0x1  }
0x13c: {  	v3 =	vadd.s32 v1, v3;
	_ =	sdelay $0x1  }
0x13d: {  	s26 =	simm.s32 $0x9200  }
0x13e: {  	[tilespmem:s26], [sflag:$0x2] =	stream.indirect_vreg.gather [hbm4b:s3+s23], $0x80, v4, vm0, $0xb8;
	[tilespmem:$0x18200] =	vst v63  }
0x13f: {  	s2 =	simm.s32 $0x9A00  }
0x140: {  	[tilespmem:s2], [sflag:$0x2] =	stream.indirect_vreg.gather [hbm4b:s3+s23], $0x80, v3, vm0, $0xb8;
	[tilespmem:$0x18200] =	vst v63  }
0x141: {  	v3 =	vld [tilespmem:$0xA0];
	_ =	sdelay $0x4  }
0x142: {  	v4 =	vshrl.u32 v3, $0x3  }
0x143: {  	v4 =	vmul.u32 $0x18, v4  }
0x144: {  	v3 =	vand.u32 $0x7, v3  }
0x145: {  	v3 =	vor.u32 v3, v4  }
0x146: {  	v4 =	vperm.xlane v3, v0;
	_ =	sdelay $0x1  }
0x147: {  	v3 =	vperm.xlane v3, v2;
	v4 =	vadd.s32 v1, v4;
	_ =	sdelay $0x1  }
0x148: {  	v3 =	vadd.s32 v1, v3;
	_ =	sdelay $0x1  }
0x149: {  	s4 =	simm.s32 $0xA200  }
0x14a: {  	[tilespmem:s4], [sflag:$0x2] =	stream.indirect_vreg.gather [hbm4b:s3+s23], $0x80, v4, vm0, $0xb8;
	[tilespmem:$0x18200] =	vst v63  }
0x14b: {  	s5 =	simm.s32 $0xAA00  }
0x14c: {  	[tilespmem:s5], [sflag:$0x2] =	stream.indirect_vreg.gather [hbm4b:s3+s23], $0x80, v3, vm0, $0xb8;
	[tilespmem:$0x18200] =	vst v63  }
0x14d: {  	v3 =	vld [tilespmem:$0xB0];
	_ =	sdelay $0x4  }
0x14e: {  	v4 =	vshrl.u32 v3, $0x3  }
0x14f: {  	v4 =	vmul.u32 $0x18, v4  }
0x150: {  	v3 =	vand.u32 $0x7, v3  }
0x151: {  	v3 =	vor.u32 v3, v4  }
0x152: {  	v4 =	vperm.xlane v3, v0;
	_ =	sdelay $0x1  }
0x153: {  	v3 =	vperm.xlane v3, v2;
	v4 =	vadd.s32 v1, v4;
	_ =	sdelay $0x1  }
0x154: {  	v3 =	vadd.s32 v1, v3;
	_ =	sdelay $0x1  }
0x155: {  	s6 =	simm.s32 $0xB200  }
0x156: {  	[tilespmem:s6], [sflag:$0x2] =	stream.indirect_vreg.gather [hbm4b:s3+s23], $0x80, v4, vm0, $0xb8;
	[tilespmem:$0x18200] =	vst v63  }
0x157: {  	s7 =	simm.s32 $0xBA00  }
0x158: {  	[tilespmem:s7], [sflag:$0x2] =	stream.indirect_vreg.gather [hbm4b:s3+s23], $0x80, v3, vm0, $0xb8;
	[tilespmem:$0x18200] =	vst v63  }
0x159: {  	v3 =	vld [tilespmem:$0xC0];
	_ =	sdelay $0x4  }
0x15a: {  	v4 =	vshrl.u32 v3, $0x3  }
0x15b: {  	v4 =	vmul.u32 $0x18, v4  }
0x15c: {  	v3 =	vand.u32 $0x7, v3  }
0x15d: {  	v3 =	vor.u32 v3, v4  }
0x15e: {  	v4 =	vperm.xlane v3, v0;
	_ =	sdelay $0x1  }
0x15f: {  	v3 =	vperm.xlane v3, v2;
	v4 =	vadd.s32 v1, v4;
	_ =	sdelay $0x1  }
0x160: {  	v3 =	vadd.s32 v1, v3;
	_ =	sdelay $0x1  }
0x161: {  	s8 =	simm.s32 $0xC200  }
0x162: {  	[tilespmem:s8], [sflag:$0x2] =	stream.indirect_vreg.gather [hbm4b:s3+s23], $0x80, v4, vm0, $0xb8;
	[tilespmem:$0x18200] =	vst v63  }
0x163: {  	s9 =	simm.s32 $0xCA00  }
0x164: {  	[tilespmem:s9], [sflag:$0x2] =	stream.indirect_vreg.gather [hbm4b:s3+s23], $0x80, v3, vm0, $0xb8;
	[tilespmem:$0x18200] =	vst v63  }
0x165: {  	v3 =	vld [tilespmem:$0xD0];
	_ =	sdelay $0x4  }
0x166: {  	v4 =	vshrl.u32 v3, $0x3  }
0x167: {  	v4 =	vmul.u32 $0x18, v4  }
0x168: {  	v3 =	vand.u32 $0x7, v3  }
0x169: {  	v3 =	vor.u32 v3, v4  }
0x16a: {  	v4 =	vperm.xlane v3, v0;
	_ =	sdelay $0x1  }
0x16b: {  	v3 =	vperm.xlane v3, v2;
	v4 =	vadd.s32 v1, v4;
	_ =	sdelay $0x1  }
0x16c: {  	v3 =	vadd.s32 v1, v3;
	_ =	sdelay $0x1  }
0x16d: {  	s10 =	simm.s32 $0xD200  }
0x16e: {  	[tilespmem:s10], [sflag:$0x2] =	stream.indirect_vreg.gather [hbm4b:s3+s23], $0x80, v4, vm0, $0xb8;
	[tilespmem:$0x18200] =	vst v63  }
0x16f: {  	s11 =	simm.s32 $0xDA00  }
0x170: {  	[tilespmem:s11], [sflag:$0x2] =	stream.indirect_vreg.gather [hbm4b:s3+s23], $0x80, v3, vm0, $0xb8;
	[tilespmem:$0x18200] =	vst v63  }
0x171: {  	v3 =	vld [tilespmem:$0xE0];
	_ =	sdelay $0x4  }
0x172: {  	v4 =	vshrl.u32 v3, $0x3  }
0x173: {  	v4 =	vmul.u32 $0x18, v4  }
0x174: {  	v3 =	vand.u32 $0x7, v3  }
0x175: {  	v3 =	vor.u32 v3, v4  }
0x176: {  	v4 =	vperm.xlane v3, v0;
	_ =	sdelay $0x1  }
0x177: {  	v3 =	vperm.xlane v3, v2;
	v4 =	vadd.s32 v1, v4;
	_ =	sdelay $0x1  }
0x178: {  	v3 =	vadd.s32 v1, v3;
	_ =	sdelay $0x1  }
0x179: {  	s12 =	simm.s32 $0xE200  }
0x17a: {  	[tilespmem:s12], [sflag:$0x2] =	stream.indirect_vreg.gather [hbm4b:s3+s23], $0x80, v4, vm0, $0xb8;
	[tilespmem:$0x18200] =	vst v63  }
0x17b: {  	s13 =	simm.s32 $0xEA00  }
0x17c: {  	[tilespmem:s13], [sflag:$0x2] =	stream.indirect_vreg.gather [hbm4b:s3+s23], $0x80, v3, vm0, $0xb8;
	[tilespmem:$0x18200] =	vst v63  }
0x17d: {  	v3 =	vld [tilespmem:$0xF0];
	_ =	sdelay $0x4  }
0x17e: {  	v4 =	vshrl.u32 v3, $0x3  }
0x17f: {  	v4 =	vmul.u32 $0x18, v4  }
0x180: {  	v3 =	vand.u32 $0x7, v3  }
0x181: {  	v3 =	vor.u32 v3, v4  }
0x182: {  	v4 =	vperm.xlane v3, v0;
	_ =	sdelay $0x1  }
0x183: {  	v3 =	vperm.xlane v3, v2;
	v4 =	vadd.s32 v1, v4;
	_ =	sdelay $0x1  }
0x184: {  	v3 =	vadd.s32 v1, v3;
	_ =	sdelay $0x1  }
0x185: {  	s14 =	simm.s32 $0xF200  }
0x186: {  	[tilespmem:s14], [sflag:$0x2] =	stream.indirect_vreg.gather [hbm4b:s3+s23], $0x80, v4, vm0, $0xb8;
	[tilespmem:$0x18200] =	vst v63  }
0x187: {  	s15 =	simm.s32 $0xFA00;
	s16 =	simm.s32 $0x80  }
0x188: {  	[tilespmem:s15], [sflag:$0x2] =	stream.indirect_vreg.gather [hbm4b:s3+s23], $0x80, v3, vm0, $0xb8;
	[tilespmem:$0x18200] =	vst v63  }
0x189: {  	v3 =	vld [tilespmem:s16+$0x0];
	_ =	sdelay $0x4  }
0x18a: {  	(v2sf) =	vpush v3, $0x7  }
0x18b: {  	(v2sf) =	vpush v3, $0xD  }
0x18c: {  	(v2sf) =	vpush v3, $0x9  }
0x18d: {  	(v2sf) =	vpush v3, $0x5  }
0x18e: {  	(v2sf) =	vpush v3, $0x6;
	_ =	sdelay $0x1  }
0x18f: {  	(v2sf) =	vpush v3, $0x1  }
0x190: {  	(v2sf) =	vpush v3, $0xC;
	_ =	sdelay $0x1  }
0x191: {  	(v2sf) =	vpush v3, $0x0;
	_ =	sdelay $0x1  }
0x192: {  	(v2sf) =	vpush v3, $0xA  }
0x193: {  	s18 =	simm.s32 $0x14280;
	(v2sf) =	vpush v3, $0xE  }
0x194: {  	[dreg:$0x1a] =	wrdreg s18;
	s20 =	simm.s32 $0x14380;
	(v2sf) =	vpush v3, $0x3  }
0x195: {  	[dreg:$0x7] =	wrdreg s20;
	(v2sf) =	vpush v3, $0x2  }
0x196: {  	s26 =	simm.s32 $0x2000;
	s6 =	simm.s32 $0x0;
	(v2sf) =	vpush v3, $0x8;
	s0 =	spop (v2sf)  }
0x197: {  	s1 =	spop (v2sf);
	s21 =	sshrl.u32 s0, $0x3;
	s0 =	sshll.u32 s0, $0x7  }
0x198: {  	s17 =	spop (v2sf);
	s5 =	smul.u32 $0xC00, s21;
	s8 =	sshll.u32 s1, $0x7  }
0x199: {  	s0 =	sand.u32 $0x380, s0;
	s19 =	spop (v2sf);
	s25 =	sshrl.u32 s17, $0x3  }
0x19a: {  	s18 =	sshll.u32 s17, $0x7;
	s22 =	spop (v2sf);
	s12 =	sshrl.u32 s19, $0x3  }
0x19b: {  	s20 =	sshll.u32 s19, $0x7;
	s23 =	smul.u32 $0xC00, s25;
	s30 =	sor.u32 s0, s5  }
0x19c: {  	s24 =	spop (v2sf);
	s21 =	sshrl.u32 s22, $0x3;
	s7 =	sshll.u32 s22, $0x7  }
0x19d: {  	s13 =	sand.u32 $0x380, s20;
	s2 =	smul.u32 $0xC00, s12;
	s11 =	spop (v2sf)  }
0x19e: {  	[dreg:$0x1d] =	wrdreg s23;
	s4 =	sshrl.u32 s24, $0x3;
	s20 =	smul.u32 $0xC00, s21  }
0x19f: {  	s9 =	sshll.u32 s24, $0x7;
	s21 =	sand.u32 $0x380, s7;
	s14 =	spop (v2sf)  }
0x1a0: {  	s16 =	sand.u32 $0x380, s9;
	s29 =	sor.u32 s13, s2;
	s2 =	sshrl.u32 s11, $0x3  }
0x1a1: {  	s11 =	sshll.u32 s11, $0x7;
	s19 =	spop (v2sf);
	s22 =	sshll.u32 s14, $0x7  }
0x1a2: {  	s10 =	spop (v2sf);
	s15 =	sshll.u32 s19, $0x7;
	s13 =	sshrl.u32 s19, $0x3  }
0x1a3: {  	s19 =	simm.s32 $0x14700;
	s17 =	spop (v2sf);
	s12 =	sshll.u32 s10, $0x7  }
0x1a4: {  	[dreg:$0x4] =	wrdreg s19;
	s19 =	simm.s32 $0x14300;
	s23 =	spop (v2sf)  }
0x1a5: {  	[smem:$0x7F0] =	sst s19;
	s24 =	spop (v2sf);
	s5 =	sshll.u32 s23, $0x7  }
0x1a6: {  	s0 =	sshrl.u32 s23, $0x3;
	s23 =	sshrl.u32 s1, $0x3;
	s25 =	sshrl.u32 s24, $0x3  }
0x1a7: {  	s7 =	sshll.u32 s24, $0x7;
	s31 =	sand.u32 $0x380, s5;
	s5 =	sand.u32 $0x380, s11  }
0x1a8: {  	s9 =	smul.u32 $0xC00, s25;
	s7 =	sand.u32 $0x380, s7;
	s25 =	sshrl.u32 s10, $0x3  }
0x1a9: {  	s10 =	sand.u32 $0x380, s22;
	s22 =	simm.s32 $0x14480;
	s24 =	smul.u32 $0xC00, s25  }
0x1aa: {  	s25 =	sand.u32 $0x380, s12;
	s12 =	sadd.s32 $0x800, s30;
	[dreg:$0x12] =	wrdreg s22  }
0x1ab: {  	s22 =	simm.s32 $0x14200;
	s30 =	sshrl.u32 s17, $0x3;
	s28 =	sor.u32 s7, s9  }
0x1ac: {  	s9 =	sshrl.u32 s14, $0x3;
	s7 =	sand.u32 $0x380, s15;
	s15 =	sand.u32 $0x380, s8  }
0x1ad: {  	s1 =	sshrl.u32 s12, $0x3;
	s14 =	simm.s32 $0x14400;
	s11 =	smul.u32 $0xC00, s9  }
0x1ae: {  	s9 =	smul.u32 $0xC00, s13;
	[dreg:$0x15] =	wrdreg s14;
	s13 =	simm.s32 $0x14680  }
0x1af: {  	s8 =	simm.s32 $0x90;
	s14 =	simm.s32 $0x14500;
	[dreg:$0xa] =	wrdreg s13  }
0x1b0: {  	(v2sf) =	vpush v3, $0x4;
	[dreg:$0xf] =	wrdreg s14;
	s13 =	simm.s32 $0x14600;
	s14 =	simm.s32 $0x14580  }
.LBB2_4:
0x1b1: {  	s10 =	sor.u32 s10, s11  }
0x1b2: {  	s19 =	smul.u32 $0xC00, s0;
	s28 =	sadd.s32 $0x800, s28;
	s12 =	smov.u32 s26  }
0x1b3: {  	s29 =	sadd.s32 $0x800, s29;
	s0 =	sand.u32 $0x380, s18;
	s4 =	smul.u32 $0xC00, s4  }
0x1b4: {  	s1 =	sadd.s32 s3, s1;
	[smem:$0x7EF] =	sst s12;
	s12 =	smul.u32 $0xC00, s2  }
0x1b5: {  	s2 =	sadd.s32 $0x800, s10;
	s18 =	sshrl.u32 s28, $0x3;
	s7 =	sor.u32 s7, s9  }
0x1b6: {  	s9 =	smul.u32 $0xC00, s30;
	s10 =	sor.u32 s31, s19;
	s31 =	sshrl.u32 s29, $0x3  }
0x1b7: {  	(v2sf) =	vpush v3, $0xF;
	s19 =	sor.u32 s21, s20;
	s21 =	sadd.s32 $0x800, s7;
	s4 =	sor.u32 s16, s4  }
0x1b8: {  	s20 =	sadd.s32 $0x800, s19;
	s19 =	sshrl.u32 s2, $0x3;
	s2 =	sshrl.u32 s21, $0x3  }
0x1b9: {  	(v2sf) =	vpush v3, $0xB;
	s21 =	sshll.u32 s17, $0x7;
	s10 =	sadd.s32 $0x800, s10;
	s4 =	sadd.s32 $0x800, s4  }
0x1ba: {  	s5 =	sor.u32 s5, s12;
	s7 =	sshrl.u32 s20, $0x3;
	s11 =	sand.u32 $0x380, s21  }
0x1bb: {  	s17 =	sadd.s32 s3, s19;
	s21 =	sor.u32 s25, s24;
	s19 =	simm.s32 $0x0  }
0x1bc: {  	s4 =	sshrl.u32 s4, $0x3;
	s10 =	sshrl.u32 s10, $0x3;
	s5 =	sadd.s32 $0x800, s5  }
0x1bd: {  	[tilespmem:s22], [sflag:$0x6] =	stream.linear.gather [hbm4b:s17+s19], $0x80, $0x38;
	[tilespmem:$0x18200] =	vst v63  }
0x1be: {  	s9 =	sor.u32 s11, s9;
	s4 =	sadd.s32 s3, s4;
	s10 =	sadd.s32 s3, s10  }
0x1bf: {  	s17 =	sld [smem:$0x7F0];
	s9 =	sadd.s32 $0x800, s9;
	s16 =	spop (v2sf)  }
0x1c0: {  	s7 =	sadd.s32 s3, s7;
	s9 =	sshrl.u32 s9, $0x3;
	s24 =	sshrl.u32 s16, $0x3  }
0x1c1: {  	s20 =	sshll.u32 s16, $0x7;
	s16 =	rddreg [dreg:$0x1d];
	s11 =	smul.u32 $0xC00, s24  }
0x1c2: {  	s25 =	sand.u32 $0x380, s20;
	s20 =	rddreg [dreg:$0x1a];
	s24 =	sadd.s32 $0x800, s21  }
0x1c3: {  	[tilespmem:s20], [sflag:$0x6] =	stream.linear.gather [hbm4b:s4+s19], $0x80, $0x38;
	[tilespmem:$0x18200] =	vst v63  }
0x1c4: {  	s9 =	sadd.s32 s3, s9;
	s0 =	sor.u32 s0, s16;
	s4 =	sshrl.u32 s24, $0x3  }
0x1c5: {  	s0 =	sadd.s32 $0x800, s0;
	s24 =	sadd.s32 s3, s31;
	s22 =	sor.u32 s25, s11  }
0x1c6: {  	s11 =	spop (v2sf);
	s0 =	sshrl.u32 s0, $0x3;
	s25 =	sadd.s32 $0x800, s22  }
0x1c7: {  	[tilespmem:s17], [sflag:$0x6] =	stream.linear.gather [hbm4b:s10+s19], $0x80, $0x38;
	[tilespmem:$0x18200] =	vst v63  }
0x1c8: {  	s20 =	spop (v2sf);
	s22 =	rddreg [dreg:$0x7];
	s0 =	sadd.s32 s3, s0  }
0x1c9: {  	s12 =	sshrl.u32 s25, $0x3;
	s21 =	sshrl.u32 s20, $0x3;
	s16 =	sshll.u32 s20, $0x7  }
0x1ca: {  	[tilespmem:s22], [sflag:$0x6] =	stream.linear.gather [hbm4b:s9+s19], $0x80, $0x38;
	[tilespmem:$0x18200] =	vst v63  }
0x1cb: {  	s25 =	rddreg [dreg:$0x15];
	s20 =	smul.u32 $0xC00, s23;
	s10 =	sadd.s32 s3, s12  }
0x1cc: {  	[tilespmem:s25], [sflag:$0x6] =	stream.linear.gather [hbm4b:s10+s19], $0x80, $0x38;
	[tilespmem:$0x18200] =	vst v63  }
0x1cd: {  	s12 =	sshll.u32 s11, $0x7;
	s17 =	smul.u32 $0xC00, s21;
	s21 =	rddreg [dreg:$0x12]  }
0x1ce: {  	[tilespmem:s21], [sflag:$0x6] =	stream.linear.gather [hbm4b:s24+s19], $0x80, $0x38;
	[tilespmem:$0x18200] =	vst v63  }
0x1cf: {  	s16 =	sand.u32 $0x380, s16;
	s11 =	sshrl.u32 s11, $0x3;
	s24 =	rddreg [dreg:$0xf]  }
0x1d0: {  	[tilespmem:s24], [sflag:$0x6] =	stream.linear.gather [hbm4b:s7+s19], $0x80, $0x38;
	[tilespmem:$0x18200] =	vst v63  }
0x1d1: {  	s23 =	sor.u32 s15, s20;
	s15 =	sand.u32 $0x380, s12;
	s16 =	sor.u32 s16, s17  }
0x1d2: {  	[tilespmem:s14], [sflag:$0x6] =	stream.linear.gather [hbm4b:s1+s19], $0x80, $0x38;
	[tilespmem:$0x18200] =	vst v63  }
0x1d3: {  	s25 =	sadd.s32 s3, s18;
	s10 =	sadd.s32 $0x800, s23;
	s17 =	sadd.s32 s3, s2  }
0x1d4: {  	[tilespmem:s13], [sflag:$0x6] =	stream.linear.gather [hbm4b:s25+s19], $0x80, $0x38;
	[tilespmem:$0x18200] =	vst v63  }
0x1d5: {  	s18 =	sshrl.u32 s5, $0x3;
	s22 =	sadd.s32 $0x800, s16;
	s16 =	rddreg [dreg:$0xa]  }
0x1d6: {  	[tilespmem:s16], [sflag:$0x6] =	stream.linear.gather [hbm4b:s0+s19], $0x80, $0x38;
	[tilespmem:$0x18200] =	vst v63  }
0x1d7: {  	s2 =	sadd.s32 s3, s18;
	s9 =	sshrl.u32 s22, $0x3;
	s21 =	rddreg [dreg:$0x4]  }
0x1d8: {  	[tilespmem:s21], [sflag:$0x6] =	stream.linear.gather [hbm4b:s17+s19], $0x80, $0x38;
	[tilespmem:$0x18200] =	vst v63  }
0x1d9: {  	s22 =	sadd.s32 $0x14780, s6;
	s23 =	sadd.s32 s3, s9;
	s14 =	smul.u32 $0xC00, s11  }
0x1da: {  	[tilespmem:s22], [sflag:$0x6] =	stream.linear.gather [hbm4b:s23+s19], $0x80, $0x38;
	[tilespmem:$0x18200] =	vst v63  }
0x1db: {  	s24 =	sadd.s32 $0x14800, s6;
	s1 =	sshrl.u32 s10, $0x3;
	s20 =	sor.u32 s15, s14  }
0x1dc: {  	[tilespmem:s24], [sflag:$0x6] =	stream.linear.gather [hbm4b:s2+s19], $0x80, $0x38;
	[tilespmem:$0x18200] =	vst v63  }
0x1dd: {  	s1 =	sadd.s32 s3, s1;
	s25 =	sadd.s32 $0x14880, s6;
	s5 =	sadd.s32 $0x800, s20  }
0x1de: {  	[tilespmem:s25], [sflag:$0x6] =	stream.linear.gather [hbm4b:s1+s19], $0x80, $0x38;
	[tilespmem:$0x18200] =	vst v63  }
0x1df: {  	s5 =	sshrl.u32 s5, $0x3;
	s2 =	sadd.s32 s3, s4;
	s1 =	sadd.s32 $0x14900, s6  }
0x1e0: {  	[tilespmem:s1], [sflag:$0x6] =	stream.linear.gather [hbm4b:s2+s19], $0x80, $0x38;
	[tilespmem:$0x18200] =	vst v63  }
0x1e1: {  	s5 =	sadd.s32 s3, s5;
	s4 =	sadd.s32 $0x14980, s6  }
0x1e2: {  	[tilespmem:s4], [sflag:$0x6] =	stream.linear.gather [hbm4b:s5+s19], $0x80, $0x38;
	[tilespmem:$0x18200] =	vst v63  }
0x1e3: {  	v3 =	vld [tilespmem:s8+$0x0];
	_ =	sdelay $0x4  }
0x1e4: {  	(v2sf) =	vpush v3, $0x7  }
0x1e5: {  	(v2sf) =	vpush v3, $0xD  }
0x1e6: {  	(v2sf) =	vpush v3, $0x9  }
0x1e7: {  	(v2sf) =	vpush v3, $0x5  }
0x1e8: {  	s6 =	sld [smem:$0x7EF]  }
0x1e9: {  	(v2sf) =	vpush v3, $0x6;
	_ =	sdelay $0x1  }
0x1ea: {  	s6 =	sshra.s32 s6, $0x2;
	(v2sf) =	vpush v3, $0x1  }
0x1eb: {  	s0 =	sadd.s32 $0x14280, s6;
	(v2sf) =	vpush v3, $0xC  }
0x1ec: {  	s7 =	sadd.s32 $0x14380, s6;
	[dreg:$0x1a] =	wrdreg s0  }
0x1ed: {  	s9 =	sadd.s32 $0x14400, s6;
	[dreg:$0x7] =	wrdreg s7;
	(v2sf) =	vpush v3, $0x0  }
0x1ee: {  	p0 =	sne.s32 s26, $0xE000;
	s10 =	sadd.s32 $0x14700, s6;
	[dreg:$0x15] =	wrdreg s9;
	(v2sf) =	vpush v3, $0xA  }
0x1ef: {  	s26 =	sadd.s32 $0x2000, s26;
	s11 =	sadd.s32 $0x14480, s6;
	[dreg:$0x4] =	wrdreg s10;
	(v2sf) =	vpush v3, $0xE  }
0x1f0: {  	s12 =	sadd.s32 $0x14680, s6;
	s13 =	sadd.s32 $0x14500, s6;
	[dreg:$0x12] =	wrdreg s11;
	(v2sf) =	vpush v3, $0x3  }
0x1f1: {  	s22 =	sadd.s32 $0x14200, s6;
	s24 =	sadd.s32 $0x14300, s6;
	[dreg:$0xa] =	wrdreg s12;
	(v2sf) =	vpush v3, $0x2  }
0x1f2: {  	s8 =	sadd.s32 $0x10, s8;
	[dreg:$0xf] =	wrdreg s13;
	(v2sf) =	vpush v3, $0x8;
	s0 =	spop (v2sf)  }
0x1f3: {  	[smem:$0x7F0] =	sst s24;
	s14 =	sshrl.u32 s0, $0x3;
	s13 =	spop (v2sf)  }
0x1f4: {  	s0 =	sshll.u32 s0, $0x7;
	s14 =	smul.u32 $0xC00, s14;
	s15 =	spop (v2sf)  }
0x1f5: {  	s1 =	sshll.u32 s13, $0x7;
	s30 =	sand.u32 $0x380, s0;
	s17 =	spop (v2sf)  }
0x1f6: {  	s16 =	sshrl.u32 s15, $0x3;
	s18 =	sshll.u32 s15, $0x7;
	s9 =	sshrl.u32 s17, $0x3  }
0x1f7: {  	s19 =	spop (v2sf);
	s2 =	sshll.u32 s17, $0x7;
	s4 =	smul.u32 $0xC00, s16  }
0x1f8: {  	s30 =	sor.u32 s30, s14;
	s14 =	sadd.s32 $0x14580, s6;
	s20 =	sshrl.u32 s19, $0x3  }
0x1f9: {  	s21 =	spop (v2sf);
	s5 =	sshll.u32 s19, $0x7;
	s9 =	smul.u32 $0xC00, s9  }
0x1fa: {  	s29 =	sand.u32 $0x380, s2;
	[dreg:$0x1d] =	wrdreg s4;
	s11 =	spop (v2sf)  }
0x1fb: {  	s4 =	sshrl.u32 s21, $0x3;
	s20 =	smul.u32 $0xC00, s20;
	s25 =	sshll.u32 s21, $0x7  }
0x1fc: {  	s21 =	sand.u32 $0x380, s5;
	s12 =	spop (v2sf);
	s16 =	sand.u32 $0x380, s25  }
0x1fd: {  	s2 =	sshrl.u32 s11, $0x3;
	s11 =	sshll.u32 s11, $0x7;
	s28 =	spop (v2sf)  }
0x1fe: {  	s29 =	sor.u32 s29, s9;
	s15 =	sshll.u32 s12, $0x7;
	s23 =	spop (v2sf)  }
0x1ff: {  	s12 =	sshrl.u32 s12, $0x3;
	s7 =	sshll.u32 s28, $0x7;
	s17 =	spop (v2sf)  }
0x200: {  	s19 =	sshll.u32 s23, $0x7;
	s23 =	sshrl.u32 s23, $0x3;
	s10 =	spop (v2sf)  }
0x201: {  	s7 =	sand.u32 $0x380, s7;
	s24 =	sshll.u32 s10, $0x7;
	s25 =	spop (v2sf)  }
0x202: {  	s0 =	sshrl.u32 s10, $0x3;
	s31 =	sand.u32 $0x380, s24;
	s5 =	sshrl.u32 s25, $0x3  }
0x203: {  	s10 =	sshll.u32 s25, $0x7;
	s24 =	smul.u32 $0xC00, s23;
	s25 =	sand.u32 $0x380, s19  }
.Ltmp1:
0x204: {  	s23 =	sshrl.u32 s13, $0x3;
	s13 =	sadd.s32 $0x14600, s6;
	(pc) =	sbr.rel @p0 .LBB2_4-.Ltmp1, $4  }
0x205: {  	s19 =	sand.u32 $0x380, s10;
	s10 =	sand.u32 $0x380, s15;
	s15 =	smul.u32 $0xC00, s5  }
0x206: {  	s5 =	sand.u32 $0x380, s11;
	s11 =	smul.u32 $0xC00, s12;
	s12 =	sshrl.u32 s28, $0x3  }
0x207: {  	s9 =	smul.u32 $0xC00, s12;
	s28 =	sor.u32 s19, s15;
	s19 =	sadd.s32 $0x800, s30  }
0x208: {  	(v2sf) =	vpush v3, $0x4;
	s15 =	sand.u32 $0x380, s1;
	s30 =	sshrl.u32 s17, $0x3;
	s1 =	sshrl.u32 s19, $0x3  }
0x209: {  	s8 =	sor.u32 s10, s11;
	s4 =	smul.u32 $0xC00, s4  }
0x20a: {  	s19 =	simm.s32 $0x0;
	s0 =	smul.u32 $0xC00, s0;
	s12 =	rddreg [dreg:$0x1a]  }
0x20b: {  	s7 =	sor.u32 s7, s9;
	s10 =	sand.u32 $0x380, s18;
	s2 =	smul.u32 $0xC00, s2  }
0x20c: {  	s25 =	sor.u32 s25, s24;
	s1 =	sadd.s32 s3, s1;
	s8 =	sadd.s32 $0x800, s8  }
0x20d: {  	s7 =	sadd.s32 $0x800, s7;
	s8 =	sshrl.u32 s8, $0x3;
	s4 =	sor.u32 s16, s4  }
0x20e: {  	s0 =	sor.u32 s31, s0;
	s8 =	sadd.s32 s3, s8;
	s4 =	sadd.s32 $0x800, s4  }
0x20f: {  	[tilespmem:s22], [sflag:$0x6] =	stream.linear.gather [hbm4b:s8+s19], $0x80, $0x38;
	[tilespmem:$0x18200] =	vst v63  }
0x210: {  	s16 =	sor.u32 s21, s20;
	s20 =	sadd.s32 $0x800, s28;
	s4 =	sshrl.u32 s4, $0x3  }
0x211: {  	s21 =	sadd.s32 $0x800, s29;
	s7 =	sshrl.u32 s7, $0x3;
	s4 =	sadd.s32 s3, s4  }
0x212: {  	(v2sf) =	vpush v3, $0xF;
	[tilespmem:s12], [sflag:$0x6] =	stream.linear.gather [hbm4b:s4+s19], $0x80, $0x38;
	[tilespmem:$0x18200] =	vst v63  }
0x213: {  	(v2sf) =	vpush v3, $0xB;
	s2 =	sor.u32 s5, s2;
	s22 =	smul.u32 $0xC00, s30;
	s12 =	sshll.u32 s17, $0x7  }
0x214: {  	s9 =	sshrl.u32 s21, $0x3;
	s21 =	rddreg [dreg:$0x1d];
	s12 =	sand.u32 $0x380, s12  }
0x215: {  	s0 =	sadd.s32 $0x800, s0;
	s11 =	sor.u32 s12, s22;
	s22 =	sld [smem:$0x7F0]  }
0x216: {  	s2 =	sadd.s32 $0x800, s2;
	s0 =	sshrl.u32 s0, $0x3;
	s11 =	sadd.s32 $0x800, s11  }
0x217: {  	s8 =	sshrl.u32 s20, $0x3;
	s0 =	sadd.s32 s3, s0;
	s11 =	sshrl.u32 s11, $0x3  }
0x218: {  	[tilespmem:s22], [sflag:$0x6] =	stream.linear.gather [hbm4b:s0+s19], $0x80, $0x38;
	[tilespmem:$0x18200] =	vst v63  }
0x219: {  	s20 =	sadd.s32 $0x800, s25;
	s25 =	rddreg [dreg:$0x7];
	s11 =	sadd.s32 s3, s11  }
0x21a: {  	[tilespmem:s25], [sflag:$0x6] =	stream.linear.gather [hbm4b:s11+s19], $0x80, $0x38;
	[tilespmem:$0x18200] =	vst v63  }
0x21b: {  	s7 =	sadd.s32 s3, s7;
	s10 =	sor.u32 s10, s21;
	s26 =	spop (v2sf)  }
0x21c: {  	s9 =	sadd.s32 s3, s9;
	s2 =	sshrl.u32 s2, $0x3;
	s18 =	sshrl.u32 s26, $0x3  }
0x21d: {  	s5 =	sshrl.u32 s20, $0x3;
	s17 =	sshll.u32 s26, $0x7;
	s12 =	smul.u32 $0xC00, s18  }
0x21e: {  	s10 =	sadd.s32 $0x800, s10;
	s20 =	rddreg [dreg:$0x15];
	s17 =	sand.u32 $0x380, s17  }
0x21f: {  	s8 =	sadd.s32 s3, s8;
	s4 =	sadd.s32 $0x800, s16;
	s12 =	sor.u32 s17, s12  }
0x220: {  	s2 =	sadd.s32 s3, s2;
	s4 =	sshrl.u32 s4, $0x3;
	s12 =	sadd.s32 $0x800, s12  }
0x221: {  	s4 =	sadd.s32 s3, s4;
	s0 =	spop (v2sf);
	s12 =	sshrl.u32 s12, $0x3  }
0x222: {  	s22 =	rddreg [dreg:$0x12];
	s24 =	spop (v2sf);
	s12 =	sadd.s32 s3, s12  }
0x223: {  	[tilespmem:s20], [sflag:$0x6] =	stream.linear.gather [hbm4b:s12+s19], $0x80, $0x38;
	[tilespmem:$0x18200] =	vst v63  }
0x224: {  	s25 =	smul.u32 $0xC00, s23;
	s23 =	rddreg [dreg:$0xa];
	s26 =	sshrl.u32 s24, $0x3  }
0x225: {  	[tilespmem:s22], [sflag:$0x6] =	stream.linear.gather [hbm4b:s9+s19], $0x80, $0x38;
	[tilespmem:$0x18200] =	vst v63  }
0x226: {  	s17 =	sshll.u32 s24, $0x7;
	s11 =	smul.u32 $0xC00, s26;
	s26 =	rddreg [dreg:$0xf]  }
0x227: {  	[tilespmem:s26], [sflag:$0x6] =	stream.linear.gather [hbm4b:s4+s19], $0x80, $0x38;
	[tilespmem:$0x18200] =	vst v63  }
0x228: {  	s16 =	sshll.u32 s0, $0x7;
	s0 =	sshrl.u32 s0, $0x3;
	s21 =	sand.u32 $0x380, s17  }
0x229: {  	[tilespmem:s14], [sflag:$0x6] =	stream.linear.gather [hbm4b:s1+s19], $0x80, $0x38;
	[tilespmem:$0x18200] =	vst v63  }
0x22a: {  	s0 =	smul.u32 $0xC00, s0;
	s24 =	sor.u32 s21, s11;
	s21 =	sshrl.u32 s10, $0x3  }
0x22b: {  	[tilespmem:s13], [sflag:$0x6] =	stream.linear.gather [hbm4b:s8+s19], $0x80, $0x38;
	[tilespmem:$0x18200] =	vst v63  }
0x22c: {  	s17 =	sor.u32 s15, s25;
	s12 =	sadd.s32 $0x800, s24;
	s22 =	sadd.s32 s3, s21  }
0x22d: {  	[tilespmem:s23], [sflag:$0x6] =	stream.linear.gather [hbm4b:s22+s19], $0x80, $0x38;
	[tilespmem:$0x18200] =	vst v63  }
0x22e: {  	s25 =	rddreg [dreg:$0x4];
	s20 =	sadd.s32 $0x800, s17;
	s18 =	sshrl.u32 s12, $0x3  }
0x22f: {  	[tilespmem:s25], [sflag:$0x6] =	stream.linear.gather [hbm4b:s7+s19], $0x80, $0x38;
	[tilespmem:$0x18200] =	vst v63  }
0x230: {  	s24 =	sand.u32 $0x380, s16;
	s26 =	sadd.s32 $0x14780, s6;
	s1 =	sadd.s32 s3, s18  }
0x231: {  	[tilespmem:s26], [sflag:$0x6] =	stream.linear.gather [hbm4b:s1+s19], $0x80, $0x38;
	[tilespmem:$0x18200] =	vst v63  }
0x232: {  	s0 =	sor.u32 s24, s0;
	s4 =	sshrl.u32 s20, $0x3;
	s7 =	sadd.s32 $0x14800, s6  }
0x233: {  	[tilespmem:s7], [sflag:$0x6] =	stream.linear.gather [hbm4b:s2+s19], $0x80, $0x38;
	[tilespmem:$0x18200] =	vst v63  }
0x234: {  	s0 =	sadd.s32 $0x800, s0;
	s9 =	sadd.s32 s3, s4;
	s8 =	sadd.s32 $0x14880, s6  }
0x235: {  	[tilespmem:s8], [sflag:$0x6] =	stream.linear.gather [hbm4b:s9+s19], $0x80, $0x38;
	[tilespmem:$0x18200] =	vst v63  }
0x236: {  	s10 =	sadd.s32 $0x14900, s6;
	s11 =	sadd.s32 s3, s5;
	s0 =	sshrl.u32 s0, $0x3  }
0x237: {  	[tilespmem:s10], [sflag:$0x6] =	stream.linear.gather [hbm4b:s11+s19], $0x80, $0x38;
	[tilespmem:$0x18200] =	vst v63  }
0x238: {  	s12 =	sadd.s32 $0x14980, s6;
	s0 =	sadd.s32 s3, s0;
	s13 =	simm.s32 $0x1  }
0x239: {  	[tilespmem:s12], [sflag:$0x6] =	stream.linear.gather [hbm4b:s0+s19], $0x80, $0x38;
	[tilespmem:$0x18200] =	vst v63  }
0x23a: {  	_ =	swait.ge [sflag:s13], $0x8000  }
0x23b: {  	s14 =	sld [smem:$0x7F4]  }
0x23c: {  	s15 =	simm.s32 $0x200;
	s16 =	simm.s32 $0x800;
	[sflag:s13] =	ssyncset.done $0x0  }
0x23d: {  	s17 =	simm.s32 $0xC00;
	s18 =	simm.s32 $0x5;
	[sflag:s13] =	ssyncadd.s32 $0xFFFF8000  }
0x23e: {  	[hbm4b:s14+s16] =	stream.strided.scatter [tilespmem:s15], [sflag:$0x3], $0x8000, s17, s16, $0x38;
	[tilespmem:$0x18200] =	vst v63  }
0x23f: {  	_ =	swait.ge [sflag:s18], $0x4000  }
0x240: {  	s19 =	sld [smem:$0x7F5]  }
0x241: {  	s21 =	simm.s32 $0x10200;
	[sflag:s18] =	ssyncset.done $0x0  }
0x242: {  	s20 =	simm.s32 $0x400;
	s22 =	simm.s32 $0x3;
	[sflag:s18] =	ssyncadd.s32 $0xFFFFC000  }
0x243: {  	[hbm4b:s19+s20] =	stream.strided.scatter [tilespmem:s21], [sflag:$0x7], $0x4000, s17, s20, $0x38;
	[tilespmem:$0x18200] =	vst v63  }
0x244: {  	_ =	swait.ge [sflag:s22], $0x8000  }
0x245: {  	[sflag:s22] =	ssyncset.done $0x0  }
0x246: {  	[sflag:s22] =	ssyncadd.s32 $0xFFFF8000  }
0x247: {  	v3 =	vld [tilespmem:$0x100];
	_ =	sdelay $0x4  }
0x248: {  	v4 =	vshrl.u32 v3, $0x3  }
0x249: {  	v4 =	vmul.u32 $0x18, v4  }
0x24a: {  	v3 =	vand.u32 $0x7, v3  }
0x24b: {  	v3 =	vor.u32 v3, v4  }
0x24c: {  	v4 =	vperm.xlane v3, v0;
	_ =	sdelay $0x1  }
0x24d: {  	v3 =	vperm.xlane v3, v2;
	v4 =	vadd.s32 v1, v4;
	_ =	sdelay $0x1  }
0x24e: {  	v3 =	vadd.s32 v1, v3;
	_ =	sdelay $0x1  }
0x24f: {  	s23 =	simm.s32 $0x0  }
0x250: {  	[tilespmem:s15], [sflag:$0x1] =	stream.indirect_vreg.gather [hbm4b:s3+s23], $0x80, v4, vm0, $0xb8;
	[tilespmem:$0x18200] =	vst v63  }
0x251: {  	s24 =	simm.s32 $0xA00  }
0x252: {  	[tilespmem:s24], [sflag:$0x1] =	stream.indirect_vreg.gather [hbm4b:s3+s23], $0x80, v3, vm0, $0xb8;
	[tilespmem:$0x18200] =	vst v63  }
0x253: {  	v3 =	vld [tilespmem:$0x110];
	_ =	sdelay $0x4  }
0x254: {  	v4 =	vshrl.u32 v3, $0x3  }
0x255: {  	v4 =	vmul.u32 $0x18, v4  }
0x256: {  	v3 =	vand.u32 $0x7, v3  }
0x257: {  	v3 =	vor.u32 v3, v4  }
0x258: {  	v4 =	vperm.xlane v3, v0;
	_ =	sdelay $0x1  }
0x259: {  	v3 =	vperm.xlane v3, v2;
	v4 =	vadd.s32 v1, v4;
	_ =	sdelay $0x1  }
0x25a: {  	v3 =	vadd.s32 v1, v3;
	_ =	sdelay $0x1  }
0x25b: {  	s25 =	simm.s32 $0x1200  }
0x25c: {  	[tilespmem:s25], [sflag:$0x1] =	stream.indirect_vreg.gather [hbm4b:s3+s23], $0x80, v4, vm0, $0xb8;
	[tilespmem:$0x18200] =	vst v63  }
0x25d: {  	s26 =	simm.s32 $0x1A00  }
0x25e: {  	[tilespmem:s26], [sflag:$0x1] =	stream.indirect_vreg.gather [hbm4b:s3+s23], $0x80, v3, vm0, $0xb8;
	[tilespmem:$0x18200] =	vst v63  }
0x25f: {  	v3 =	vld [tilespmem:$0x120];
	_ =	sdelay $0x4  }
0x260: {  	v4 =	vshrl.u32 v3, $0x3  }
0x261: {  	v4 =	vmul.u32 $0x18, v4  }
0x262: {  	v3 =	vand.u32 $0x7, v3  }
0x263: {  	v3 =	vor.u32 v3, v4  }
0x264: {  	v4 =	vperm.xlane v3, v0;
	_ =	sdelay $0x1  }
0x265: {  	v3 =	vperm.xlane v3, v2;
	v4 =	vadd.s32 v1, v4;
	_ =	sdelay $0x1  }
0x266: {  	v3 =	vadd.s32 v1, v3;
	_ =	sdelay $0x1  }
0x267: {  	s2 =	simm.s32 $0x2200  }
0x268: {  	[tilespmem:s2], [sflag:$0x1] =	stream.indirect_vreg.gather [hbm4b:s3+s23], $0x80, v4, vm0, $0xb8;
	[tilespmem:$0x18200] =	vst v63  }
0x269: {  	s4 =	simm.s32 $0x2A00  }
0x26a: {  	[tilespmem:s4], [sflag:$0x1] =	stream.indirect_vreg.gather [hbm4b:s3+s23], $0x80, v3, vm0, $0xb8;
	[tilespmem:$0x18200] =	vst v63  }
0x26b: {  	v3 =	vld [tilespmem:$0x130];
	_ =	sdelay $0x4  }
0x26c: {  	v4 =	vshrl.u32 v3, $0x3  }
0x26d: {  	v4 =	vmul.u32 $0x18, v4  }
0x26e: {  	v3 =	vand.u32 $0x7, v3  }
0x26f: {  	v3 =	vor.u32 v3, v4  }
0x270: {  	v4 =	vperm.xlane v3, v0;
	_ =	sdelay $0x1  }
0x271: {  	v3 =	vperm.xlane v3, v2;
	v4 =	vadd.s32 v1, v4;
	_ =	sdelay $0x1  }
0x272: {  	v3 =	vadd.s32 v1, v3;
	_ =	sdelay $0x1  }
0x273: {  	s5 =	simm.s32 $0x3200  }
0x274: {  	[tilespmem:s5], [sflag:$0x1] =	stream.indirect_vreg.gather [hbm4b:s3+s23], $0x80, v4, vm0, $0xb8;
	[tilespmem:$0x18200] =	vst v63  }
0x275: {  	s6 =	simm.s32 $0x3A00  }
0x276: {  	[tilespmem:s6], [sflag:$0x1] =	stream.indirect_vreg.gather [hbm4b:s3+s23], $0x80, v3, vm0, $0xb8;
	[tilespmem:$0x18200] =	vst v63  }
0x277: {  	v3 =	vld [tilespmem:$0x140];
	_ =	sdelay $0x4  }
0x278: {  	v4 =	vshrl.u32 v3, $0x3  }
0x279: {  	v4 =	vmul.u32 $0x18, v4  }
0x27a: {  	v3 =	vand.u32 $0x7, v3  }
0x27b: {  	v3 =	vor.u32 v3, v4  }
0x27c: {  	v4 =	vperm.xlane v3, v0;
	_ =	sdelay $0x1  }
0x27d: {  	v3 =	vperm.xlane v3, v2;
	v4 =	vadd.s32 v1, v4;
	_ =	sdelay $0x1  }
0x27e: {  	v3 =	vadd.s32 v1, v3;
	_ =	sdelay $0x1  }
0x27f: {  	s7 =	simm.s32 $0x4200  }
0x280: {  	[tilespmem:s7], [sflag:$0x1] =	stream.indirect_vreg.gather [hbm4b:s3+s23], $0x80, v4, vm0, $0xb8;
	[tilespmem:$0x18200] =	vst v63  }
0x281: {  	s8 =	simm.s32 $0x4A00  }
0x282: {  	[tilespmem:s8], [sflag:$0x1] =	stream.indirect_vreg.gather [hbm4b:s3+s23], $0x80, v3, vm0, $0xb8;
	[tilespmem:$0x18200] =	vst v63  }
0x283: {  	v3 =	vld [tilespmem:$0x150];
	_ =	sdelay $0x4  }
0x284: {  	v4 =	vshrl.u32 v3, $0x3  }
0x285: {  	v4 =	vmul.u32 $0x18, v4  }
0x286: {  	v3 =	vand.u32 $0x7, v3  }
0x287: {  	v3 =	vor.u32 v3, v4  }
0x288: {  	v4 =	vperm.xlane v3, v0;
	_ =	sdelay $0x1  }
0x289: {  	v3 =	vperm.xlane v3, v2;
	v4 =	vadd.s32 v1, v4;
	_ =	sdelay $0x1  }
0x28a: {  	v3 =	vadd.s32 v1, v3;
	_ =	sdelay $0x1  }
0x28b: {  	s9 =	simm.s32 $0x5200  }
0x28c: {  	[tilespmem:s9], [sflag:$0x1] =	stream.indirect_vreg.gather [hbm4b:s3+s23], $0x80, v4, vm0, $0xb8;
	[tilespmem:$0x18200] =	vst v63  }
0x28d: {  	s10 =	simm.s32 $0x5A00  }
0x28e: {  	[tilespmem:s10], [sflag:$0x1] =	stream.indirect_vreg.gather [hbm4b:s3+s23], $0x80, v3, vm0, $0xb8;
	[tilespmem:$0x18200] =	vst v63  }
0x28f: {  	v3 =	vld [tilespmem:$0x160];
	_ =	sdelay $0x4  }
0x290: {  	v4 =	vshrl.u32 v3, $0x3  }
0x291: {  	v4 =	vmul.u32 $0x18, v4  }
0x292: {  	v3 =	vand.u32 $0x7, v3  }
0x293: {  	v3 =	vor.u32 v3, v4  }
0x294: {  	v4 =	vperm.xlane v3, v0;
	_ =	sdelay $0x1  }
0x295: {  	v3 =	vperm.xlane v3, v2;
	v4 =	vadd.s32 v1, v4;
	_ =	sdelay $0x1  }
0x296: {  	v3 =	vadd.s32 v1, v3;
	_ =	sdelay $0x1  }
0x297: {  	s11 =	simm.s32 $0x6200  }
0x298: {  	[tilespmem:s11], [sflag:$0x1] =	stream.indirect_vreg.gather [hbm4b:s3+s23], $0x80, v4, vm0, $0xb8;
	[tilespmem:$0x18200] =	vst v63  }
0x299: {  	s12 =	simm.s32 $0x6A00  }
0x29a: {  	[tilespmem:s12], [sflag:$0x1] =	stream.indirect_vreg.gather [hbm4b:s3+s23], $0x80, v3, vm0, $0xb8;
	[tilespmem:$0x18200] =	vst v63  }
0x29b: {  	v3 =	vld [tilespmem:$0x170];
	_ =	sdelay $0x4  }
0x29c: {  	v4 =	vshrl.u32 v3, $0x3  }
0x29d: {  	v4 =	vmul.u32 $0x18, v4  }
0x29e: {  	v3 =	vand.u32 $0x7, v3  }
0x29f: {  	v3 =	vor.u32 v3, v4  }
0x2a0: {  	v4 =	vperm.xlane v3, v0;
	_ =	sdelay $0x1  }
0x2a1: {  	v3 =	vperm.xlane v3, v2;
	v4 =	vadd.s32 v1, v4;
	_ =	sdelay $0x1  }
0x2a2: {  	v3 =	vadd.s32 v1, v3;
	_ =	sdelay $0x1  }
0x2a3: {  	s13 =	simm.s32 $0x7200  }
0x2a4: {  	[tilespmem:s13], [sflag:$0x1] =	stream.indirect_vreg.gather [hbm4b:s3+s23], $0x80, v4, vm0, $0xb8;
	[tilespmem:$0x18200] =	vst v63  }
0x2a5: {  	s14 =	simm.s32 $0x7A00;
	s15 =	simm.s32 $0x7  }
0x2a6: {  	[tilespmem:s14], [sflag:$0x1] =	stream.indirect_vreg.gather [hbm4b:s3+s23], $0x80, v3, vm0, $0xb8;
	[tilespmem:$0x18200] =	vst v63  }
0x2a7: {  	_ =	swait.ge [sflag:s15], $0x4000  }
0x2a8: {  	[sflag:s15] =	ssyncset.done $0x0  }
0x2a9: {  	s16 =	simm.s32 $0x100;
	[sflag:s15] =	ssyncadd.s32 $0xFFFFC000  }
0x2aa: {  	v3 =	vld [tilespmem:s16+$0x0];
	_ =	sdelay $0x4  }
0x2ab: {  	(v2sf) =	vpush v3, $0x7  }
0x2ac: {  	(v2sf) =	vpush v3, $0xD  }
0x2ad: {  	(v2sf) =	vpush v3, $0x9  }
0x2ae: {  	(v2sf) =	vpush v3, $0x5  }
0x2af: {  	(v2sf) =	vpush v3, $0x6;
	_ =	sdelay $0x1  }
0x2b0: {  	(v2sf) =	vpush v3, $0x1  }
0x2b1: {  	(v2sf) =	vpush v3, $0xC;
	_ =	sdelay $0x1  }
0x2b2: {  	(v2sf) =	vpush v3, $0x0;
	_ =	sdelay $0x1  }
0x2b3: {  	(v2sf) =	vpush v3, $0xA  }
0x2b4: {  	(v2sf) =	vpush v3, $0xE  }
0x2b5: {  	s18 =	simm.s32 $0x10280;
	(v2sf) =	vpush v3, $0x3  }
0x2b6: {  	s20 =	simm.s32 $0x10380;
	s26 =	simm.s32 $0x2000;
	[dreg:$0x1b] =	wrdreg s18;
	(v2sf) =	vpush v3, $0x2  }
0x2b7: {  	s6 =	simm.s32 $0x0;
	[dreg:$0x8] =	wrdreg s20;
	(v2sf) =	vpush v3, $0x8;
	s0 =	spop (v2sf)  }
0x2b8: {  	s1 =	spop (v2sf);
	s21 =	sshrl.u32 s0, $0x3;
	s0 =	sshll.u32 s0, $0x7  }
0x2b9: {  	s17 =	spop (v2sf);
	s5 =	smul.u32 $0xC00, s21;
	s8 =	sshll.u32 s1, $0x7  }
0x2ba: {  	s0 =	sand.u32 $0x380, s0;
	s19 =	spop (v2sf);
	s25 =	sshrl.u32 s17, $0x3  }
0x2bb: {  	s18 =	sshll.u32 s17, $0x7;
	s22 =	spop (v2sf);
	s12 =	sshrl.u32 s19, $0x3  }
0x2bc: {  	s20 =	sshll.u32 s19, $0x7;
	s23 =	smul.u32 $0xC00, s25;
	s30 =	sor.u32 s0, s5  }
0x2bd: {  	s24 =	spop (v2sf);
	s21 =	sshrl.u32 s22, $0x3;
	s7 =	sshll.u32 s22, $0x7  }
0x2be: {  	s13 =	sand.u32 $0x380, s20;
	s2 =	smul.u32 $0xC00, s12;
	s11 =	spop (v2sf)  }
0x2bf: {  	[dreg:$0x1e] =	wrdreg s23;
	s4 =	sshrl.u32 s24, $0x3;
	s20 =	smul.u32 $0xC00, s21  }
0x2c0: {  	s9 =	sshll.u32 s24, $0x7;
	s21 =	sand.u32 $0x380, s7;
	s14 =	spop (v2sf)  }
0x2c1: {  	s16 =	sand.u32 $0x380, s9;
	s29 =	sor.u32 s13, s2;
	s2 =	sshrl.u32 s11, $0x3  }
0x2c2: {  	s11 =	sshll.u32 s11, $0x7;
	s19 =	spop (v2sf);
	s22 =	sshll.u32 s14, $0x7  }
0x2c3: {  	s10 =	spop (v2sf);
	s15 =	sshll.u32 s19, $0x7;
	s13 =	sshrl.u32 s19, $0x3  }
0x2c4: {  	s19 =	simm.s32 $0x10700;
	s17 =	spop (v2sf);
	s12 =	sshll.u32 s10, $0x7  }
0x2c5: {  	[dreg:$0x5] =	wrdreg s19;
	s19 =	simm.s32 $0x10300;
	s23 =	spop (v2sf)  }
0x2c6: {  	[smem:$0x7EE] =	sst s19;
	s24 =	spop (v2sf);
	s5 =	sshll.u32 s23, $0x7  }
0x2c7: {  	s0 =	sshrl.u32 s23, $0x3;
	s23 =	sshrl.u32 s1, $0x3;
	s25 =	sshrl.u32 s24, $0x3  }
0x2c8: {  	s7 =	sshll.u32 s24, $0x7;
	s31 =	sand.u32 $0x380, s5;
	s5 =	sand.u32 $0x380, s11  }
0x2c9: {  	s9 =	smul.u32 $0xC00, s25;
	s7 =	sand.u32 $0x380, s7;
	s25 =	sshrl.u32 s10, $0x3  }
0x2ca: {  	s10 =	sand.u32 $0x380, s22;
	s22 =	simm.s32 $0x10480;
	s24 =	smul.u32 $0xC00, s25  }
0x2cb: {  	s25 =	sand.u32 $0x380, s12;
	s12 =	sadd.s32 $0x800, s30;
	[dreg:$0x13] =	wrdreg s22  }
0x2cc: {  	s22 =	simm.s32 $0x10200;
	s30 =	sshrl.u32 s17, $0x3;
	s28 =	sor.u32 s7, s9  }
0x2cd: {  	s9 =	sshrl.u32 s14, $0x3;
	s7 =	sand.u32 $0x380, s15;
	s15 =	sand.u32 $0x380, s8  }
0x2ce: {  	s1 =	sshrl.u32 s12, $0x3;
	s14 =	simm.s32 $0x10400;
	s11 =	smul.u32 $0xC00, s9  }
0x2cf: {  	s9 =	smul.u32 $0xC00, s13;
	[dreg:$0x16] =	wrdreg s14;
	s13 =	simm.s32 $0x10680  }
0x2d0: {  	s8 =	simm.s32 $0x110;
	s14 =	simm.s32 $0x10500;
	[dreg:$0xb] =	wrdreg s13  }
0x2d1: {  	(v2sf) =	vpush v3, $0x4;
	[dreg:$0x10] =	wrdreg s14;
	s13 =	simm.s32 $0x10600;
	s14 =	simm.s32 $0x10580  }
.LBB2_6:
0x2d2: {  	s10 =	sor.u32 s10, s11  }
0x2d3: {  	s19 =	smul.u32 $0xC00, s0;
	s28 =	sadd.s32 $0x800, s28;
	s12 =	smov.u32 s26  }
0x2d4: {  	s29 =	sadd.s32 $0x800, s29;
	s0 =	sand.u32 $0x380, s18;
	s4 =	smul.u32 $0xC00, s4  }
0x2d5: {  	s1 =	sadd.s32 s3, s1;
	[smem:$0x7ED] =	sst s12;
	s12 =	smul.u32 $0xC00, s2  }
0x2d6: {  	s2 =	sadd.s32 $0x800, s10;
	s18 =	sshrl.u32 s28, $0x3;
	s7 =	sor.u32 s7, s9  }
0x2d7: {  	s9 =	smul.u32 $0xC00, s30;
	s10 =	sor.u32 s31, s19;
	s31 =	sshrl.u32 s29, $0x3  }
0x2d8: {  	(v2sf) =	vpush v3, $0xF;
	s19 =	sor.u32 s21, s20;
	s21 =	sadd.s32 $0x800, s7;
	s4 =	sor.u32 s16, s4  }
0x2d9: {  	s20 =	sadd.s32 $0x800, s19;
	s19 =	sshrl.u32 s2, $0x3;
	s2 =	sshrl.u32 s21, $0x3  }
0x2da: {  	(v2sf) =	vpush v3, $0xB;
	s21 =	sshll.u32 s17, $0x7;
	s10 =	sadd.s32 $0x800, s10;
	s4 =	sadd.s32 $0x800, s4  }
0x2db: {  	s5 =	sor.u32 s5, s12;
	s7 =	sshrl.u32 s20, $0x3;
	s11 =	sand.u32 $0x380, s21  }
0x2dc: {  	s17 =	sadd.s32 s3, s19;
	s21 =	sor.u32 s25, s24;
	s19 =	simm.s32 $0x0  }
0x2dd: {  	s4 =	sshrl.u32 s4, $0x3;
	s10 =	sshrl.u32 s10, $0x3;
	s5 =	sadd.s32 $0x800, s5  }
0x2de: {  	[tilespmem:s22], [sflag:$0x5] =	stream.linear.gather [hbm4b:s17+s19], $0x80, $0x38;
	[tilespmem:$0x18200] =	vst v63  }
0x2df: {  	s9 =	sor.u32 s11, s9;
	s4 =	sadd.s32 s3, s4;
	s10 =	sadd.s32 s3, s10  }
0x2e0: {  	s17 =	sld [smem:$0x7EE];
	s9 =	sadd.s32 $0x800, s9;
	s16 =	spop (v2sf)  }
0x2e1: {  	s7 =	sadd.s32 s3, s7;
	s9 =	sshrl.u32 s9, $0x3;
	s24 =	sshrl.u32 s16, $0x3  }
0x2e2: {  	s20 =	sshll.u32 s16, $0x7;
	s16 =	rddreg [dreg:$0x1e];
	s11 =	smul.u32 $0xC00, s24  }
0x2e3: {  	s25 =	sand.u32 $0x380, s20;
	s20 =	rddreg [dreg:$0x1b];
	s24 =	sadd.s32 $0x800, s21  }
0x2e4: {  	[tilespmem:s20], [sflag:$0x5] =	stream.linear.gather [hbm4b:s4+s19], $0x80, $0x38;
	[tilespmem:$0x18200] =	vst v63  }
0x2e5: {  	s9 =	sadd.s32 s3, s9;
	s0 =	sor.u32 s0, s16;
	s4 =	sshrl.u32 s24, $0x3  }
0x2e6: {  	s0 =	sadd.s32 $0x800, s0;
	s24 =	sadd.s32 s3, s31;
	s22 =	sor.u32 s25, s11  }
0x2e7: {  	s11 =	spop (v2sf);
	s0 =	sshrl.u32 s0, $0x3;
	s25 =	sadd.s32 $0x800, s22  }
0x2e8: {  	[tilespmem:s17], [sflag:$0x5] =	stream.linear.gather [hbm4b:s10+s19], $0x80, $0x38;
	[tilespmem:$0x18200] =	vst v63  }
0x2e9: {  	s20 =	spop (v2sf);
	s22 =	rddreg [dreg:$0x8];
	s0 =	sadd.s32 s3, s0  }
0x2ea: {  	s12 =	sshrl.u32 s25, $0x3;
	s21 =	sshrl.u32 s20, $0x3;
	s16 =	sshll.u32 s20, $0x7  }
0x2eb: {  	[tilespmem:s22], [sflag:$0x5] =	stream.linear.gather [hbm4b:s9+s19], $0x80, $0x38;
	[tilespmem:$0x18200] =	vst v63  }
0x2ec: {  	s25 =	rddreg [dreg:$0x16];
	s20 =	smul.u32 $0xC00, s23;
	s10 =	sadd.s32 s3, s12  }
0x2ed: {  	[tilespmem:s25], [sflag:$0x5] =	stream.linear.gather [hbm4b:s10+s19], $0x80, $0x38;
	[tilespmem:$0x18200] =	vst v63  }
0x2ee: {  	s12 =	sshll.u32 s11, $0x7;
	s17 =	smul.u32 $0xC00, s21;
	s21 =	rddreg [dreg:$0x13]  }
0x2ef: {  	[tilespmem:s21], [sflag:$0x5] =	stream.linear.gather [hbm4b:s24+s19], $0x80, $0x38;
	[tilespmem:$0x18200] =	vst v63  }
0x2f0: {  	s16 =	sand.u32 $0x380, s16;
	s11 =	sshrl.u32 s11, $0x3;
	s24 =	rddreg [dreg:$0x10]  }
0x2f1: {  	[tilespmem:s24], [sflag:$0x5] =	stream.linear.gather [hbm4b:s7+s19], $0x80, $0x38;
	[tilespmem:$0x18200] =	vst v63  }
0x2f2: {  	s23 =	sor.u32 s15, s20;
	s15 =	sand.u32 $0x380, s12;
	s16 =	sor.u32 s16, s17  }
0x2f3: {  	[tilespmem:s14], [sflag:$0x5] =	stream.linear.gather [hbm4b:s1+s19], $0x80, $0x38;
	[tilespmem:$0x18200] =	vst v63  }
0x2f4: {  	s25 =	sadd.s32 s3, s18;
	s10 =	sadd.s32 $0x800, s23;
	s17 =	sadd.s32 s3, s2  }
0x2f5: {  	[tilespmem:s13], [sflag:$0x5] =	stream.linear.gather [hbm4b:s25+s19], $0x80, $0x38;
	[tilespmem:$0x18200] =	vst v63  }
0x2f6: {  	s18 =	sshrl.u32 s5, $0x3;
	s22 =	sadd.s32 $0x800, s16;
	s16 =	rddreg [dreg:$0xb]  }
0x2f7: {  	[tilespmem:s16], [sflag:$0x5] =	stream.linear.gather [hbm4b:s0+s19], $0x80, $0x38;
	[tilespmem:$0x18200] =	vst v63  }
0x2f8: {  	s2 =	sadd.s32 s3, s18;
	s9 =	sshrl.u32 s22, $0x3;
	s21 =	rddreg [dreg:$0x5]  }
0x2f9: {  	[tilespmem:s21], [sflag:$0x5] =	stream.linear.gather [hbm4b:s17+s19], $0x80, $0x38;
	[tilespmem:$0x18200] =	vst v63  }
0x2fa: {  	s22 =	sadd.s32 $0x10780, s6;
	s23 =	sadd.s32 s3, s9;
	s14 =	smul.u32 $0xC00, s11  }
0x2fb: {  	[tilespmem:s22], [sflag:$0x5] =	stream.linear.gather [hbm4b:s23+s19], $0x80, $0x38;
	[tilespmem:$0x18200] =	vst v63  }
0x2fc: {  	s24 =	sadd.s32 $0x10800, s6;
	s1 =	sshrl.u32 s10, $0x3;
	s20 =	sor.u32 s15, s14  }
0x2fd: {  	[tilespmem:s24], [sflag:$0x5] =	stream.linear.gather [hbm4b:s2+s19], $0x80, $0x38;
	[tilespmem:$0x18200] =	vst v63  }
0x2fe: {  	s1 =	sadd.s32 s3, s1;
	s25 =	sadd.s32 $0x10880, s6;
	s5 =	sadd.s32 $0x800, s20  }
0x2ff: {  	[tilespmem:s25], [sflag:$0x5] =	stream.linear.gather [hbm4b:s1+s19], $0x80, $0x38;
	[tilespmem:$0x18200] =	vst v63  }
0x300: {  	s5 =	sshrl.u32 s5, $0x3;
	s2 =	sadd.s32 s3, s4;
	s1 =	sadd.s32 $0x10900, s6  }
0x301: {  	[tilespmem:s1], [sflag:$0x5] =	stream.linear.gather [hbm4b:s2+s19], $0x80, $0x38;
	[tilespmem:$0x18200] =	vst v63  }
0x302: {  	s5 =	sadd.s32 s3, s5;
	s4 =	sadd.s32 $0x10980, s6  }
0x303: {  	[tilespmem:s4], [sflag:$0x5] =	stream.linear.gather [hbm4b:s5+s19], $0x80, $0x38;
	[tilespmem:$0x18200] =	vst v63  }
0x304: {  	v3 =	vld [tilespmem:s8+$0x0];
	_ =	sdelay $0x4  }
0x305: {  	(v2sf) =	vpush v3, $0x7  }
0x306: {  	(v2sf) =	vpush v3, $0xD  }
0x307: {  	(v2sf) =	vpush v3, $0x9  }
0x308: {  	(v2sf) =	vpush v3, $0x5  }
0x309: {  	s6 =	sld [smem:$0x7ED]  }
0x30a: {  	(v2sf) =	vpush v3, $0x6;
	_ =	sdelay $0x1  }
0x30b: {  	s6 =	sshra.s32 s6, $0x2;
	(v2sf) =	vpush v3, $0x1  }
0x30c: {  	s0 =	sadd.s32 $0x10280, s6;
	(v2sf) =	vpush v3, $0xC  }
0x30d: {  	s7 =	sadd.s32 $0x10380, s6;
	[dreg:$0x1b] =	wrdreg s0  }
0x30e: {  	s9 =	sadd.s32 $0x10400, s6;
	[dreg:$0x8] =	wrdreg s7;
	(v2sf) =	vpush v3, $0x0  }
0x30f: {  	p0 =	sne.s32 s26, $0xE000;
	s10 =	sadd.s32 $0x10700, s6;
	[dreg:$0x16] =	wrdreg s9;
	(v2sf) =	vpush v3, $0xA  }
0x310: {  	s26 =	sadd.s32 $0x2000, s26;
	s11 =	sadd.s32 $0x10480, s6;
	[dreg:$0x5] =	wrdreg s10;
	(v2sf) =	vpush v3, $0xE  }
0x311: {  	s12 =	sadd.s32 $0x10680, s6;
	s13 =	sadd.s32 $0x10500, s6;
	[dreg:$0x13] =	wrdreg s11;
	(v2sf) =	vpush v3, $0x3  }
0x312: {  	s22 =	sadd.s32 $0x10200, s6;
	s24 =	sadd.s32 $0x10300, s6;
	[dreg:$0xb] =	wrdreg s12;
	(v2sf) =	vpush v3, $0x2  }
0x313: {  	s8 =	sadd.s32 $0x10, s8;
	[dreg:$0x10] =	wrdreg s13;
	(v2sf) =	vpush v3, $0x8;
	s0 =	spop (v2sf)  }
0x314: {  	[smem:$0x7EE] =	sst s24;
	s14 =	sshrl.u32 s0, $0x3;
	s13 =	spop (v2sf)  }
0x315: {  	s0 =	sshll.u32 s0, $0x7;
	s14 =	smul.u32 $0xC00, s14;
	s15 =	spop (v2sf)  }
0x316: {  	s1 =	sshll.u32 s13, $0x7;
	s30 =	sand.u32 $0x380, s0;
	s17 =	spop (v2sf)  }
0x317: {  	s16 =	sshrl.u32 s15, $0x3;
	s18 =	sshll.u32 s15, $0x7;
	s9 =	sshrl.u32 s17, $0x3  }
0x318: {  	s19 =	spop (v2sf);
	s2 =	sshll.u32 s17, $0x7;
	s4 =	smul.u32 $0xC00, s16  }
0x319: {  	s30 =	sor.u32 s30, s14;
	s14 =	sadd.s32 $0x10580, s6;
	s20 =	sshrl.u32 s19, $0x3  }
0x31a: {  	s21 =	spop (v2sf);
	s5 =	sshll.u32 s19, $0x7;
	s9 =	smul.u32 $0xC00, s9  }
0x31b: {  	s29 =	sand.u32 $0x380, s2;
	[dreg:$0x1e] =	wrdreg s4;
	s11 =	spop (v2sf)  }
0x31c: {  	s4 =	sshrl.u32 s21, $0x3;
	s20 =	smul.u32 $0xC00, s20;
	s25 =	sshll.u32 s21, $0x7  }
0x31d: {  	s21 =	sand.u32 $0x380, s5;
	s12 =	spop (v2sf);
	s16 =	sand.u32 $0x380, s25  }
0x31e: {  	s2 =	sshrl.u32 s11, $0x3;
	s11 =	sshll.u32 s11, $0x7;
	s28 =	spop (v2sf)  }
0x31f: {  	s29 =	sor.u32 s29, s9;
	s15 =	sshll.u32 s12, $0x7;
	s23 =	spop (v2sf)  }
0x320: {  	s12 =	sshrl.u32 s12, $0x3;
	s7 =	sshll.u32 s28, $0x7;
	s17 =	spop (v2sf)  }
0x321: {  	s19 =	sshll.u32 s23, $0x7;
	s23 =	sshrl.u32 s23, $0x3;
	s10 =	spop (v2sf)  }
0x322: {  	s7 =	sand.u32 $0x380, s7;
	s24 =	sshll.u32 s10, $0x7;
	s25 =	spop (v2sf)  }
0x323: {  	s0 =	sshrl.u32 s10, $0x3;
	s31 =	sand.u32 $0x380, s24;
	s5 =	sshrl.u32 s25, $0x3  }
0x324: {  	s10 =	sshll.u32 s25, $0x7;
	s24 =	smul.u32 $0xC00, s23;
	s25 =	sand.u32 $0x380, s19  }
.Ltmp2:
0x325: {  	s23 =	sshrl.u32 s13, $0x3;
	s13 =	sadd.s32 $0x10600, s6;
	(pc) =	sbr.rel @p0 .LBB2_6-.Ltmp2, $4  }
0x326: {  	s19 =	sand.u32 $0x380, s10;
	s10 =	sand.u32 $0x380, s15;
	s15 =	smul.u32 $0xC00, s5  }
0x327: {  	s5 =	sand.u32 $0x380, s11;
	s11 =	smul.u32 $0xC00, s12;
	s12 =	sshrl.u32 s28, $0x3  }
0x328: {  	s9 =	smul.u32 $0xC00, s12;
	s28 =	sor.u32 s19, s15;
	s19 =	sadd.s32 $0x800, s30  }
0x329: {  	(v2sf) =	vpush v3, $0x4;
	s15 =	sand.u32 $0x380, s1;
	s30 =	sshrl.u32 s17, $0x3;
	s1 =	sshrl.u32 s19, $0x3  }
0x32a: {  	s8 =	sor.u32 s10, s11;
	s4 =	smul.u32 $0xC00, s4  }
0x32b: {  	s19 =	simm.s32 $0x0;
	s0 =	smul.u32 $0xC00, s0;
	s12 =	rddreg [dreg:$0x1b]  }
0x32c: {  	s7 =	sor.u32 s7, s9;
	s10 =	sand.u32 $0x380, s18;
	s2 =	smul.u32 $0xC00, s2  }
0x32d: {  	s25 =	sor.u32 s25, s24;
	s1 =	sadd.s32 s3, s1;
	s8 =	sadd.s32 $0x800, s8  }
0x32e: {  	s7 =	sadd.s32 $0x800, s7;
	s8 =	sshrl.u32 s8, $0x3;
	s4 =	sor.u32 s16, s4  }
0x32f: {  	s0 =	sor.u32 s31, s0;
	s8 =	sadd.s32 s3, s8;
	s4 =	sadd.s32 $0x800, s4  }
0x330: {  	[tilespmem:s22], [sflag:$0x5] =	stream.linear.gather [hbm4b:s8+s19], $0x80, $0x38;
	[tilespmem:$0x18200] =	vst v63  }
0x331: {  	s16 =	sor.u32 s21, s20;
	s20 =	sadd.s32 $0x800, s28;
	s4 =	sshrl.u32 s4, $0x3  }
0x332: {  	s21 =	sadd.s32 $0x800, s29;
	s7 =	sshrl.u32 s7, $0x3;
	s4 =	sadd.s32 s3, s4  }
0x333: {  	(v2sf) =	vpush v3, $0xF;
	[tilespmem:s12], [sflag:$0x5] =	stream.linear.gather [hbm4b:s4+s19], $0x80, $0x38;
	[tilespmem:$0x18200] =	vst v63  }
0x334: {  	(v2sf) =	vpush v3, $0xB;
	s2 =	sor.u32 s5, s2;
	s22 =	smul.u32 $0xC00, s30;
	s12 =	sshll.u32 s17, $0x7  }
0x335: {  	s9 =	sshrl.u32 s21, $0x3;
	s21 =	rddreg [dreg:$0x1e];
	s12 =	sand.u32 $0x380, s12  }
0x336: {  	s0 =	sadd.s32 $0x800, s0;
	s11 =	sor.u32 s12, s22;
	s22 =	sld [smem:$0x7EE]  }
0x337: {  	s2 =	sadd.s32 $0x800, s2;
	s0 =	sshrl.u32 s0, $0x3;
	s11 =	sadd.s32 $0x800, s11  }
0x338: {  	s8 =	sshrl.u32 s20, $0x3;
	s0 =	sadd.s32 s3, s0;
	s11 =	sshrl.u32 s11, $0x3  }
0x339: {  	[tilespmem:s22], [sflag:$0x5] =	stream.linear.gather [hbm4b:s0+s19], $0x80, $0x38;
	[tilespmem:$0x18200] =	vst v63  }
0x33a: {  	s20 =	sadd.s32 $0x800, s25;
	s25 =	rddreg [dreg:$0x8];
	s11 =	sadd.s32 s3, s11  }
0x33b: {  	[tilespmem:s25], [sflag:$0x5] =	stream.linear.gather [hbm4b:s11+s19], $0x80, $0x38;
	[tilespmem:$0x18200] =	vst v63  }
0x33c: {  	s7 =	sadd.s32 s3, s7;
	s10 =	sor.u32 s10, s21;
	s26 =	spop (v2sf)  }
0x33d: {  	s9 =	sadd.s32 s3, s9;
	s2 =	sshrl.u32 s2, $0x3;
	s18 =	sshrl.u32 s26, $0x3  }
0x33e: {  	s5 =	sshrl.u32 s20, $0x3;
	s17 =	sshll.u32 s26, $0x7;
	s12 =	smul.u32 $0xC00, s18  }
0x33f: {  	s10 =	sadd.s32 $0x800, s10;
	s20 =	rddreg [dreg:$0x16];
	s17 =	sand.u32 $0x380, s17  }
0x340: {  	s8 =	sadd.s32 s3, s8;
	s4 =	sadd.s32 $0x800, s16;
	s12 =	sor.u32 s17, s12  }
0x341: {  	s2 =	sadd.s32 s3, s2;
	s4 =	sshrl.u32 s4, $0x3;
	s12 =	sadd.s32 $0x800, s12  }
0x342: {  	s4 =	sadd.s32 s3, s4;
	s0 =	spop (v2sf);
	s12 =	sshrl.u32 s12, $0x3  }
0x343: {  	s22 =	rddreg [dreg:$0x13];
	s24 =	spop (v2sf);
	s12 =	sadd.s32 s3, s12  }
0x344: {  	[tilespmem:s20], [sflag:$0x5] =	stream.linear.gather [hbm4b:s12+s19], $0x80, $0x38;
	[tilespmem:$0x18200] =	vst v63  }
0x345: {  	s25 =	smul.u32 $0xC00, s23;
	s23 =	rddreg [dreg:$0xb];
	s26 =	sshrl.u32 s24, $0x3  }
0x346: {  	[tilespmem:s22], [sflag:$0x5] =	stream.linear.gather [hbm4b:s9+s19], $0x80, $0x38;
	[tilespmem:$0x18200] =	vst v63  }
0x347: {  	s17 =	sshll.u32 s24, $0x7;
	s11 =	smul.u32 $0xC00, s26;
	s26 =	rddreg [dreg:$0x10]  }
0x348: {  	[tilespmem:s26], [sflag:$0x5] =	stream.linear.gather [hbm4b:s4+s19], $0x80, $0x38;
	[tilespmem:$0x18200] =	vst v63  }
0x349: {  	s16 =	sshll.u32 s0, $0x7;
	s0 =	sshrl.u32 s0, $0x3;
	s21 =	sand.u32 $0x380, s17  }
0x34a: {  	[tilespmem:s14], [sflag:$0x5] =	stream.linear.gather [hbm4b:s1+s19], $0x80, $0x38;
	[tilespmem:$0x18200] =	vst v63  }
0x34b: {  	s0 =	smul.u32 $0xC00, s0;
	s24 =	sor.u32 s21, s11;
	s21 =	sshrl.u32 s10, $0x3  }
0x34c: {  	[tilespmem:s13], [sflag:$0x5] =	stream.linear.gather [hbm4b:s8+s19], $0x80, $0x38;
	[tilespmem:$0x18200] =	vst v63  }
0x34d: {  	s17 =	sor.u32 s15, s25;
	s12 =	sadd.s32 $0x800, s24;
	s22 =	sadd.s32 s3, s21  }
0x34e: {  	[tilespmem:s23], [sflag:$0x5] =	stream.linear.gather [hbm4b:s22+s19], $0x80, $0x38;
	[tilespmem:$0x18200] =	vst v63  }
0x34f: {  	s25 =	rddreg [dreg:$0x5];
	s20 =	sadd.s32 $0x800, s17;
	s18 =	sshrl.u32 s12, $0x3  }
0x350: {  	[tilespmem:s25], [sflag:$0x5] =	stream.linear.gather [hbm4b:s7+s19], $0x80, $0x38;
	[tilespmem:$0x18200] =	vst v63  }
0x351: {  	s24 =	sand.u32 $0x380, s16;
	s26 =	sadd.s32 $0x10780, s6;
	s1 =	sadd.s32 s3, s18  }
0x352: {  	[tilespmem:s26], [sflag:$0x5] =	stream.linear.gather [hbm4b:s1+s19], $0x80, $0x38;
	[tilespmem:$0x18200] =	vst v63  }
0x353: {  	s0 =	sor.u32 s24, s0;
	s4 =	sshrl.u32 s20, $0x3;
	s7 =	sadd.s32 $0x10800, s6  }
0x354: {  	[tilespmem:s7], [sflag:$0x5] =	stream.linear.gather [hbm4b:s2+s19], $0x80, $0x38;
	[tilespmem:$0x18200] =	vst v63  }
0x355: {  	s0 =	sadd.s32 $0x800, s0;
	s9 =	sadd.s32 s3, s4;
	s8 =	sadd.s32 $0x10880, s6  }
0x356: {  	[tilespmem:s8], [sflag:$0x5] =	stream.linear.gather [hbm4b:s9+s19], $0x80, $0x38;
	[tilespmem:$0x18200] =	vst v63  }
0x357: {  	s10 =	sadd.s32 $0x10900, s6;
	s11 =	sadd.s32 s3, s5;
	s0 =	sshrl.u32 s0, $0x3  }
0x358: {  	[tilespmem:s10], [sflag:$0x5] =	stream.linear.gather [hbm4b:s11+s19], $0x80, $0x38;
	[tilespmem:$0x18200] =	vst v63  }
0x359: {  	s12 =	sadd.s32 $0x10980, s6;
	s0 =	sadd.s32 s3, s0;
	s13 =	simm.s32 $0x2  }
0x35a: {  	[tilespmem:s12], [sflag:$0x5] =	stream.linear.gather [hbm4b:s0+s19], $0x80, $0x38;
	[tilespmem:$0x18200] =	vst v63  }
0x35b: {  	_ =	swait.ge [sflag:s13], $0x8000  }
0x35c: {  	s14 =	sld [smem:$0x7F6]  }
0x35d: {  	s15 =	simm.s32 $0x8200;
	s16 =	simm.s32 $0x800;
	[sflag:s13] =	ssyncset.done $0x0  }
0x35e: {  	s17 =	simm.s32 $0xC00;
	s18 =	simm.s32 $0x6;
	[sflag:s13] =	ssyncadd.s32 $0xFFFF8000  }
0x35f: {  	[hbm4b:s14+s16] =	stream.strided.scatter [tilespmem:s15], [sflag:$0x4], $0x8000, s17, s16, $0x38;
	[tilespmem:$0x18200] =	vst v63  }
0x360: {  	_ =	swait.ge [sflag:s18], $0x4000  }
0x361: {  	s19 =	sld [smem:$0x7F7]  }
0x362: {  	s21 =	simm.s32 $0x14200;
	[sflag:s18] =	ssyncset.done $0x0  }
0x363: {  	s20 =	simm.s32 $0x400;
	s22 =	simm.s32 $0x4;
	[sflag:s18] =	ssyncadd.s32 $0xFFFFC000  }
0x364: {  	[hbm4b:s19+s20] =	stream.strided.scatter [tilespmem:s21], [sflag:$0x8], $0x4000, s17, s20, $0x38;
	[tilespmem:$0x18200] =	vst v63  }
0x365: {  	_ =	swait.ge [sflag:s22], $0x8000  }
0x366: {  	[sflag:s22] =	ssyncset.done $0x0  }
0x367: {  	[sflag:s22] =	ssyncadd.s32 $0xFFFF8000  }
0x368: {  	v3 =	vld [tilespmem:$0x180];
	_ =	sdelay $0x4  }
0x369: {  	v4 =	vshrl.u32 v3, $0x3  }
0x36a: {  	v4 =	vmul.u32 $0x18, v4  }
0x36b: {  	v3 =	vand.u32 $0x7, v3  }
0x36c: {  	v3 =	vor.u32 v3, v4  }
0x36d: {  	v4 =	vperm.xlane v3, v0;
	_ =	sdelay $0x1  }
0x36e: {  	v3 =	vperm.xlane v3, v2;
	v4 =	vadd.s32 v1, v4;
	_ =	sdelay $0x1  }
0x36f: {  	v3 =	vadd.s32 v1, v3;
	_ =	sdelay $0x1  }
0x370: {  	s23 =	simm.s32 $0x0  }
0x371: {  	[tilespmem:s15], [sflag:$0x2] =	stream.indirect_vreg.gather [hbm4b:s3+s23], $0x80, v4, vm0, $0xb8;
	[tilespmem:$0x18200] =	vst v63  }
0x372: {  	s24 =	simm.s32 $0x8A00  }
0x373: {  	[tilespmem:s24], [sflag:$0x2] =	stream.indirect_vreg.gather [hbm4b:s3+s23], $0x80, v3, vm0, $0xb8;
	[tilespmem:$0x18200] =	vst v63  }
0x374: {  	v3 =	vld [tilespmem:$0x190];
	_ =	sdelay $0x4  }
0x375: {  	v4 =	vshrl.u32 v3, $0x3  }
0x376: {  	v4 =	vmul.u32 $0x18, v4  }
0x377: {  	v3 =	vand.u32 $0x7, v3  }
0x378: {  	v3 =	vor.u32 v3, v4  }
0x379: {  	v4 =	vperm.xlane v3, v0;
	_ =	sdelay $0x1  }
0x37a: {  	v3 =	vperm.xlane v3, v2;
	v4 =	vadd.s32 v1, v4;
	_ =	sdelay $0x1  }
0x37b: {  	v3 =	vadd.s32 v1, v3;
	_ =	sdelay $0x1  }
0x37c: {  	s25 =	simm.s32 $0x9200  }
0x37d: {  	[tilespmem:s25], [sflag:$0x2] =	stream.indirect_vreg.gather [hbm4b:s3+s23], $0x80, v4, vm0, $0xb8;
	[tilespmem:$0x18200] =	vst v63  }
0x37e: {  	s26 =	simm.s32 $0x9A00  }
0x37f: {  	[tilespmem:s26], [sflag:$0x2] =	stream.indirect_vreg.gather [hbm4b:s3+s23], $0x80, v3, vm0, $0xb8;
	[tilespmem:$0x18200] =	vst v63  }
0x380: {  	v3 =	vld [tilespmem:$0x1A0];
	_ =	sdelay $0x4  }
0x381: {  	v4 =	vshrl.u32 v3, $0x3  }
0x382: {  	v4 =	vmul.u32 $0x18, v4  }
0x383: {  	v3 =	vand.u32 $0x7, v3  }
0x384: {  	v3 =	vor.u32 v3, v4  }
0x385: {  	v4 =	vperm.xlane v3, v0;
	_ =	sdelay $0x1  }
0x386: {  	v3 =	vperm.xlane v3, v2;
	v4 =	vadd.s32 v1, v4;
	_ =	sdelay $0x1  }
0x387: {  	v3 =	vadd.s32 v1, v3;
	_ =	sdelay $0x1  }
0x388: {  	s2 =	simm.s32 $0xA200  }
0x389: {  	[tilespmem:s2], [sflag:$0x2] =	stream.indirect_vreg.gather [hbm4b:s3+s23], $0x80, v4, vm0, $0xb8;
	[tilespmem:$0x18200] =	vst v63  }
0x38a: {  	s4 =	simm.s32 $0xAA00  }
0x38b: {  	[tilespmem:s4], [sflag:$0x2] =	stream.indirect_vreg.gather [hbm4b:s3+s23], $0x80, v3, vm0, $0xb8;
	[tilespmem:$0x18200] =	vst v63  }
0x38c: {  	v3 =	vld [tilespmem:$0x1B0];
	_ =	sdelay $0x4  }
0x38d: {  	v4 =	vshrl.u32 v3, $0x3  }
0x38e: {  	v4 =	vmul.u32 $0x18, v4  }
0x38f: {  	v3 =	vand.u32 $0x7, v3  }
0x390: {  	v3 =	vor.u32 v3, v4  }
0x391: {  	v4 =	vperm.xlane v3, v0;
	_ =	sdelay $0x1  }
0x392: {  	v3 =	vperm.xlane v3, v2;
	v4 =	vadd.s32 v1, v4;
	_ =	sdelay $0x1  }
0x393: {  	v3 =	vadd.s32 v1, v3;
	_ =	sdelay $0x1  }
0x394: {  	s5 =	simm.s32 $0xB200  }
0x395: {  	[tilespmem:s5], [sflag:$0x2] =	stream.indirect_vreg.gather [hbm4b:s3+s23], $0x80, v4, vm0, $0xb8;
	[tilespmem:$0x18200] =	vst v63  }
0x396: {  	s6 =	simm.s32 $0xBA00  }
0x397: {  	[tilespmem:s6], [sflag:$0x2] =	stream.indirect_vreg.gather [hbm4b:s3+s23], $0x80, v3, vm0, $0xb8;
	[tilespmem:$0x18200] =	vst v63  }
0x398: {  	v3 =	vld [tilespmem:$0x1C0];
	_ =	sdelay $0x4  }
0x399: {  	v4 =	vshrl.u32 v3, $0x3  }
0x39a: {  	v4 =	vmul.u32 $0x18, v4  }
0x39b: {  	v3 =	vand.u32 $0x7, v3  }
0x39c: {  	v3 =	vor.u32 v3, v4  }
0x39d: {  	v4 =	vperm.xlane v3, v0;
	_ =	sdelay $0x1  }
0x39e: {  	v3 =	vperm.xlane v3, v2;
	v4 =	vadd.s32 v1, v4;
	_ =	sdelay $0x1  }
0x39f: {  	v3 =	vadd.s32 v1, v3;
	_ =	sdelay $0x1  }
0x3a0: {  	s7 =	simm.s32 $0xC200  }
0x3a1: {  	[tilespmem:s7], [sflag:$0x2] =	stream.indirect_vreg.gather [hbm4b:s3+s23], $0x80, v4, vm0, $0xb8;
	[tilespmem:$0x18200] =	vst v63  }
0x3a2: {  	s8 =	simm.s32 $0xCA00  }
0x3a3: {  	[tilespmem:s8], [sflag:$0x2] =	stream.indirect_vreg.gather [hbm4b:s3+s23], $0x80, v3, vm0, $0xb8;
	[tilespmem:$0x18200] =	vst v63  }
0x3a4: {  	v3 =	vld [tilespmem:$0x1D0];
	_ =	sdelay $0x4  }
0x3a5: {  	v4 =	vshrl.u32 v3, $0x3  }
0x3a6: {  	v4 =	vmul.u32 $0x18, v4  }
0x3a7: {  	v3 =	vand.u32 $0x7, v3  }
0x3a8: {  	v3 =	vor.u32 v3, v4  }
0x3a9: {  	v4 =	vperm.xlane v3, v0;
	_ =	sdelay $0x1  }
0x3aa: {  	v3 =	vperm.xlane v3, v2;
	v4 =	vadd.s32 v1, v4;
	_ =	sdelay $0x1  }
0x3ab: {  	v3 =	vadd.s32 v1, v3;
	_ =	sdelay $0x1  }
0x3ac: {  	s9 =	simm.s32 $0xD200  }
0x3ad: {  	[tilespmem:s9], [sflag:$0x2] =	stream.indirect_vreg.gather [hbm4b:s3+s23], $0x80, v4, vm0, $0xb8;
	[tilespmem:$0x18200] =	vst v63  }
0x3ae: {  	s10 =	simm.s32 $0xDA00  }
0x3af: {  	[tilespmem:s10], [sflag:$0x2] =	stream.indirect_vreg.gather [hbm4b:s3+s23], $0x80, v3, vm0, $0xb8;
	[tilespmem:$0x18200] =	vst v63  }
0x3b0: {  	v3 =	vld [tilespmem:$0x1E0];
	_ =	sdelay $0x4  }
0x3b1: {  	v4 =	vshrl.u32 v3, $0x3  }
0x3b2: {  	v4 =	vmul.u32 $0x18, v4  }
0x3b3: {  	v3 =	vand.u32 $0x7, v3  }
0x3b4: {  	v3 =	vor.u32 v3, v4  }
0x3b5: {  	v4 =	vperm.xlane v3, v0;
	_ =	sdelay $0x1  }
0x3b6: {  	v3 =	vperm.xlane v3, v2;
	v4 =	vadd.s32 v1, v4;
	_ =	sdelay $0x1  }
0x3b7: {  	v3 =	vadd.s32 v1, v3;
	_ =	sdelay $0x1  }
0x3b8: {  	s11 =	simm.s32 $0xE200  }
0x3b9: {  	[tilespmem:s11], [sflag:$0x2] =	stream.indirect_vreg.gather [hbm4b:s3+s23], $0x80, v4, vm0, $0xb8;
	[tilespmem:$0x18200] =	vst v63  }
0x3ba: {  	s12 =	simm.s32 $0xEA00  }
0x3bb: {  	[tilespmem:s12], [sflag:$0x2] =	stream.indirect_vreg.gather [hbm4b:s3+s23], $0x80, v3, vm0, $0xb8;
	[tilespmem:$0x18200] =	vst v63  }
0x3bc: {  	v3 =	vld [tilespmem:$0x1F0];
	_ =	sdelay $0x4  }
0x3bd: {  	v4 =	vshrl.u32 v3, $0x3  }
0x3be: {  	v4 =	vmul.u32 $0x18, v4  }
0x3bf: {  	v3 =	vand.u32 $0x7, v3  }
0x3c0: {  	v3 =	vor.u32 v3, v4  }
0x3c1: {  	v4 =	vperm.xlane v3, v0;
	_ =	sdelay $0x1  }
0x3c2: {  	v3 =	vperm.xlane v3, v2;
	v4 =	vadd.s32 v1, v4;
	_ =	sdelay $0x1  }
0x3c3: {  	v3 =	vadd.s32 v1, v3;
	_ =	sdelay $0x1  }
0x3c4: {  	s13 =	simm.s32 $0xF200  }
0x3c5: {  	[tilespmem:s13], [sflag:$0x2] =	stream.indirect_vreg.gather [hbm4b:s3+s23], $0x80, v4, vm0, $0xb8;
	[tilespmem:$0x18200] =	vst v63  }
0x3c6: {  	s14 =	simm.s32 $0xFA00;
	s15 =	simm.s32 $0x8  }
0x3c7: {  	[tilespmem:s14], [sflag:$0x2] =	stream.indirect_vreg.gather [hbm4b:s3+s23], $0x80, v3, vm0, $0xb8;
	[tilespmem:$0x18200] =	vst v63  }
0x3c8: {  	_ =	swait.ge [sflag:s15], $0x4000  }
0x3c9: {  	[sflag:s15] =	ssyncset.done $0x0  }
0x3ca: {  	s16 =	simm.s32 $0x180;
	[sflag:s15] =	ssyncadd.s32 $0xFFFFC000  }
0x3cb: {  	v3 =	vld [tilespmem:s16+$0x0];
	_ =	sdelay $0x4  }
0x3cc: {  	(v2sf) =	vpush v3, $0x7  }
0x3cd: {  	(v2sf) =	vpush v3, $0xD  }
0x3ce: {  	(v2sf) =	vpush v3, $0x9  }
0x3cf: {  	(v2sf) =	vpush v3, $0x5  }
0x3d0: {  	(v2sf) =	vpush v3, $0x6  }
0x3d1: {  	(v2sf) =	vpush v3, $0x1  }
0x3d2: {  	(v2sf) =	vpush v3, $0xC  }
0x3d3: {  	(v2sf) =	vpush v3, $0x0  }
0x3d4: {  	(v2sf) =	vpush v3, $0xA  }
0x3d5: {  	(v2sf) =	vpush v3, $0xE  }
0x3d6: {  	(v2sf) =	vpush v3, $0x3  }
0x3d7: {  	(v2sf) =	vpush v3, $0x2  }
0x3d8: {  	(v2sf) =	vpush v3, $0x8  }
0x3d9: {  	s31 =	simm.s32 $0x14580;
	s30 =	simm.s32 $0x14700  }
0x3da: {  	s19 =	simm.s32 $0x14280;
	s21 =	simm.s32 $0x14380;
	s26 =	simm.s32 $0x2000  }
0x3db: {  	s6 =	simm.s32 $0x0;
	[dreg:$0x1f] =	wrdreg s19;
	s0 =	spop (v2sf)  }
0x3dc: {  	[dreg:$0xc] =	wrdreg s21;
	s1 =	spop (v2sf);
	s22 =	sshrl.u32 s0, $0x3  }
0x3dd: {  	s0 =	sshll.u32 s0, $0x7;
	s17 =	spop (v2sf);
	s5 =	smul.u32 $0xC00, s22  }
0x3de: {  	s10 =	sshll.u32 s1, $0x7;
	s0 =	sand.u32 $0x380, s0;
	s20 =	spop (v2sf)  }
0x3df: {  	s18 =	sshrl.u32 s17, $0x3;
	s19 =	sshll.u32 s17, $0x7;
	s23 =	spop (v2sf)  }
0x3e0: {  	s2 =	sshrl.u32 s20, $0x3;
	s4 =	sshll.u32 s20, $0x7;
	s25 =	spop (v2sf)  }
0x3e1: {  	s9 =	smul.u32 $0xC00, s18;
	s20 =	sshrl.u32 s23, $0x3;
	s11 =	spop (v2sf)  }
0x3e2: {  	s7 =	sshll.u32 s23, $0x7;
	s14 =	sand.u32 $0x380, s4;
	s12 =	spop (v2sf)  }
0x3e3: {  	[dreg:$0x17] =	wrdreg s9;
	s24 =	sshrl.u32 s25, $0x3;
	s16 =	spop (v2sf)  }
0x3e4: {  	s20 =	smul.u32 $0xC00, s20;
	s8 =	sshll.u32 s25, $0x7;
	s9 =	spop (v2sf)  }
0x3e5: {  	s22 =	sand.u32 $0x380, s7;
	s25 =	sand.u32 $0x380, s8;
	s4 =	spop (v2sf)  }
0x3e6: {  	s17 =	sshll.u32 s12, $0x7;
	s12 =	sshrl.u32 s12, $0x3;
	s15 =	spop (v2sf)  }
0x3e7: {  	s13 =	sshll.u32 s16, $0x7;
	s12 =	smul.u32 $0xC00, s12;
	s21 =	spop (v2sf)  }
0x3e8: {  	s8 =	sshll.u32 s15, $0x7;
	s29 =	sshrl.u32 s15, $0x3;
	s23 =	sshrl.u32 s21, $0x3  }
0x3e9: {  	s7 =	sshll.u32 s21, $0x7;
	s21 =	sor.u32 s0, s5;
	s8 =	sand.u32 $0x380, s8  }
0x3ea: {  	s5 =	sshrl.u32 s11, $0x3;
	s0 =	sand.u32 $0x380, s13;
	s18 =	smul.u32 $0xC00, s23  }
0x3eb: {  	s13 =	sshrl.u32 s1, $0x3;
	s23 =	sand.u32 $0x380, s7;
	s7 =	smul.u32 $0xC00, s2  }
0x3ec: {  	s1 =	simm.s32 $0x14600;
	s2 =	sor.u32 s23, s18;
	s18 =	sshll.u32 s9, $0x7  }
0x3ed: {  	s23 =	sshrl.u32 s9, $0x3;
	s9 =	sor.u32 s14, s7;
	s7 =	sadd.s32 $0x800, s21  }
0x3ee: {  	s15 =	smul.u32 $0xC00, s23;
	s14 =	sand.u32 $0x380, s18;
	s23 =	sshll.u32 s11, $0x7  }
0x3ef: {  	s11 =	sand.u32 $0x380, s17;
	s17 =	sshrl.u32 s16, $0x3;
	s21 =	sshrl.u32 s7, $0x3  }
0x3f0: {  	s7 =	simm.s32 $0x14400;
	s16 =	simm.s32 $0x14680;
	s18 =	sand.u32 $0x380, s23  }
0x3f1: {  	s23 =	sand.u32 $0x380, s10;
	s28 =	smul.u32 $0xC00, s17;
	[smem:$0x7EB] =	sst s7  }
0x3f2: {  	s7 =	simm.s32 $0x190;
	s10 =	simm.s32 $0x14480;
	[dreg:$0xd] =	wrdreg s16  }
0x3f3: {  	s17 =	simm.s32 $0x14500;
	s16 =	simm.s32 $0x14200;
	[smem:$0x7EC] =	sst s10  }
0x3f4: {  	(v2sf) =	vpush v3, $0x4;
	[dreg:$0x18] =	wrdreg s17;
	s17 =	simm.s32 $0x14300;
	s10 =	sshrl.u32 s4, $0x3  }
.LBB2_8:
0x3f5: {  	s2 =	sadd.s32 $0x800, s2;
	(v2sf) =	vpush v3, $0xF;
	s10 =	smul.u32 $0xC00, s10  }
0x3f6: {  	s9 =	sadd.s32 $0x800, s9;
	s4 =	sshll.u32 s4, $0x7;
	s13 =	smul.u32 $0xC00, s13  }
0x3f7: {  	s14 =	sor.u32 s14, s15;
	s11 =	sor.u32 s11, s12;
	s12 =	smul.u32 $0xC00, s29  }
0x3f8: {  	s29 =	smov.u32 s26;
	s2 =	sshrl.u32 s2, $0x3;
	s0 =	sor.u32 s0, s28  }
0x3f9: {  	s4 =	sand.u32 $0x380, s4;
	[smem:$0x7E8] =	sst s29;
	s19 =	sand.u32 $0x380, s19  }
0x3fa: {  	s29 =	smul.u32 $0xC00, s5;
	s11 =	sadd.s32 $0x800, s11;
	s5 =	sshrl.u32 s9, $0x3  }
0x3fb: {  	(v2sf) =	vpush v3, $0xB;
	s9 =	sor.u32 s22, s20;
	s20 =	smul.u32 $0xC00, s24;
	s0 =	sadd.s32 $0x800, s0  }
0x3fc: {  	s24 =	simm.s32 $0x0;
	s4 =	sor.u32 s4, s10;
	s13 =	sor.u32 s23, s13  }
0x3fd: {  	s2 =	sadd.s32 s3, s2;
	s12 =	sor.u32 s8, s12;
	s8 =	sadd.s32 $0x800, s9  }
0x3fe: {  	s11 =	sshrl.u32 s11, $0x3;
	s0 =	sshrl.u32 s0, $0x3;
	s4 =	sadd.s32 $0x800, s4  }
0x3ff: {  	s5 =	sadd.s32 s3, s5;
	s9 =	sor.u32 s25, s20;
	s11 =	sadd.s32 s3, s11  }
0x400: {  	[tilespmem:s16], [sflag:$0x6] =	stream.linear.gather [hbm4b:s11+s24], $0x80, $0x38;
	[tilespmem:$0x18200] =	vst v63  }
0x401: {  	s8 =	sshrl.u32 s8, $0x3;
	s12 =	sadd.s32 $0x800, s12;
	s9 =	sadd.s32 $0x800, s9  }
0x402: {  	s4 =	sshrl.u32 s4, $0x3;
	s18 =	sor.u32 s18, s29;
	s9 =	sshrl.u32 s9, $0x3  }
0x403: {  	s0 =	sadd.s32 s3, s0;
	s9 =	sadd.s32 s3, s9;
	s22 =	spop (v2sf)  }
0x404: {  	s25 =	sshll.u32 s22, $0x7;
	s20 =	sshrl.u32 s22, $0x3;
	s15 =	spop (v2sf)  }
0x405: {  	s10 =	smul.u32 $0xC00, s20;
	s22 =	sand.u32 $0x380, s25;
	s25 =	rddreg [dreg:$0x1f]  }
0x406: {  	[tilespmem:s25], [sflag:$0x6] =	stream.linear.gather [hbm4b:s9+s24], $0x80, $0x38;
	[tilespmem:$0x18200] =	vst v63  }
0x407: {  	s20 =	sadd.s32 $0x800, s14;
	s25 =	sshrl.u32 s12, $0x3;
	s16 =	sor.u32 s22, s10  }
0x408: {  	s22 =	sadd.s32 s3, s4;
	s4 =	sshrl.u32 s20, $0x3;
	s20 =	rddreg [dreg:$0xc]  }
0x409: {  	s11 =	sadd.s32 s3, s25;
	s10 =	sadd.s32 $0x800, s18;
	s25 =	sld [smem:$0x7EB]  }
0x40a: {  	s18 =	spop (v2sf);
	s9 =	sadd.s32 $0x800, s16;
	s16 =	rddreg [dreg:$0x17]  }
0x40b: {  	[tilespmem:s17], [sflag:$0x6] =	stream.linear.gather [hbm4b:s11+s24], $0x80, $0x38;
	[tilespmem:$0x18200] =	vst v63  }
0x40c: {  	s12 =	sor.u32 s19, s16;
	s9 =	sshrl.u32 s9, $0x3;
	s19 =	sshrl.u32 s18, $0x3  }
0x40d: {  	[tilespmem:s20], [sflag:$0x6] =	stream.linear.gather [hbm4b:s22+s24], $0x80, $0x38;
	[tilespmem:$0x18200] =	vst v63  }
0x40e: {  	s16 =	sshll.u32 s18, $0x7;
	s18 =	sld [smem:$0x7EC];
	s9 =	sadd.s32 s3, s9  }
0x40f: {  	[tilespmem:s25], [sflag:$0x6] =	stream.linear.gather [hbm4b:s9+s24], $0x80, $0x38;
	[tilespmem:$0x18200] =	vst v63  }
0x410: {  	s8 =	sadd.s32 s3, s8;
	s11 =	sshll.u32 s15, $0x7;
	s14 =	sshrl.u32 s10, $0x3  }
0x411: {  	[tilespmem:s18], [sflag:$0x6] =	stream.linear.gather [hbm4b:s5+s24], $0x80, $0x38;
	[tilespmem:$0x18200] =	vst v63  }
0x412: {  	s12 =	sadd.s32 $0x800, s12;
	s22 =	smul.u32 $0xC00, s19;
	s20 =	rddreg [dreg:$0x18]  }
0x413: {  	[tilespmem:s20], [sflag:$0x6] =	stream.linear.gather [hbm4b:s8+s24], $0x80, $0x38;
	[tilespmem:$0x18200] =	vst v63  }
0x414: {  	s16 =	sand.u32 $0x380, s16;
	s19 =	sadd.s32 s3, s21;
	s23 =	sshrl.u32 s12, $0x3  }
0x415: {  	[tilespmem:s31], [sflag:$0x6] =	stream.linear.gather [hbm4b:s19+s24], $0x80, $0x38;
	[tilespmem:$0x18200] =	vst v63  }
0x416: {  	s12 =	sand.u32 $0x380, s11;
	s17 =	sor.u32 s16, s22;
	s22 =	sadd.s32 $0x800, s13  }
0x417: {  	[tilespmem:s1], [sflag:$0x6] =	stream.linear.gather [hbm4b:s2+s24], $0x80, $0x38;
	[tilespmem:$0x18200] =	vst v63  }
0x418: {  	s13 =	rddreg [dreg:$0xd];
	s9 =	sadd.s32 $0x800, s17;
	s2 =	sadd.s32 s3, s23  }
0x419: {  	[tilespmem:s13], [sflag:$0x6] =	stream.linear.gather [hbm4b:s2+s24], $0x80, $0x38;
	[tilespmem:$0x18200] =	vst v63  }
0x41a: {  	s25 =	sshrl.u32 s15, $0x3;
	s15 =	sadd.s32 $0x14780, s6;
	s21 =	sshrl.u32 s9, $0x3  }
0x41b: {  	[tilespmem:s30], [sflag:$0x6] =	stream.linear.gather [hbm4b:s0+s24], $0x80, $0x38;
	[tilespmem:$0x18200] =	vst v63  }
0x41c: {  	s17 =	sadd.s32 $0x14800, s6;
	s5 =	smul.u32 $0xC00, s25;
	s16 =	sadd.s32 s3, s21  }
0x41d: {  	[tilespmem:s15], [sflag:$0x6] =	stream.linear.gather [hbm4b:s16+s24], $0x80, $0x38;
	[tilespmem:$0x18200] =	vst v63  }
0x41e: {  	s9 =	sshrl.u32 s22, $0x3;
	s1 =	sadd.s32 s3, s14;
	s2 =	sor.u32 s12, s5  }
0x41f: {  	[tilespmem:s17], [sflag:$0x6] =	stream.linear.gather [hbm4b:s1+s24], $0x80, $0x38;
	[tilespmem:$0x18200] =	vst v63  }
0x420: {  	s18 =	sadd.s32 $0x14880, s6;
	s19 =	sadd.s32 s3, s9;
	s2 =	sadd.s32 $0x800, s2  }
0x421: {  	[tilespmem:s18], [sflag:$0x6] =	stream.linear.gather [hbm4b:s19+s24], $0x80, $0x38;
	[tilespmem:$0x18200] =	vst v63  }
0x422: {  	s21 =	sadd.s32 s3, s4;
	s20 =	sadd.s32 $0x14900, s6;
	s2 =	sshrl.u32 s2, $0x3  }
0x423: {  	[tilespmem:s20], [sflag:$0x6] =	stream.linear.gather [hbm4b:s21+s24], $0x80, $0x38;
	[tilespmem:$0x18200] =	vst v63  }
0x424: {  	s22 =	sadd.s32 $0x14980, s6;
	s23 =	sadd.s32 s3, s2  }
0x425: {  	[tilespmem:s22], [sflag:$0x6] =	stream.linear.gather [hbm4b:s23+s24], $0x80, $0x38;
	[tilespmem:$0x18200] =	vst v63  }
0x426: {  	v3 =	vld [tilespmem:s7+$0x0];
	_ =	sdelay $0x4  }
0x427: {  	(v2sf) =	vpush v3, $0x7  }
0x428: {  	(v2sf) =	vpush v3, $0xD  }
0x429: {  	(v2sf) =	vpush v3, $0x9;
	_ =	sdelay $0x1  }
0x42a: {  	s25 =	sld [smem:$0x7E8];
	(v2sf) =	vpush v3, $0x5  }
0x42b: {  	(v2sf) =	vpush v3, $0x6  }
0x42c: {  	(v2sf) =	vpush v3, $0x1  }
0x42d: {  	s6 =	sshra.s32 s25, $0x2  }
0x42e: {  	s4 =	sadd.s32 $0x14700, s6;
	(v2sf) =	vpush v3, $0xC  }
0x42f: {  	s8 =	sadd.s32 $0x14680, s6;
	[smem:$0x7E9] =	sst s4  }
0x430: {  	s9 =	sadd.s32 $0x14500, s6;
	[dreg:$0xd] =	wrdreg s8;
	(v2sf) =	vpush v3, $0x0  }
0x431: {  	[dreg:$0x18] =	wrdreg s9;
	s5 =	sadd.s32 $0x14480, s6;
	(v2sf) =	vpush v3, $0xA  }
0x432: {  	p0 =	sne.s32 s26, $0xE000;
	[smem:$0x7EC] =	sst s5;
	s0 =	sadd.s32 $0x14280, s6;
	(v2sf) =	vpush v3, $0xE  }
0x433: {  	s26 =	sadd.s32 $0x2000, s26;
	[dreg:$0x1f] =	wrdreg s0;
	s2 =	sadd.s32 $0x14400, s6;
	(v2sf) =	vpush v3, $0x3  }
0x434: {  	[smem:$0x7EB] =	sst s2;
	s16 =	sadd.s32 $0x14200, s6;
	s1 =	sadd.s32 $0x14380, s6;
	(v2sf) =	vpush v3, $0x2  }
0x435: {  	s17 =	sadd.s32 $0x14300, s6;
	[dreg:$0xc] =	wrdreg s1;
	(v2sf) =	vpush v3, $0x8;
	s0 =	spop (v2sf)  }
0x436: {  	s7 =	sadd.s32 $0x10, s7;
	s10 =	sshrl.u32 s0, $0x3;
	s1 =	spop (v2sf)  }
0x437: {  	s0 =	sshll.u32 s0, $0x7;
	s2 =	smul.u32 $0xC00, s10;
	s11 =	spop (v2sf)  }
0x438: {  	s21 =	sshll.u32 s1, $0x7;
	s31 =	sand.u32 $0x380, s0;
	s4 =	sshll.u32 s11, $0x7  }
0x439: {  	s12 =	sshrl.u32 s11, $0x3;
	s13 =	spop (v2sf);
	[smem:$0x7EA] =	sst s4  }
0x43a: {  	s9 =	sshrl.u32 s13, $0x3;
	s14 =	spop (v2sf);
	s4 =	sshll.u32 s13, $0x7  }
0x43b: {  	s5 =	smul.u32 $0xC00, s12;
	s15 =	sshrl.u32 s14, $0x3;
	s19 =	spop (v2sf)  }
0x43c: {  	s22 =	sshll.u32 s14, $0x7;
	s23 =	sand.u32 $0x380, s4;
	s9 =	smul.u32 $0xC00, s9  }
0x43d: {  	[dreg:$0x17] =	wrdreg s5;
	s12 =	spop (v2sf);
	s24 =	sshrl.u32 s19, $0x3  }
0x43e: {  	s20 =	smul.u32 $0xC00, s15;
	s25 =	sshll.u32 s19, $0x7;
	s22 =	sand.u32 $0x380, s22  }
0x43f: {  	s13 =	spop (v2sf);
	s25 =	sand.u32 $0x380, s25;
	s9 =	sor.u32 s23, s9  }
0x440: {  	s23 =	sand.u32 $0x380, s21;
	s18 =	sshll.u32 s13, $0x7;
	s28 =	spop (v2sf)  }
0x441: {  	s13 =	sshrl.u32 s13, $0x3;
	s10 =	sshll.u32 s28, $0x7;
	s14 =	spop (v2sf)  }
0x442: {  	s28 =	sshrl.u32 s28, $0x3;
	s4 =	spop (v2sf);
	s19 =	sshll.u32 s14, $0x7  }
0x443: {  	s14 =	sshrl.u32 s14, $0x3;
	s28 =	smul.u32 $0xC00, s28;
	s5 =	spop (v2sf)  }
0x444: {  	s11 =	sshll.u32 s5, $0x7;
	s15 =	spop (v2sf);
	s29 =	sshrl.u32 s5, $0x3  }
0x445: {  	s5 =	sshrl.u32 s12, $0x3;
	s12 =	sshll.u32 s12, $0x7;
	s8 =	sand.u32 $0x380, s11  }
0x446: {  	s30 =	sshrl.u32 s15, $0x3;
	s0 =	sshll.u32 s15, $0x7;
	s15 =	smul.u32 $0xC00, s14  }
0x447: {  	s11 =	sand.u32 $0x380, s18;
	s18 =	sand.u32 $0x380, s12;
	s12 =	smul.u32 $0xC00, s13  }
.Ltmp3:
0x448: {  	s14 =	sand.u32 $0x380, s19;
	s13 =	sshrl.u32 s1, $0x3;
	(pc) =	sbr.rel @p0 .LBB2_8-.Ltmp3, $4  }
0x449: {  	s1 =	sadd.s32 $0x14600, s6;
	s19 =	sand.u32 $0x380, s0;
	s30 =	smul.u32 $0xC00, s30  }
0x44a: {  	s0 =	sand.u32 $0x380, s10;
	s10 =	sor.u32 s31, s2;
	s31 =	sadd.s32 $0x14580, s6  }
0x44b: {  	s2 =	sor.u32 s19, s30;
	s30 =	sld [smem:$0x7E9];
	s19 =	sadd.s32 $0x800, s10  }
0x44c: {  	(v2sf) =	vpush v3, $0x4;
	s10 =	sshrl.u32 s4, $0x3;
	s21 =	sshrl.u32 s19, $0x3;
	s19 =	sld [smem:$0x7EA]  }
0x44d: {  	s7 =	sor.u32 s11, s12  }
0x44e: {  	s24 =	smul.u32 $0xC00, s24;
	s7 =	sadd.s32 $0x800, s7  }
0x44f: {  	s7 =	sshrl.u32 s7, $0x3  }
0x450: {  	s12 =	simm.s32 $0x0;
	s25 =	sor.u32 s25, s24;
	s7 =	sadd.s32 s3, s7  }
0x451: {  	[tilespmem:s16], [sflag:$0x6] =	stream.linear.gather [hbm4b:s7+s12], $0x80, $0x38;
	[tilespmem:$0x18200] =	vst v63  }
0x452: {  	s26 =	smul.u32 $0xC00, s29;
	s4 =	sshll.u32 s4, $0x7;
	s7 =	sadd.s32 $0x800, s25  }
0x453: {  	s29 =	rddreg [dreg:$0x1f];
	s4 =	sand.u32 $0x380, s4;
	s7 =	sshrl.u32 s7, $0x3  }
0x454: {  	s24 =	smul.u32 $0xC00, s10;
	s16 =	sor.u32 s8, s26;
	s7 =	sadd.s32 s3, s7  }
0x455: {  	[tilespmem:s29], [sflag:$0x6] =	stream.linear.gather [hbm4b:s7+s12], $0x80, $0x38;
	[tilespmem:$0x18200] =	vst v63  }
0x456: {  	s4 =	sor.u32 s4, s24;
	s7 =	sadd.s32 $0x800, s16  }
0x457: {  	s4 =	sadd.s32 $0x800, s4;
	s7 =	sshrl.u32 s7, $0x3  }
0x458: {  	s4 =	sshrl.u32 s4, $0x3;
	s7 =	sadd.s32 s3, s7  }
0x459: {  	[tilespmem:s17], [sflag:$0x6] =	stream.linear.gather [hbm4b:s7+s12], $0x80, $0x38;
	[tilespmem:$0x18200] =	vst v63  }
0x45a: {  	s25 =	rddreg [dreg:$0xc];
	s4 =	sadd.s32 s3, s4  }
0x45b: {  	[tilespmem:s25], [sflag:$0x6] =	stream.linear.gather [hbm4b:s4+s12], $0x80, $0x38;
	[tilespmem:$0x18200] =	vst v63  }
0x45c: {  	s26 =	spop (v2sf)  }
0x45d: {  	s29 =	sshrl.u32 s26, $0x3  }
0x45e: {  	s4 =	sshll.u32 s26, $0x7;
	s7 =	smul.u32 $0xC00, s29  }
0x45f: {  	s4 =	sand.u32 $0x380, s4  }
0x460: {  	s4 =	sor.u32 s4, s7  }
0x461: {  	s8 =	sld [smem:$0x7EB];
	s4 =	sadd.s32 $0x800, s4  }
0x462: {  	s4 =	sshrl.u32 s4, $0x3  }
0x463: {  	s9 =	sadd.s32 $0x800, s9;
	s10 =	sld [smem:$0x7EC];
	(v2sf) =	vpush v3, $0xF;
	s4 =	sadd.s32 s3, s4  }
0x464: {  	(v2sf) =	vpush v3, $0xB;
	[tilespmem:s8], [sflag:$0x6] =	stream.linear.gather [hbm4b:s4+s12], $0x80, $0x38;
	[tilespmem:$0x18200] =	vst v63  }
0x465: {  	s4 =	sshrl.u32 s9, $0x3  }
0x466: {  	s11 =	sor.u32 s22, s20;
	s4 =	sadd.s32 s3, s4  }
0x467: {  	[tilespmem:s10], [sflag:$0x6] =	stream.linear.gather [hbm4b:s4+s12], $0x80, $0x38;
	[tilespmem:$0x18200] =	vst v63  }
0x468: {  	s4 =	sadd.s32 $0x800, s11  }
0x469: {  	s4 =	sshrl.u32 s4, $0x3  }
0x46a: {  	s2 =	sadd.s32 $0x800, s2;
	s16 =	rddreg [dreg:$0x18];
	s4 =	sadd.s32 s3, s4  }
0x46b: {  	[tilespmem:s16], [sflag:$0x6] =	stream.linear.gather [hbm4b:s4+s12], $0x80, $0x38;
	[tilespmem:$0x18200] =	vst v63  }
0x46c: {  	s2 =	sshrl.u32 s2, $0x3;
	s17 =	sadd.s32 s3, s21  }
0x46d: {  	[tilespmem:s31], [sflag:$0x6] =	stream.linear.gather [hbm4b:s17+s12], $0x80, $0x38;
	[tilespmem:$0x18200] =	vst v63  }
0x46e: {  	s20 =	rddreg [dreg:$0x17];
	s2 =	sadd.s32 s3, s2;
	s19 =	sand.u32 $0x380, s19  }
0x46f: {  	[tilespmem:s1], [sflag:$0x6] =	stream.linear.gather [hbm4b:s2+s12], $0x80, $0x38;
	[tilespmem:$0x18200] =	vst v63  }
0x470: {  	s0 =	sor.u32 s0, s28;
	s1 =	sor.u32 s19, s20  }
0x471: {  	s0 =	sadd.s32 $0x800, s0;
	s1 =	sadd.s32 $0x800, s1  }
0x472: {  	s0 =	sshrl.u32 s0, $0x3;
	s22 =	spop (v2sf);
	s1 =	sshrl.u32 s1, $0x3  }
0x473: {  	s21 =	rddreg [dreg:$0xd];
	s24 =	spop (v2sf);
	s1 =	sadd.s32 s3, s1  }
0x474: {  	[tilespmem:s21], [sflag:$0x6] =	stream.linear.gather [hbm4b:s1+s12], $0x80, $0x38;
	[tilespmem:$0x18200] =	vst v63  }
0x475: {  	s0 =	sadd.s32 s3, s0;
	s25 =	sshrl.u32 s24, $0x3  }
0x476: {  	[tilespmem:s30], [sflag:$0x6] =	stream.linear.gather [hbm4b:s0+s12], $0x80, $0x38;
	[tilespmem:$0x18200] =	vst v63  }
0x477: {  	s2 =	smul.u32 $0xC00, s25;
	s0 =	sshll.u32 s24, $0x7  }
0x478: {  	s0 =	sand.u32 $0x380, s0  }
0x479: {  	s0 =	sor.u32 s0, s2  }
0x47a: {  	s26 =	smul.u32 $0xC00, s5;
	s0 =	sadd.s32 $0x800, s0  }
0x47b: {  	s0 =	sshrl.u32 s0, $0x3  }
0x47c: {  	s28 =	sadd.s32 $0x14780, s6;
	s29 =	sor.u32 s18, s26;
	s0 =	sadd.s32 s3, s0  }
0x47d: {  	[tilespmem:s28], [sflag:$0x6] =	stream.linear.gather [hbm4b:s0+s12], $0x80, $0x38;
	[tilespmem:$0x18200] =	vst v63  }
0x47e: {  	s30 =	smul.u32 $0xC00, s13;
	s0 =	sadd.s32 $0x800, s29  }
0x47f: {  	s0 =	sshrl.u32 s0, $0x3  }
0x480: {  	s31 =	sadd.s32 $0x14800, s6;
	s4 =	sor.u32 s23, s30;
	s0 =	sadd.s32 s3, s0  }
0x481: {  	[tilespmem:s31], [sflag:$0x6] =	stream.linear.gather [hbm4b:s0+s12], $0x80, $0x38;
	[tilespmem:$0x18200] =	vst v63  }
0x482: {  	s0 =	sadd.s32 $0x800, s4  }
0x483: {  	s0 =	sshrl.u32 s0, $0x3  }
0x484: {  	s5 =	sadd.s32 $0x14880, s6;
	s7 =	sor.u32 s14, s15;
	s0 =	sadd.s32 s3, s0  }
0x485: {  	[tilespmem:s5], [sflag:$0x6] =	stream.linear.gather [hbm4b:s0+s12], $0x80, $0x38;
	[tilespmem:$0x18200] =	vst v63  }
0x486: {  	s0 =	sadd.s32 $0x800, s7  }
0x487: {  	s0 =	sshrl.u32 s0, $0x3  }
0x488: {  	s8 =	sadd.s32 $0x14900, s6;
	s9 =	sshrl.u32 s22, $0x3;
	s0 =	sadd.s32 s3, s0  }
0x489: {  	[tilespmem:s8], [sflag:$0x6] =	stream.linear.gather [hbm4b:s0+s12], $0x80, $0x38;
	[tilespmem:$0x18200] =	vst v63  }
0x48a: {  	s1 =	sshll.u32 s22, $0x7;
	s0 =	smul.u32 $0xC00, s9  }
0x48b: {  	s1 =	sand.u32 $0x380, s1  }
0x48c: {  	s0 =	sor.u32 s1, s0  }
0x48d: {  	s0 =	sadd.s32 $0x800, s0  }
0x48e: {  	s0 =	sshrl.u32 s0, $0x3  }
0x48f: {  	s10 =	sadd.s32 $0x14980, s6;
	s11 =	simm.s32 $0x1;
	s0 =	sadd.s32 s3, s0  }
0x490: {  	[tilespmem:s10], [sflag:$0x6] =	stream.linear.gather [hbm4b:s0+s12], $0x80, $0x38;
	[tilespmem:$0x18200] =	vst v63  }
0x491: {  	_ =	swait.ge [sflag:s11], $0x8000  }
0x492: {  	s12 =	sld [smem:$0x7F8]  }
0x493: {  	s14 =	simm.s32 $0xC00;
	s15 =	simm.s32 $0x5;
	[sflag:s11] =	ssyncset.done $0x0  }
0x494: {  	s13 =	simm.s32 $0x800;
	s2 =	simm.s32 $0x200;
	[sflag:s11] =	ssyncadd.s32 $0xFFFF8000  }
0x495: {  	[hbm4b:s12+s13] =	stream.strided.scatter [tilespmem:s2], [sflag:$0x3], $0x8000, s14, s13, $0x38;
	[tilespmem:$0x18200] =	vst v63  }
0x496: {  	_ =	swait.ge [sflag:s15], $0x4000  }
0x497: {  	s16 =	sld [smem:$0x7F9]  }
0x498: {  	s18 =	simm.s32 $0x10200;
	[sflag:s15] =	ssyncset.done $0x0  }
0x499: {  	s17 =	simm.s32 $0x400;
	s19 =	simm.s32 $0x2;
	[sflag:s15] =	ssyncadd.s32 $0xFFFFC000  }
0x49a: {  	[hbm4b:s16+s17] =	stream.strided.scatter [tilespmem:s18], [sflag:$0x7], $0x4000, s14, s17, $0x38;
	[tilespmem:$0x18200] =	vst v63  }
0x49b: {  	_ =	swait.ge [sflag:s19], $0x8000  }
0x49c: {  	s20 =	sld [smem:$0x7FB]  }
0x49d: {  	[sflag:s19] =	ssyncset.done $0x0  }
0x49e: {  	s21 =	simm.s32 $0x8200;
	s22 =	simm.s32 $0x6;
	[sflag:s19] =	ssyncadd.s32 $0xFFFF8000  }
0x49f: {  	[hbm4b:s20+s13] =	stream.strided.scatter [tilespmem:s21], [sflag:$0x4], $0x8000, s14, s13, $0x38;
	[tilespmem:$0x18200] =	vst v63  }
0x4a0: {  	_ =	swait.ge [sflag:s22], $0x4000  }
0x4a1: {  	s23 =	sld [smem:$0x7FC]  }
0x4a2: {  	[sflag:s22] =	ssyncset.done $0x0  }
0x4a3: {  	s25 =	simm.s32 $0x3;
	s24 =	simm.s32 $0x14200;
	[sflag:s22] =	ssyncadd.s32 $0xFFFFC000  }
0x4a4: {  	[hbm4b:s23+s17] =	stream.strided.scatter [tilespmem:s24], [sflag:$0x8], $0x4000, s14, s17, $0x38;
	[tilespmem:$0x18200] =	vst v63  }
0x4a5: {  	_ =	swait.ge [sflag:s25], $0x8000  }
0x4a6: {  	[sflag:s25] =	ssyncset.done $0x0  }
0x4a7: {  	s26 =	simm.s32 $0x7;
	[sflag:s25] =	ssyncadd.s32 $0xFFFF8000  }
0x4a8: {  	_ =	swait.ge [sflag:s26], $0x4000  }
0x4a9: {  	[sflag:s26] =	ssyncset.done $0x0  }
0x4aa: {  	s28 =	simm.s32 $0x4;
	[sflag:s26] =	ssyncadd.s32 $0xFFFFC000  }
0x4ab: {  	_ =	swait.ge [sflag:s28], $0x8000  }
0x4ac: {  	[sflag:s28] =	ssyncset.done $0x0  }
0x4ad: {  	s29 =	simm.s32 $0x8;
	[sflag:s28] =	ssyncadd.s32 $0xFFFF8000  }
0x4ae: {  	_ =	swait.ge [sflag:s29], $0x4000  }
0x4af: {  	s30 =	sld [smem:$0x7F2]  }
0x4b0: {  	s31 =	sld [smem:$0x7FD];
	_ =	sdelay $0x1  }
0x4b1: {  	s4 =	sadd.s32 $0x1, s30  }
0x4b2: {  	p0 =	sne.s32 s4, s31  }
.Ltmp4:
0x4b3: {  	_ = 	snop;
	(pc) =	sbr.rel @p0 .LBB2_1-.Ltmp4, $3  }
0x4b4: {  	_ =	sdelay $0x1  }
0x4b5: {  	[sflag:s29] =	ssyncset.done $0x0  }
0x4b6: {  	[sflag:s29] =	ssyncadd.s32 $0xFFFFC000  }
0x4b7: {  	_ =	sfence.sel $0x180000  }
0x4b8: {  	[bflag:$0x0] =	sbarrier.arrive $0xFFFF  }
0x4b9: {  	_ =	strace $0x90000047  }
0x4ba: {  	s0 =	stileid.u32;
	[bflag:$0x2] =	sbarrier.arrive $0xFFFF  }
0x4bb: {  	p0 =	sne.s32 s0, $0x0;
	s0 =	rddreg [dreg:$0x2]  }
0x4bc: {  	s0 =	sadd.s32 @!p0 $0x100000, s0  }
0x4bd: {  	[sflag:s0] =	ssyncadd.tile.s32 @!p0 $0x1;
	_ =	shalt  }
.Lfunc_end2:
_tile_overlayer_lowered:
.L_overlay_start_2:
0x4be: {  	(tag) =	ssettag $0x2  }
0x4bf: {  	s0 =	rddreg [dreg:$0x0];
	s2 =	stileid.u32  }
0x4c0: {  	s1 =	rddreg [dreg:$0x1];
	p0 =	sne.s32 s2, $0x0  }
0x4c1: {  	s3 =	rddreg [dreg:$0x2];
	[bflag:$0x3] =	sbarrier.arrive $0xFFFF;
	s2 =	simm.s32 @!p0 $0x1C09  }
0x4c2: {  	[timem:s3], [sflag:s2] =	dma.local @!p0 [hbm:s0], s1  }
0x4c3: {  	s0 =	simm.s32 @!p0 $0x9  }
0x4c4: {  	_ =	swait.ge @!p0 [sflag:s0], s1  }
0x4c5: {  	s1 =	ssub.s32 @!p0 $0x0, s1;
	[sflag:s0] =	ssyncset.done @!p0 $0x0  }
0x4c6: {  	[sflag:s0] =	ssyncadd.s32 @!p0 s1  }
0x4c7: {  	[bflag:$0x3] =	sbarrier.arrive $0xFFFF  }
0x4c8: {  	_ =	shalt  }

</sc_bundles>
